<compile_context>
chip_gen: v7x
topology: tpu7x:2x2x1
jax: 0.10.2.dev20260603
libtpu: 0.0.44.dev20260713+nightly
codegen_flags: <defaults>
</compile_context>

<pallas_src>
import functools

import jax
import jax.numpy as jnp
from jax import lax
from jax.experimental import pallas as pl
from jax.experimental.pallas import tpu as pltpu
from jax.experimental.pallas import tpu_sc as plsc

_TOP_K = 2
_ALPHA = 0.01
_TB = 512
_NC, _NS, _L = 2, 16, 16
_NW = _NC * _NS


def _gate_body(x_ref, w_ref, probs_ref, stats_ref):
    step = pl.program_id(0)
    x = x_ref[...]
    w = w_ref[...]
    logits = lax.dot_general(
        x, w, (((1,), (1,)), ((), ())), preferred_element_type=jnp.float32
    )
    m1 = jnp.max(logits, axis=-1, keepdims=True)
    ex = jnp.exp(logits - m1)
    z = jnp.sum(ex, axis=-1, keepdims=True)
    probs = ex / z
    probs_ref[...] = probs

    @pl.when(step == 0)
    def _init():
        stats_ref[...] = jnp.zeros_like(stats_ref)

    stats_ref[0:1, :] += jnp.sum(probs, axis=0, keepdims=True)


def _route_body(probs_hbm, wout_hbm, iout_hbm, cnt_hbm, pv, wv, iv, cv,
                *, n_experts, tokens_per_worker):
    wid = lax.axis_index("s") * _NC + lax.axis_index("c")
    base = wid * tokens_per_worker
    pltpu.sync_copy(
        probs_hbm.at[pl.ds(base * n_experts, tokens_per_worker * n_experts)], pv)

    for j in range(n_experts // _L):
        cv[pl.ds(j * _L, _L)] = jnp.zeros((_L,), jnp.float32)

    iota = lax.iota(jnp.int32, _L)
    ones = jnp.ones((_L,), jnp.float32)

    def group(g, carry):
        row = g * _L + iota
        pbase = row * n_experts
        m1 = plsc.load_gather(pv, [pbase])
        i1 = jnp.zeros((_L,), jnp.int32)
        m2 = jnp.full((_L,), -1.0, jnp.float32)
        i2 = jnp.zeros((_L,), jnp.int32)
        for e in range(1, n_experts):
            v = plsc.load_gather(pv, [pbase + e])
            gt1 = v > m1
            gt2 = v > m2
            m2 = jnp.where(gt1, m1, jnp.where(gt2, v, m2))
            i2 = jnp.where(gt1, i1, jnp.where(gt2, e, i2))
            m1 = jnp.where(gt1, v, m1)
            i1 = jnp.where(gt1, e, i1)
        denom = m1 + m2 + 1e-9
        obase = row * _TOP_K
        plsc.store_scatter(wv, [obase], m1 / denom)
        plsc.store_scatter(wv, [obase + 1], m2 / denom)
        plsc.store_scatter(iv, [obase], i1)
        plsc.store_scatter(iv, [obase + 1], i2)
        plsc.addupdate_scatter(cv, [i1], ones)
        plsc.addupdate_scatter(cv, [i2], ones)
        return carry

    lax.fori_loop(0, tokens_per_worker // _L, group, 0)

    pltpu.sync_copy(wv, wout_hbm.at[pl.ds(base * _TOP_K, tokens_per_worker * _TOP_K)])
    pltpu.sync_copy(iv, iout_hbm.at[pl.ds(base * _TOP_K, tokens_per_worker * _TOP_K)])
    pltpu.sync_copy(cv, cnt_hbm.at[wid])


def _aux_body(stats_ref, cnt_ref, aux_ref, *, n_tokens, n_experts):
    p_mean = stats_ref[0:1, :] / n_tokens
    cnt = jnp.sum(cnt_ref[...], axis=0, keepdims=True)
    f_mean = cnt / (n_tokens * _TOP_K)
    aux = _ALPHA * n_experts * jnp.sum(p_mean * f_mean)
    aux_ref[...] = jnp.broadcast_to(aux, (1, n_experts))


def kernel(hidden_states, gate_weight):
    b, s, h = hidden_states.shape
    e = gate_weight.shape[0]
    t = b * s
    x = hidden_states.reshape(t, h)

    probs, stats = pl.pallas_call(
        _gate_body,
        grid=(t // _TB,),
        in_specs=[
            pl.BlockSpec((_TB, h), lambda i: (i, 0)),
            pl.BlockSpec((e, h), lambda i: (0, 0)),
        ],
        out_specs=[
            pl.BlockSpec((_TB, e), lambda i: (i, 0)),
            pl.BlockSpec((8, e), lambda i: (0, 0)),
        ],
        out_shape=[
            jax.ShapeDtypeStruct((t, e), jnp.float32),
            jax.ShapeDtypeStruct((8, e), jnp.float32),
        ],
    )(x, gate_weight)

    tpw = t // _NW
    mesh = plsc.VectorSubcoreMesh(
        core_axis_name="c", subcore_axis_name="s",
        num_cores=_NC, num_subcores=_NS,
    )
    route = pl.kernel(
        functools.partial(_route_body, n_experts=e, tokens_per_worker=tpw),
        out_type=[
            jax.ShapeDtypeStruct((t * _TOP_K,), jnp.float32),
            jax.ShapeDtypeStruct((t * _TOP_K,), jnp.int32),
            jax.ShapeDtypeStruct((_NW, e), jnp.float32),
        ],
        mesh=mesh,
        compiler_params=pltpu.CompilerParams(needs_layout_passes=False),
        scratch_types=[
            pltpu.VMEM((tpw * e,), jnp.float32),
            pltpu.VMEM((tpw * _TOP_K,), jnp.float32),
            pltpu.VMEM((tpw * _TOP_K,), jnp.int32),
            pltpu.VMEM((e,), jnp.float32),
        ],
    )
    wout, iout, cnt = route(probs.reshape(t * e))

    aux = pl.pallas_call(
        functools.partial(_aux_body, n_tokens=t, n_experts=e),
        in_specs=[
            pl.BlockSpec((8, e), lambda: (0, 0)),
            pl.BlockSpec((_NW, e), lambda: (0, 0)),
        ],
        out_specs=pl.BlockSpec((1, e), lambda: (0, 0)),
        out_shape=jax.ShapeDtypeStruct((1, e), jnp.float32),
    )(stats, cnt)

    return (
        wout.reshape(b, s, _TOP_K),
        iout.reshape(b, s, _TOP_K).astype(jnp.int64),
        aux[0, 0],
    )

# --- scband reference (transcript-rebuilt; emitter-appended) ---
"""Pipeline reference for scband-expert-router-17927193493781 (READ-ONLY COPY).

The authoritative reference and input builder live on the scoring server;
editing this copy changes nothing except your own understanding.
"""

import jax, jax.numpy as jnp
import numpy as np

BATCH, SEQ, HID = 4, 4096, 2048
NUM_EXPERTS, TOP_K = 64, 2
LOAD_BALANCE_COEFF = 0.01


def setup_inputs(seed: int = 0) -> dict:
    key = jax.random.key(seed)
    k1, k2 = jax.random.split(key)
    hidden_states = jax.random.normal(k1, (BATCH, SEQ, HID), dtype=jnp.float32)
    # gate: nn.Linear(hidden_size, num_experts, bias=False), init std=0.02
    gate_weight = jax.random.normal(k2, (NUM_EXPERTS, HID), dtype=jnp.float32) * 0.02
    return {"hidden_states": hidden_states, "gate_weight": gate_weight}


def reference(hidden_states, gate_weight):
    # logits = gate(hidden_states): (B, S, E)
    logits = jnp.einsum('bsh,eh->bse', hidden_states, gate_weight)
    # eval mode: no jitter noise
    routing_probs = jax.nn.softmax(logits, axis=-1)
    top_k_weights, top_k_indices = jax.lax.top_k(routing_probs, TOP_K)
    top_k_weights = top_k_weights / (jnp.sum(top_k_weights, axis=-1, keepdims=True) + 1e-9)
    # auxiliary load-balancing loss: L = alpha * N * sum(f_i * P_i)
    expert_mask = jax.nn.one_hot(top_k_indices, NUM_EXPERTS, dtype=jnp.float32)  # (B,S,K,E)
    f = jnp.mean(expert_mask, axis=(0, 1, 2))      # fraction of dispatched assignments per expert
    P = jnp.mean(routing_probs, axis=(0, 1))        # mean routing probability per expert
    aux_loss = LOAD_BALANCE_COEFF * NUM_EXPERTS * jnp.sum(f * P)
    return (top_k_weights, top_k_indices.astype(jnp.int64), aux_loss)

if __name__ == "__main__":
    import jax
    _d = setup_inputs()
    print(jax.jit(kernel)(*tuple(_d.values())))

</pallas_src>

<mosaic_0001>
#map = affine_map<(d0, d1) -> (0)>
#map1 = affine_map<(d0, d1) -> (0, 0)>
module attributes {stable_mosaic.version = 14 : i64} {
  func.func @_route_body(%arg0: i32, %arg1: i32, %arg2: memref<1048576xf32, #tpu.memory_space<hbm>>, %arg3: memref<32768xf32, #tpu.memory_space<hbm>>, %arg4: memref<32768xi32, #tpu.memory_space<hbm>>, %arg5: memref<32x64xf32, #tpu.memory_space<hbm>>, %arg6: memref<32768xf32, #tpu.memory_space<vmem>>, %arg7: memref<1024xf32, #tpu.memory_space<vmem>>, %arg8: memref<1024xi32, #tpu.memory_space<vmem>>, %arg9: memref<64xf32, #tpu.memory_space<vmem>>) attributes {dimension_semantics = [#tpu.dimension_semantics<core_parallel>, #tpu.dimension_semantics<subcore_parallel>], iteration_bounds = array<i64: 2, 16>, scalar_prefetch = 0 : i64, scratch_operands = 4 : i64, tpu.core_type = #tpu.core_type<sc_vector_subcore>, window_params = [{transform_indices = #map}, {transform_indices = #map}, {transform_indices = #map}, {transform_indices = #map1}]} {
    %mul3A = arith.constant 2 : i32
    %mul3A_0 = arith.muli %arg1, %mul3A : i32
    %add3A = arith.addi %mul3A_0, %arg0 : i32
    %mul3A_1 = arith.constant 512 : i32
    %mul3A_2 = arith.muli %add3A, %mul3A_1 : i32
    %mul3A_3 = arith.constant 64 : i32
    %mul3A_4 = arith.muli %mul3A_2, %mul3A_3 : i32
    "tpu.region"() ({
      %run_scoped3A = tpu.sem_alloc : memref<!tpu.dma_semaphore, #tpu.memory_space<semaphore_mem>>
      %dma_start3A = tpu.memref_slice %arg2[%mul3A_4] : memref<1048576xf32, #tpu.memory_space<hbm>> -> memref<32768xf32, #tpu.memory_space<hbm>>
      %dma_start3A_30 = tpu.memref_slice %arg2[%mul3A_4] : memref<1048576xf32, #tpu.memory_space<hbm>> -> memref<32768xf32, #tpu.memory_space<hbm>>
      tpu.enqueue_dma source(%dma_start3A_30 : memref<32768xf32, #tpu.memory_space<hbm>>) target(%arg6 : memref<32768xf32, #tpu.memory_space<vmem>>) target_semaphore(%run_scoped3A : memref<!tpu.dma_semaphore, #tpu.memory_space<semaphore_mem>>)
      %dma_wait3A = tpu.memref_slice %arg2[%mul3A_4] : memref<1048576xf32, #tpu.memory_space<hbm>> -> memref<32768xf32, #tpu.memory_space<hbm>>
      %dma_wait3A_31 = tpu.memref_slice %arg2[%mul3A_4] : memref<1048576xf32, #tpu.memory_space<hbm>> -> memref<32768xf32, #tpu.memory_space<hbm>>
      tpu.wait_dma2 semaphore(%run_scoped3A : memref<!tpu.dma_semaphore, #tpu.memory_space<semaphore_mem>>) src(%dma_wait3A_31 : memref<32768xf32, #tpu.memory_space<hbm>>) dst(%arg6 : memref<32768xf32, #tpu.memory_space<vmem>>)
      tpu.yield
    }) : () -> ()
    %broadcast_in_dim3A = arith.constant 0.000000e+00 : f32
    %broadcast_in_dim3A_5 = vector.broadcast %broadcast_in_dim3A : f32 to vector<16xf32>
    %swap3A = arith.constant 0 : index
    %swap3A_6 = tpu.vector_load %arg9[%swap3A] {strides = array<i32>} : memref<64xf32, #tpu.memory_space<vmem>>, vector<16xf32>,
    tpu.vector_store %arg9[%swap3A], %broadcast_in_dim3A_5 {strides = array<i32>} : memref<64xf32, #tpu.memory_space<vmem>>, vector<16xf32>,
    %broadcast_in_dim3A_7 = arith.constant 0.000000e+00 : f32
    %broadcast_in_dim3A_8 = vector.broadcast %broadcast_in_dim3A_7 : f32 to vector<16xf32>
    %swap3A_9 = arith.constant 16 : index
    %swap3A_10 = tpu.vector_load %arg9[%swap3A_9] {strides = array<i32>} : memref<64xf32, #tpu.memory_space<vmem>>, vector<16xf32>,
    tpu.vector_store %arg9[%swap3A_9], %broadcast_in_dim3A_8 {strides = array<i32>} : memref<64xf32, #tpu.memory_space<vmem>>, vector<16xf32>,
    %broadcast_in_dim3A_11 = arith.constant 0.000000e+00 : f32
    %broadcast_in_dim3A_12 = vector.broadcast %broadcast_in_dim3A_11 : f32 to vector<16xf32>
    %swap3A_13 = arith.constant 32 : index
    %swap3A_14 = tpu.vector_load %arg9[%swap3A_13] {strides = array<i32>} : memref<64xf32, #tpu.memory_space<vmem>>, vector<16xf32>,
    tpu.vector_store %arg9[%swap3A_13], %broadcast_in_dim3A_12 {strides = array<i32>} : memref<64xf32, #tpu.memory_space<vmem>>, vector<16xf32>,
    %broadcast_in_dim3A_15 = arith.constant 0.000000e+00 : f32
    %broadcast_in_dim3A_16 = vector.broadcast %broadcast_in_dim3A_15 : f32 to vector<16xf32>
    %swap3A_17 = arith.constant 48 : index
    %swap3A_18 = tpu.vector_load %arg9[%swap3A_17] {strides = array<i32>} : memref<64xf32, #tpu.memory_space<vmem>>, vector<16xf32>,
    tpu.vector_store %arg9[%swap3A_17], %broadcast_in_dim3A_16 {strides = array<i32>} : memref<64xf32, #tpu.memory_space<vmem>>, vector<16xf32>,
    %iota3A = tpu.iota {dimensions = array<i32: 0>} : vector<16xi32>
    %broadcast_in_dim3A_19 = arith.constant 1.000000e+00 : f32
    %broadcast_in_dim3A_20 = vector.broadcast %broadcast_in_dim3A_19 : f32 to vector<16xf32>
    %scan3A = arith.constant 0 : i32
    %scan3A_21 = arith.constant 0 : i32
    %scan3A_22 = arith.constant 32 : i32
    %scan3A_23 = arith.addi %scan3A_21, %scan3A_22 : i32
    %scan3A_24 = arith.constant 1 : i32
    scf.for %scan3A_30 = %scan3A_21 to %scan3A_23 step %scan3A_24  : i32 {
      %mul3A_31 = arith.constant 16 : i32
      %mul3A_32 = arith.muli %scan3A_30, %mul3A_31 : i32
      %add3A_33 = vector.broadcast %mul3A_32 : i32 to vector<16xi32>
      %add3A_34 = arith.addi %add3A_33, %iota3A : vector<16xi32>
      %mul3A_35 = arith.constant 64 : i32
      %mul3A_36 = vector.broadcast %mul3A_35 : i32 to vector<16xi32>
      %mul3A_37 = arith.muli %add3A_34, %mul3A_36 : vector<16xi32>
      %gather3A = tpu.vector_load_idx %arg6[%mul3A_37] : memref<32768xf32, #tpu.memory_space<vmem>>[vector<16xi32>], vector<16xf32>,
      %broadcast_in_dim3A_38 = arith.constant 0 : i32
      %broadcast_in_dim3A_39 = vector.broadcast %broadcast_in_dim3A_38 : i32 to vector<16xi32>
      %broadcast_in_dim3A_40 = arith.constant -1.000000e+00 : f32
      %broadcast_in_dim3A_41 = vector.broadcast %broadcast_in_dim3A_40 : f32 to vector<16xf32>
      %broadcast_in_dim3A_42 = arith.constant 0 : i32
      %broadcast_in_dim3A_43 = vector.broadcast %broadcast_in_dim3A_42 : i32 to vector<16xi32>
      %add3A_44 = arith.constant 1 : i32
      %add3A_45 = vector.broadcast %add3A_44 : i32 to vector<16xi32>
      %add3A_46 = arith.addi %mul3A_37, %add3A_45 : vector<16xi32>
      %gather3A_47 = tpu.vector_load_idx %arg6[%add3A_46] : memref<32768xf32, #tpu.memory_space<vmem>>[vector<16xi32>], vector<16xf32>,
      %gt3A = arith.cmpf ogt, %gather3A_47, %gather3A : vector<16xf32>
      %gt3A_48 = arith.cmpf ogt, %gather3A_47, %broadcast_in_dim3A_41 : vector<16xf32>
      %select_n3A = arith.select %gt3A_48, %gather3A_47, %broadcast_in_dim3A_41 : vector<16xi1>, vector<16xf32>
      %select_n3A_49 = arith.select %gt3A, %gather3A, %select_n3A : vector<16xi1>, vector<16xf32>
      %jit3A = arith.constant 1 : i32
      %broadcast_in_dim3A_50 = vector.broadcast %jit3A : i32 to vector<16xi32>
      %select_n3A_51 = arith.select %gt3A_48, %broadcast_in_dim3A_50, %broadcast_in_dim3A_43 : vector<16xi1>, vector<16xi32>
      %select_n3A_52 = arith.select %gt3A, %broadcast_in_dim3A_39, %select_n3A_51 : vector<16xi1>, vector<16xi32>
      %select_n3A_53 = arith.select %gt3A, %gather3A_47, %gather3A : vector<16xi1>, vector<16xf32>
      %jit3A_54 = arith.constant 1 : i32
      %broadcast_in_dim3A_55 = vector.broadcast %jit3A_54 : i32 to vector<16xi32>
      %select_n3A_56 = arith.select %gt3A, %broadcast_in_dim3A_55, %broadcast_in_dim3A_39 : vector<16xi1>, vector<16xi32>
      %add3A_57 = arith.constant 2 : i32
      %add3A_58 = vector.broadcast %add3A_57 : i32 to vector<16xi32>
      %add3A_59 = arith.addi %mul3A_37, %add3A_58 : vector<16xi32>
      %gather3A_60 = tpu.vector_load_idx %arg6[%add3A_59] : memref<32768xf32, #tpu.memory_space<vmem>>[vector<16xi32>], vector<16xf32>,
      %gt3A_61 = arith.cmpf ogt, %gather3A_60, %select_n3A_53 : vector<16xf32>
      %gt3A_62 = arith.cmpf ogt, %gather3A_60, %select_n3A_49 : vector<16xf32>
      %select_n3A_63 = arith.select %gt3A_62, %gather3A_60, %select_n3A_49 : vector<16xi1>, vector<16xf32>
      %select_n3A_64 = arith.select %gt3A_61, %select_n3A_53, %select_n3A_63 : vector<16xi1>, vector<16xf32>
      %jit3A_65 = arith.constant 2 : i32
      %broadcast_in_dim3A_66 = vector.broadcast %jit3A_65 : i32 to vector<16xi32>
      %select_n3A_67 = arith.select %gt3A_62, %broadcast_in_dim3A_66, %select_n3A_52 : vector<16xi1>, vector<16xi32>
      %select_n3A_68 = arith.select %gt3A_61, %select_n3A_56, %select_n3A_67 : vector<16xi1>, vector<16xi32>
      %select_n3A_69 = arith.select %gt3A_61, %gather3A_60, %select_n3A_53 : vector<16xi1>, vector<16xf32>
      %jit3A_70 = arith.constant 2 : i32
      %broadcast_in_dim3A_71 = vector.broadcast %jit3A_70 : i32 to vector<16xi32>
      %select_n3A_72 = arith.select %gt3A_61, %broadcast_in_dim3A_71, %select_n3A_56 : vector<16xi1>, vector<16xi32>
      %add3A_73 = arith.constant 3 : i32
      %add3A_74 = vector.broadcast %add3A_73 : i32 to vector<16xi32>
      %add3A_75 = arith.addi %mul3A_37, %add3A_74 : vector<16xi32>
      %gather3A_76 = tpu.vector_load_idx %arg6[%add3A_75] : memref<32768xf32, #tpu.memory_space<vmem>>[vector<16xi32>], vector<16xf32>,
      %gt3A_77 = arith.cmpf ogt, %gather3A_76, %select_n3A_69 : vector<16xf32>
      %gt3A_78 = arith.cmpf ogt, %gather3A_76, %select_n3A_64 : vector<16xf32>
      %select_n3A_79 = arith.select %gt3A_78, %gather3A_76, %select_n3A_64 : vector<16xi1>, vector<16xf32>
      %select_n3A_80 = arith.select %gt3A_77, %select_n3A_69, %select_n3A_79 : vector<16xi1>, vector<16xf32>
      %jit3A_81 = arith.constant 3 : i32
      %broadcast_in_dim3A_82 = vector.broadcast %jit3A_81 : i32 to vector<16xi32>
      %select_n3A_83 = arith.select %gt3A_78, %broadcast_in_dim3A_82, %select_n3A_68 : vector<16xi1>, vector<16xi32>
      %select_n3A_84 = arith.select %gt3A_77, %select_n3A_72, %select_n3A_83 : vector<16xi1>, vector<16xi32>
      %select_n3A_85 = arith.select %gt3A_77, %gather3A_76, %select_n3A_69 : vector<16xi1>, vector<16xf32>
      %jit3A_86 = arith.constant 3 : i32
      %broadcast_in_dim3A_87 = vector.broadcast %jit3A_86 : i32 to vector<16xi32>
      %select_n3A_88 = arith.select %gt3A_77, %broadcast_in_dim3A_87, %select_n3A_72 : vector<16xi1>, vector<16xi32>
      %add3A_89 = arith.constant 4 : i32
      %add3A_90 = vector.broadcast %add3A_89 : i32 to vector<16xi32>
      %add3A_91 = arith.addi %mul3A_37, %add3A_90 : vector<16xi32>
      %gather3A_92 = tpu.vector_load_idx %arg6[%add3A_91] : memref<32768xf32, #tpu.memory_space<vmem>>[vector<16xi32>], vector<16xf32>,
      %gt3A_93 = arith.cmpf ogt, %gather3A_92, %select_n3A_85 : vector<16xf32>
      %gt3A_94 = arith.cmpf ogt, %gather3A_92, %select_n3A_80 : vector<16xf32>
      %select_n3A_95 = arith.select %gt3A_94, %gather3A_92, %select_n3A_80 : vector<16xi1>, vector<16xf32>
      %select_n3A_96 = arith.select %gt3A_93, %select_n3A_85, %select_n3A_95 : vector<16xi1>, vector<16xf32>
      %jit3A_97 = arith.constant 4 : i32
      %broadcast_in_dim3A_98 = vector.broadcast %jit3A_97 : i32 to vector<16xi32>
      %select_n3A_99 = arith.select %gt3A_94, %broadcast_in_dim3A_98, %select_n3A_84 : vector<16xi1>, vector<16xi32>
      %select_n3A_100 = arith.select %gt3A_93, %select_n3A_88, %select_n3A_99 : vector<16xi1>, vector<16xi32>
      %select_n3A_101 = arith.select %gt3A_93, %gather3A_92, %select_n3A_85 : vector<16xi1>, vector<16xf32>
      %jit3A_102 = arith.constant 4 : i32
      %broadcast_in_dim3A_103 = vector.broadcast %jit3A_102 : i32 to vector<16xi32>
      %select_n3A_104 = arith.select %gt3A_93, %broadcast_in_dim3A_103, %select_n3A_88 : vector<16xi1>, vector<16xi32>
      %add3A_105 = arith.constant 5 : i32
      %add3A_106 = vector.broadcast %add3A_105 : i32 to vector<16xi32>
      %add3A_107 = arith.addi %mul3A_37, %add3A_106 : vector<16xi32>
      %gather3A_108 = tpu.vector_load_idx %arg6[%add3A_107] : memref<32768xf32, #tpu.memory_space<vmem>>[vector<16xi32>], vector<16xf32>,
      %gt3A_109 = arith.cmpf ogt, %gather3A_108, %select_n3A_101 : vector<16xf32>
      %gt3A_110 = arith.cmpf ogt, %gather3A_108, %select_n3A_96 : vector<16xf32>
      %select_n3A_111 = arith.select %gt3A_110, %gather3A_108, %select_n3A_96 : vector<16xi1>, vector<16xf32>
      %select_n3A_112 = arith.select %gt3A_109, %select_n3A_101, %select_n3A_111 : vector<16xi1>, vector<16xf32>
      %jit3A_113 = arith.constant 5 : i32
      %broadcast_in_dim3A_114 = vector.broadcast %jit3A_113 : i32 to vector<16xi32>
      %select_n3A_115 = arith.select %gt3A_110, %broadcast_in_dim3A_114, %select_n3A_100 : vector<16xi1>, vector<16xi32>
      %select_n3A_116 = arith.select %gt3A_109, %select_n3A_104, %select_n3A_115 : vector<16xi1>, vector<16xi32>
      %select_n3A_117 = arith.select %gt3A_109, %gather3A_108, %select_n3A_101 : vector<16xi1>, vector<16xf32>
      %jit3A_118 = arith.constant 5 : i32
      %broadcast_in_dim3A_119 = vector.broadcast %jit3A_118 : i32 to vector<16xi32>
      %select_n3A_120 = arith.select %gt3A_109, %broadcast_in_dim3A_119, %select_n3A_104 : vector<16xi1>, vector<16xi32>
      %add3A_121 = arith.constant 6 : i32
      %add3A_122 = vector.broadcast %add3A_121 : i32 to vector<16xi32>
      %add3A_123 = arith.addi %mul3A_37, %add3A_122 : vector<16xi32>
      %gather3A_124 = tpu.vector_load_idx %arg6[%add3A_123] : memref<32768xf32, #tpu.memory_space<vmem>>[vector<16xi32>], vector<16xf32>,
      %gt3A_125 = arith.cmpf ogt, %gather3A_124, %select_n3A_117 : vector<16xf32>
      %gt3A_126 = arith.cmpf ogt, %gather3A_124, %select_n3A_112 : vector<16xf32>
      %select_n3A_127 = arith.select %gt3A_126, %gather3A_124, %select_n3A_112 : vector<16xi1>, vector<16xf32>
      %select_n3A_128 = arith.select %gt3A_125, %select_n3A_117, %select_n3A_127 : vector<16xi1>, vector<16xf32>
      %jit3A_129 = arith.constant 6 : i32
      %broadcast_in_dim3A_130 = vector.broadcast %jit3A_129 : i32 to vector<16xi32>
      %select_n3A_131 = arith.select %gt3A_126, %broadcast_in_dim3A_130, %select_n3A_116 : vector<16xi1>, vector<16xi32>
      %select_n3A_132 = arith.select %gt3A_125, %select_n3A_120, %select_n3A_131 : vector<16xi1>, vector<16xi32>
      %select_n3A_133 = arith.select %gt3A_125, %gather3A_124, %select_n3A_117 : vector<16xi1>, vector<16xf32>
      %jit3A_134 = arith.constant 6 : i32
      %broadcast_in_dim3A_135 = vector.broadcast %jit3A_134 : i32 to vector<16xi32>
      %select_n3A_136 = arith.select %gt3A_125, %broadcast_in_dim3A_135, %select_n3A_120 : vector<16xi1>, vector<16xi32>
      %add3A_137 = arith.constant 7 : i32
      %add3A_138 = vector.broadcast %add3A_137 : i32 to vector<16xi32>
      %add3A_139 = arith.addi %mul3A_37, %add3A_138 : vector<16xi32>
      %gather3A_140 = tpu.vector_load_idx %arg6[%add3A_139] : memref<32768xf32, #tpu.memory_space<vmem>>[vector<16xi32>], vector<16xf32>,
      %gt3A_141 = arith.cmpf ogt, %gather3A_140, %select_n3A_133 : vector<16xf32>
      %gt3A_142 = arith.cmpf ogt, %gather3A_140, %select_n3A_128 : vector<16xf32>
      %select_n3A_143 = arith.select %gt3A_142, %gather3A_140, %select_n3A_128 : vector<16xi1>, vector<16xf32>
      %select_n3A_144 = arith.select %gt3A_141, %select_n3A_133, %select_n3A_143 : vector<16xi1>, vector<16xf32>
      %jit3A_145 = arith.constant 7 : i32
      %broadcast_in_dim3A_146 = vector.broadcast %jit3A_145 : i32 to vector<16xi32>
      %select_n3A_147 = arith.select %gt3A_142, %broadcast_in_dim3A_146, %select_n3A_132 : vector<16xi1>, vector<16xi32>
      %select_n3A_148 = arith.select %gt3A_141, %select_n3A_136, %select_n3A_147 : vector<16xi1>, vector<16xi32>
      %select_n3A_149 = arith.select %gt3A_141, %gather3A_140, %select_n3A_133 : vector<16xi1>, vector<16xf32>
      %jit3A_150 = arith.constant 7 : i32
      %broadcast_in_dim3A_151 = vector.broadcast %jit3A_150 : i32 to vector<16xi32>
      %select_n3A_152 = arith.select %gt3A_141, %broadcast_in_dim3A_151, %select_n3A_136 : vector<16xi1>, vector<16xi32>
      %add3A_153 = arith.constant 8 : i32
      %add3A_154 = vector.broadcast %add3A_153 : i32 to vector<16xi32>
      %add3A_155 = arith.addi %mul3A_37, %add3A_154 : vector<16xi32>
      %gather3A_156 = tpu.vector_load_idx %arg6[%add3A_155] : memref<32768xf32, #tpu.memory_space<vmem>>[vector<16xi32>], vector<16xf32>,
      %gt3A_157 = arith.cmpf ogt, %gather3A_156, %select_n3A_149 : vector<16xf32>
      %gt3A_158 = arith.cmpf ogt, %gather3A_156, %select_n3A_144 : vector<16xf32>
      %select_n3A_159 = arith.select %gt3A_158, %gather3A_156, %select_n3A_144 : vector<16xi1>, vector<16xf32>
      %select_n3A_160 = arith.select %gt3A_157, %select_n3A_149, %select_n3A_159 : vector<16xi1>, vector<16xf32>
      %jit3A_161 = arith.constant 8 : i32
      %broadcast_in_dim3A_162 = vector.broadcast %jit3A_161 : i32 to vector<16xi32>
      %select_n3A_163 = arith.select %gt3A_158, %broadcast_in_dim3A_162, %select_n3A_148 : vector<16xi1>, vector<16xi32>
      %select_n3A_164 = arith.select %gt3A_157, %select_n3A_152, %select_n3A_163 : vector<16xi1>, vector<16xi32>
      %select_n3A_165 = arith.select %gt3A_157, %gather3A_156, %select_n3A_149 : vector<16xi1>, vector<16xf32>
      %jit3A_166 = arith.constant 8 : i32
      %broadcast_in_dim3A_167 = vector.broadcast %jit3A_166 : i32 to vector<16xi32>
      %select_n3A_168 = arith.select %gt3A_157, %broadcast_in_dim3A_167, %select_n3A_152 : vector<16xi1>, vector<16xi32>
      %add3A_169 = arith.constant 9 : i32
      %add3A_170 = vector.broadcast %add3A_169 : i32 to vector<16xi32>
      %add3A_171 = arith.addi %mul3A_37, %add3A_170 : vector<16xi32>
      %gather3A_172 = tpu.vector_load_idx %arg6[%add3A_171] : memref<32768xf32, #tpu.memory_space<vmem>>[vector<16xi32>], vector<16xf32>,
      %gt3A_173 = arith.cmpf ogt, %gather3A_172, %select_n3A_165 : vector<16xf32>
      %gt3A_174 = arith.cmpf ogt, %gather3A_172, %select_n3A_160 : vector<16xf32>
      %select_n3A_175 = arith.select %gt3A_174, %gather3A_172, %select_n3A_160 : vector<16xi1>, vector<16xf32>
      %select_n3A_176 = arith.select %gt3A_173, %select_n3A_165, %select_n3A_175 : vector<16xi1>, vector<16xf32>
      %jit3A_177 = arith.constant 9 : i32
      %broadcast_in_dim3A_178 = vector.broadcast %jit3A_177 : i32 to vector<16xi32>
      %select_n3A_179 = arith.select %gt3A_174, %broadcast_in_dim3A_178, %select_n3A_164 : vector<16xi1>, vector<16xi32>
      %select_n3A_180 = arith.select %gt3A_173, %select_n3A_168, %select_n3A_179 : vector<16xi1>, vector<16xi32>
      %select_n3A_181 = arith.select %gt3A_173, %gather3A_172, %select_n3A_165 : vector<16xi1>, vector<16xf32>
      %jit3A_182 = arith.constant 9 : i32
      %broadcast_in_dim3A_183 = vector.broadcast %jit3A_182 : i32 to vector<16xi32>
      %select_n3A_184 = arith.select %gt3A_173, %broadcast_in_dim3A_183, %select_n3A_168 : vector<16xi1>, vector<16xi32>
      %add3A_185 = arith.constant 10 : i32
      %add3A_186 = vector.broadcast %add3A_185 : i32 to vector<16xi32>
      %add3A_187 = arith.addi %mul3A_37, %add3A_186 : vector<16xi32>
      %gather3A_188 = tpu.vector_load_idx %arg6[%add3A_187] : memref<32768xf32, #tpu.memory_space<vmem>>[vector<16xi32>], vector<16xf32>,
      %gt3A_189 = arith.cmpf ogt, %gather3A_188, %select_n3A_181 : vector<16xf32>
      %gt3A_190 = arith.cmpf ogt, %gather3A_188, %select_n3A_176 : vector<16xf32>
      %select_n3A_191 = arith.select %gt3A_190, %gather3A_188, %select_n3A_176 : vector<16xi1>, vector<16xf32>
      %select_n3A_192 = arith.select %gt3A_189, %select_n3A_181, %select_n3A_191 : vector<16xi1>, vector<16xf32>
      %jit3A_193 = arith.constant 10 : i32
      %broadcast_in_dim3A_194 = vector.broadcast %jit3A_193 : i32 to vector<16xi32>
      %select_n3A_195 = arith.select %gt3A_190, %broadcast_in_dim3A_194, %select_n3A_180 : vector<16xi1>, vector<16xi32>
      %select_n3A_196 = arith.select %gt3A_189, %select_n3A_184, %select_n3A_195 : vector<16xi1>, vector<16xi32>
      %select_n3A_197 = arith.select %gt3A_189, %gather3A_188, %select_n3A_181 : vector<16xi1>, vector<16xf32>
      %jit3A_198 = arith.constant 10 : i32
      %broadcast_in_dim3A_199 = vector.broadcast %jit3A_198 : i32 to vector<16xi32>
      %select_n3A_200 = arith.select %gt3A_189, %broadcast_in_dim3A_199, %select_n3A_184 : vector<16xi1>, vector<16xi32>
      %add3A_201 = arith.constant 11 : i32
      %add3A_202 = vector.broadcast %add3A_201 : i32 to vector<16xi32>
      %add3A_203 = arith.addi %mul3A_37, %add3A_202 : vector<16xi32>
      %gather3A_204 = tpu.vector_load_idx %arg6[%add3A_203] : memref<32768xf32, #tpu.memory_space<vmem>>[vector<16xi32>], vector<16xf32>,
      %gt3A_205 = arith.cmpf ogt, %gather3A_204, %select_n3A_197 : vector<16xf32>
      %gt3A_206 = arith.cmpf ogt, %gather3A_204, %select_n3A_192 : vector<16xf32>
      %select_n3A_207 = arith.select %gt3A_206, %gather3A_204, %select_n3A_192 : vector<16xi1>, vector<16xf32>
      %select_n3A_208 = arith.select %gt3A_205, %select_n3A_197, %select_n3A_207 : vector<16xi1>, vector<16xf32>
      %jit3A_209 = arith.constant 11 : i32
      %broadcast_in_dim3A_210 = vector.broadcast %jit3A_209 : i32 to vector<16xi32>
      %select_n3A_211 = arith.select %gt3A_206, %broadcast_in_dim3A_210, %select_n3A_196 : vector<16xi1>, vector<16xi32>
      %select_n3A_212 = arith.select %gt3A_205, %select_n3A_200, %select_n3A_211 : vector<16xi1>, vector<16xi32>
      %select_n3A_213 = arith.select %gt3A_205, %gather3A_204, %select_n3A_197 : vector<16xi1>, vector<16xf32>
      %jit3A_214 = arith.constant 11 : i32
      %broadcast_in_dim3A_215 = vector.broadcast %jit3A_214 : i32 to vector<16xi32>
      %select_n3A_216 = arith.select %gt3A_205, %broadcast_in_dim3A_215, %select_n3A_200 : vector<16xi1>, vector<16xi32>
      %add3A_217 = arith.constant 12 : i32
      %add3A_218 = vector.broadcast %add3A_217 : i32 to vector<16xi32>
      %add3A_219 = arith.addi %mul3A_37, %add3A_218 : vector<16xi32>
      %gather3A_220 = tpu.vector_load_idx %arg6[%add3A_219] : memref<32768xf32, #tpu.memory_space<vmem>>[vector<16xi32>], vector<16xf32>,
      %gt3A_221 = arith.cmpf ogt, %gather3A_220, %select_n3A_213 : vector<16xf32>
      %gt3A_222 = arith.cmpf ogt, %gather3A_220, %select_n3A_208 : vector<16xf32>
      %select_n3A_223 = arith.select %gt3A_222, %gather3A_220, %select_n3A_208 : vector<16xi1>, vector<16xf32>
      %select_n3A_224 = arith.select %gt3A_221, %select_n3A_213, %select_n3A_223 : vector<16xi1>, vector<16xf32>
      %jit3A_225 = arith.constant 12 : i32
      %broadcast_in_dim3A_226 = vector.broadcast %jit3A_225 : i32 to vector<16xi32>
      %select_n3A_227 = arith.select %gt3A_222, %broadcast_in_dim3A_226, %select_n3A_212 : vector<16xi1>, vector<16xi32>
      %select_n3A_228 = arith.select %gt3A_221, %select_n3A_216, %select_n3A_227 : vector<16xi1>, vector<16xi32>
      %select_n3A_229 = arith.select %gt3A_221, %gather3A_220, %select_n3A_213 : vector<16xi1>, vector<16xf32>
      %jit3A_230 = arith.constant 12 : i32
      %broadcast_in_dim3A_231 = vector.broadcast %jit3A_230 : i32 to vector<16xi32>
      %select_n3A_232 = arith.select %gt3A_221, %broadcast_in_dim3A_231, %select_n3A_216 : vector<16xi1>, vector<16xi32>
      %add3A_233 = arith.constant 13 : i32
      %add3A_234 = vector.broadcast %add3A_233 : i32 to vector<16xi32>
      %add3A_235 = arith.addi %mul3A_37, %add3A_234 : vector<16xi32>
      %gather3A_236 = tpu.vector_load_idx %arg6[%add3A_235] : memref<32768xf32, #tpu.memory_space<vmem>>[vector<16xi32>], vector<16xf32>,
      %gt3A_237 = arith.cmpf ogt, %gather3A_236, %select_n3A_229 : vector<16xf32>
      %gt3A_238 = arith.cmpf ogt, %gather3A_236, %select_n3A_224 : vector<16xf32>
      %select_n3A_239 = arith.select %gt3A_238, %gather3A_236, %select_n3A_224 : vector<16xi1>, vector<16xf32>
      %select_n3A_240 = arith.select %gt3A_237, %select_n3A_229, %select_n3A_239 : vector<16xi1>, vector<16xf32>
      %jit3A_241 = arith.constant 13 : i32
      %broadcast_in_dim3A_242 = vector.broadcast %jit3A_241 : i32 to vector<16xi32>
      %select_n3A_243 = arith.select %gt3A_238, %broadcast_in_dim3A_242, %select_n3A_228 : vector<16xi1>, vector<16xi32>
      %select_n3A_244 = arith.select %gt3A_237, %select_n3A_232, %select_n3A_243 : vector<16xi1>, vector<16xi32>
      %select_n3A_245 = arith.select %gt3A_237, %gather3A_236, %select_n3A_229 : vector<16xi1>, vector<16xf32>
      %jit3A_246 = arith.constant 13 : i32
      %broadcast_in_dim3A_247 = vector.broadcast %jit3A_246 : i32 to vector<16xi32>
      %select_n3A_248 = arith.select %gt3A_237, %broadcast_in_dim3A_247, %select_n3A_232 : vector<16xi1>, vector<16xi32>
      %add3A_249 = arith.constant 14 : i32
      %add3A_250 = vector.broadcast %add3A_249 : i32 to vector<16xi32>
      %add3A_251 = arith.addi %mul3A_37, %add3A_250 : vector<16xi32>
      %gather3A_252 = tpu.vector_load_idx %arg6[%add3A_251] : memref<32768xf32, #tpu.memory_space<vmem>>[vector<16xi32>], vector<16xf32>,
      %gt3A_253 = arith.cmpf ogt, %gather3A_252, %select_n3A_245 : vector<16xf32>
      %gt3A_254 = arith.cmpf ogt, %gather3A_252, %select_n3A_240 : vector<16xf32>
      %select_n3A_255 = arith.select %gt3A_254, %gather3A_252, %select_n3A_240 : vector<16xi1>, vector<16xf32>
      %select_n3A_256 = arith.select %gt3A_253, %select_n3A_245, %select_n3A_255 : vector<16xi1>, vector<16xf32>
      %jit3A_257 = arith.constant 14 : i32
      %broadcast_in_dim3A_258 = vector.broadcast %jit3A_257 : i32 to vector<16xi32>
      %select_n3A_259 = arith.select %gt3A_254, %broadcast_in_dim3A_258, %select_n3A_244 : vector<16xi1>, vector<16xi32>
      %select_n3A_260 = arith.select %gt3A_253, %select_n3A_248, %select_n3A_259 : vector<16xi1>, vector<16xi32>
      %select_n3A_261 = arith.select %gt3A_253, %gather3A_252, %select_n3A_245 : vector<16xi1>, vector<16xf32>
      %jit3A_262 = arith.constant 14 : i32
      %broadcast_in_dim3A_263 = vector.broadcast %jit3A_262 : i32 to vector<16xi32>
      %select_n3A_264 = arith.select %gt3A_253, %broadcast_in_dim3A_263, %select_n3A_248 : vector<16xi1>, vector<16xi32>
      %add3A_265 = arith.constant 15 : i32
      %add3A_266 = vector.broadcast %add3A_265 : i32 to vector<16xi32>
      %add3A_267 = arith.addi %mul3A_37, %add3A_266 : vector<16xi32>
      %gather3A_268 = tpu.vector_load_idx %arg6[%add3A_267] : memref<32768xf32, #tpu.memory_space<vmem>>[vector<16xi32>], vector<16xf32>,
      %gt3A_269 = arith.cmpf ogt, %gather3A_268, %select_n3A_261 : vector<16xf32>
      %gt3A_270 = arith.cmpf ogt, %gather3A_268, %select_n3A_256 : vector<16xf32>
      %select_n3A_271 = arith.select %gt3A_270, %gather3A_268, %select_n3A_256 : vector<16xi1>, vector<16xf32>
      %select_n3A_272 = arith.select %gt3A_269, %select_n3A_261, %select_n3A_271 : vector<16xi1>, vector<16xf32>
      %jit3A_273 = arith.constant 15 : i32
      %broadcast_in_dim3A_274 = vector.broadcast %jit3A_273 : i32 to vector<16xi32>
      %select_n3A_275 = arith.select %gt3A_270, %broadcast_in_dim3A_274, %select_n3A_260 : vector<16xi1>, vector<16xi32>
      %select_n3A_276 = arith.select %gt3A_269, %select_n3A_264, %select_n3A_275 : vector<16xi1>, vector<16xi32>
      %select_n3A_277 = arith.select %gt3A_269, %gather3A_268, %select_n3A_261 : vector<16xi1>, vector<16xf32>
      %jit3A_278 = arith.constant 15 : i32
      %broadcast_in_dim3A_279 = vector.broadcast %jit3A_278 : i32 to vector<16xi32>
      %select_n3A_280 = arith.select %gt3A_269, %broadcast_in_dim3A_279, %select_n3A_264 : vector<16xi1>, vector<16xi32>
      %add3A_281 = arith.constant 16 : i32
      %add3A_282 = vector.broadcast %add3A_281 : i32 to vector<16xi32>
      %add3A_283 = arith.addi %mul3A_37, %add3A_282 : vector<16xi32>
      %gather3A_284 = tpu.vector_load_idx %arg6[%add3A_283] : memref<32768xf32, #tpu.memory_space<vmem>>[vector<16xi32>], vector<16xf32>,
      %gt3A_285 = arith.cmpf ogt, %gather3A_284, %select_n3A_277 : vector<16xf32>
      %gt3A_286 = arith.cmpf ogt, %gather3A_284, %select_n3A_272 : vector<16xf32>
      %select_n3A_287 = arith.select %gt3A_286, %gather3A_284, %select_n3A_272 : vector<16xi1>, vector<16xf32>
      %select_n3A_288 = arith.select %gt3A_285, %select_n3A_277, %select_n3A_287 : vector<16xi1>, vector<16xf32>
      %jit3A_289 = arith.constant 16 : i32
      %broadcast_in_dim3A_290 = vector.broadcast %jit3A_289 : i32 to vector<16xi32>
      %select_n3A_291 = arith.select %gt3A_286, %broadcast_in_dim3A_290, %select_n3A_276 : vector<16xi1>, vector<16xi32>
      %select_n3A_292 = arith.select %gt3A_285, %select_n3A_280, %select_n3A_291 : vector<16xi1>, vector<16xi32>
      %select_n3A_293 = arith.select %gt3A_285, %gather3A_284, %select_n3A_277 : vector<16xi1>, vector<16xf32>
      %jit3A_294 = arith.constant 16 : i32
      %broadcast_in_dim3A_295 = vector.broadcast %jit3A_294 : i32 to vector<16xi32>
      %select_n3A_296 = arith.select %gt3A_285, %broadcast_in_dim3A_295, %select_n3A_280 : vector<16xi1>, vector<16xi32>
      %add3A_297 = arith.constant 17 : i32
      %add3A_298 = vector.broadcast %add3A_297 : i32 to vector<16xi32>
      %add3A_299 = arith.addi %mul3A_37, %add3A_298 : vector<16xi32>
      %gather3A_300 = tpu.vector_load_idx %arg6[%add3A_299] : memref<32768xf32, #tpu.memory_space<vmem>>[vector<16xi32>], vector<16xf32>,
      %gt3A_301 = arith.cmpf ogt, %gather3A_300, %select_n3A_293 : vector<16xf32>
      %gt3A_302 = arith.cmpf ogt, %gather3A_300, %select_n3A_288 : vector<16xf32>
      %select_n3A_303 = arith.select %gt3A_302, %gather3A_300, %select_n3A_288 : vector<16xi1>, vector<16xf32>
      %select_n3A_304 = arith.select %gt3A_301, %select_n3A_293, %select_n3A_303 : vector<16xi1>, vector<16xf32>
      %jit3A_305 = arith.constant 17 : i32
      %broadcast_in_dim3A_306 = vector.broadcast %jit3A_305 : i32 to vector<16xi32>
      %select_n3A_307 = arith.select %gt3A_302, %broadcast_in_dim3A_306, %select_n3A_292 : vector<16xi1>, vector<16xi32>
      %select_n3A_308 = arith.select %gt3A_301, %select_n3A_296, %select_n3A_307 : vector<16xi1>, vector<16xi32>
      %select_n3A_309 = arith.select %gt3A_301, %gather3A_300, %select_n3A_293 : vector<16xi1>, vector<16xf32>
      %jit3A_310 = arith.constant 17 : i32
      %broadcast_in_dim3A_311 = vector.broadcast %jit3A_310 : i32 to vector<16xi32>
      %select_n3A_312 = arith.select %gt3A_301, %broadcast_in_dim3A_311, %select_n3A_296 : vector<16xi1>, vector<16xi32>
      %add3A_313 = arith.constant 18 : i32
      %add3A_314 = vector.broadcast %add3A_313 : i32 to vector<16xi32>
      %add3A_315 = arith.addi %mul3A_37, %add3A_314 : vector<16xi32>
      %gather3A_316 = tpu.vector_load_idx %arg6[%add3A_315] : memref<32768xf32, #tpu.memory_space<vmem>>[vector<16xi32>], vector<16xf32>,
      %gt3A_317 = arith.cmpf ogt, %gather3A_316, %select_n3A_309 : vector<16xf32>
      %gt3A_318 = arith.cmpf ogt, %gather3A_316, %select_n3A_304 : vector<16xf32>
      %select_n3A_319 = arith.select %gt3A_318, %gather3A_316, %select_n3A_304 : vector<16xi1>, vector<16xf32>
      %select_n3A_320 = arith.select %gt3A_317, %select_n3A_309, %select_n3A_319 : vector<16xi1>, vector<16xf32>
      %jit3A_321 = arith.constant 18 : i32
      %broadcast_in_dim3A_322 = vector.broadcast %jit3A_321 : i32 to vector<16xi32>
      %select_n3A_323 = arith.select %gt3A_318, %broadcast_in_dim3A_322, %select_n3A_308 : vector<16xi1>, vector<16xi32>
      %select_n3A_324 = arith.select %gt3A_317, %select_n3A_312, %select_n3A_323 : vector<16xi1>, vector<16xi32>
      %select_n3A_325 = arith.select %gt3A_317, %gather3A_316, %select_n3A_309 : vector<16xi1>, vector<16xf32>
      %jit3A_326 = arith.constant 18 : i32
      %broadcast_in_dim3A_327 = vector.broadcast %jit3A_326 : i32 to vector<16xi32>
      %select_n3A_328 = arith.select %gt3A_317, %broadcast_in_dim3A_327, %select_n3A_312 : vector<16xi1>, vector<16xi32>
      %add3A_329 = arith.constant 19 : i32
      %add3A_330 = vector.broadcast %add3A_329 : i32 to vector<16xi32>
      %add3A_331 = arith.addi %mul3A_37, %add3A_330 : vector<16xi32>
      %gather3A_332 = tpu.vector_load_idx %arg6[%add3A_331] : memref<32768xf32, #tpu.memory_space<vmem>>[vector<16xi32>], vector<16xf32>,
      %gt3A_333 = arith.cmpf ogt, %gather3A_332, %select_n3A_325 : vector<16xf32>
      %gt3A_334 = arith.cmpf ogt, %gather3A_332, %select_n3A_320 : vector<16xf32>
      %select_n3A_335 = arith.select %gt3A_334, %gather3A_332, %select_n3A_320 : vector<16xi1>, vector<16xf32>
      %select_n3A_336 = arith.select %gt3A_333, %select_n3A_325, %select_n3A_335 : vector<16xi1>, vector<16xf32>
      %jit3A_337 = arith.constant 19 : i32
      %broadcast_in_dim3A_338 = vector.broadcast %jit3A_337 : i32 to vector<16xi32>
      %select_n3A_339 = arith.select %gt3A_334, %broadcast_in_dim3A_338, %select_n3A_324 : vector<16xi1>, vector<16xi32>
      %select_n3A_340 = arith.select %gt3A_333, %select_n3A_328, %select_n3A_339 : vector<16xi1>, vector<16xi32>
      %select_n3A_341 = arith.select %gt3A_333, %gather3A_332, %select_n3A_325 : vector<16xi1>, vector<16xf32>
      %jit3A_342 = arith.constant 19 : i32
      %broadcast_in_dim3A_343 = vector.broadcast %jit3A_342 : i32 to vector<16xi32>
      %select_n3A_344 = arith.select %gt3A_333, %broadcast_in_dim3A_343, %select_n3A_328 : vector<16xi1>, vector<16xi32>
      %add3A_345 = arith.constant 20 : i32
      %add3A_346 = vector.broadcast %add3A_345 : i32 to vector<16xi32>
      %add3A_347 = arith.addi %mul3A_37, %add3A_346 : vector<16xi32>
      %gather3A_348 = tpu.vector_load_idx %arg6[%add3A_347] : memref<32768xf32, #tpu.memory_space<vmem>>[vector<16xi32>], vector<16xf32>,
      %gt3A_349 = arith.cmpf ogt, %gather3A_348, %select_n3A_341 : vector<16xf32>
      %gt3A_350 = arith.cmpf ogt, %gather3A_348, %select_n3A_336 : vector<16xf32>
      %select_n3A_351 = arith.select %gt3A_350, %gather3A_348, %select_n3A_336 : vector<16xi1>, vector<16xf32>
      %select_n3A_352 = arith.select %gt3A_349, %select_n3A_341, %select_n3A_351 : vector<16xi1>, vector<16xf32>
      %jit3A_353 = arith.constant 20 : i32
      %broadcast_in_dim3A_354 = vector.broadcast %jit3A_353 : i32 to vector<16xi32>
      %select_n3A_355 = arith.select %gt3A_350, %broadcast_in_dim3A_354, %select_n3A_340 : vector<16xi1>, vector<16xi32>
      %select_n3A_356 = arith.select %gt3A_349, %select_n3A_344, %select_n3A_355 : vector<16xi1>, vector<16xi32>
      %select_n3A_357 = arith.select %gt3A_349, %gather3A_348, %select_n3A_341 : vector<16xi1>, vector<16xf32>
      %jit3A_358 = arith.constant 20 : i32
      %broadcast_in_dim3A_359 = vector.broadcast %jit3A_358 : i32 to vector<16xi32>
      %select_n3A_360 = arith.select %gt3A_349, %broadcast_in_dim3A_359, %select_n3A_344 : vector<16xi1>, vector<16xi32>
      %add3A_361 = arith.constant 21 : i32
      %add3A_362 = vector.broadcast %add3A_361 : i32 to vector<16xi32>
      %add3A_363 = arith.addi %mul3A_37, %add3A_362 : vector<16xi32>
      %gather3A_364 = tpu.vector_load_idx %arg6[%add3A_363] : memref<32768xf32, #tpu.memory_space<vmem>>[vector<16xi32>], vector<16xf32>,
      %gt3A_365 = arith.cmpf ogt, %gather3A_364, %select_n3A_357 : vector<16xf32>
      %gt3A_366 = arith.cmpf ogt, %gather3A_364, %select_n3A_352 : vector<16xf32>
      %select_n3A_367 = arith.select %gt3A_366, %gather3A_364, %select_n3A_352 : vector<16xi1>, vector<16xf32>
      %select_n3A_368 = arith.select %gt3A_365, %select_n3A_357, %select_n3A_367 : vector<16xi1>, vector<16xf32>
      %jit3A_369 = arith.constant 21 : i32
      %broadcast_in_dim3A_370 = vector.broadcast %jit3A_369 : i32 to vector<16xi32>
      %select_n3A_371 = arith.select %gt3A_366, %broadcast_in_dim3A_370, %select_n3A_356 : vector<16xi1>, vector<16xi32>
      %select_n3A_372 = arith.select %gt3A_365, %select_n3A_360, %select_n3A_371 : vector<16xi1>, vector<16xi32>
      %select_n3A_373 = arith.select %gt3A_365, %gather3A_364, %select_n3A_357 : vector<16xi1>, vector<16xf32>
      %jit3A_374 = arith.constant 21 : i32
      %broadcast_in_dim3A_375 = vector.broadcast %jit3A_374 : i32 to vector<16xi32>
      %select_n3A_376 = arith.select %gt3A_365, %broadcast_in_dim3A_375, %select_n3A_360 : vector<16xi1>, vector<16xi32>
      %add3A_377 = arith.constant 22 : i32
      %add3A_378 = vector.broadcast %add3A_377 : i32 to vector<16xi32>
      %add3A_379 = arith.addi %mul3A_37, %add3A_378 : vector<16xi32>
      %gather3A_380 = tpu.vector_load_idx %arg6[%add3A_379] : memref<32768xf32, #tpu.memory_space<vmem>>[vector<16xi32>], vector<16xf32>,
      %gt3A_381 = arith.cmpf ogt, %gather3A_380, %select_n3A_373 : vector<16xf32>
      %gt3A_382 = arith.cmpf ogt, %gather3A_380, %select_n3A_368 : vector<16xf32>
      %select_n3A_383 = arith.select %gt3A_382, %gather3A_380, %select_n3A_368 : vector<16xi1>, vector<16xf32>
      %select_n3A_384 = arith.select %gt3A_381, %select_n3A_373, %select_n3A_383 : vector<16xi1>, vector<16xf32>
      %jit3A_385 = arith.constant 22 : i32
      %broadcast_in_dim3A_386 = vector.broadcast %jit3A_385 : i32 to vector<16xi32>
      %select_n3A_387 = arith.select %gt3A_382, %broadcast_in_dim3A_386, %select_n3A_372 : vector<16xi1>, vector<16xi32>
      %select_n3A_388 = arith.select %gt3A_381, %select_n3A_376, %select_n3A_387 : vector<16xi1>, vector<16xi32>
      %select_n3A_389 = arith.select %gt3A_381, %gather3A_380, %select_n3A_373 : vector<16xi1>, vector<16xf32>
      %jit3A_390 = arith.constant 22 : i32
      %broadcast_in_dim3A_391 = vector.broadcast %jit3A_390 : i32 to vector<16xi32>
      %select_n3A_392 = arith.select %gt3A_381, %broadcast_in_dim3A_391, %select_n3A_376 : vector<16xi1>, vector<16xi32>
      %add3A_393 = arith.constant 23 : i32
      %add3A_394 = vector.broadcast %add3A_393 : i32 to vector<16xi32>
      %add3A_395 = arith.addi %mul3A_37, %add3A_394 : vector<16xi32>
      %gather3A_396 = tpu.vector_load_idx %arg6[%add3A_395] : memref<32768xf32, #tpu.memory_space<vmem>>[vector<16xi32>], vector<16xf32>,
      %gt3A_397 = arith.cmpf ogt, %gather3A_396, %select_n3A_389 : vector<16xf32>
      %gt3A_398 = arith.cmpf ogt, %gather3A_396, %select_n3A_384 : vector<16xf32>
      %select_n3A_399 = arith.select %gt3A_398, %gather3A_396, %select_n3A_384 : vector<16xi1>, vector<16xf32>
      %select_n3A_400 = arith.select %gt3A_397, %select_n3A_389, %select_n3A_399 : vector<16xi1>, vector<16xf32>
      %jit3A_401 = arith.constant 23 : i32
      %broadcast_in_dim3A_402 = vector.broadcast %jit3A_401 : i32 to vector<16xi32>
      %select_n3A_403 = arith.select %gt3A_398, %broadcast_in_dim3A_402, %select_n3A_388 : vector<16xi1>, vector<16xi32>
      %select_n3A_404 = arith.select %gt3A_397, %select_n3A_392, %select_n3A_403 : vector<16xi1>, vector<16xi32>
      %select_n3A_405 = arith.select %gt3A_397, %gather3A_396, %select_n3A_389 : vector<16xi1>, vector<16xf32>
      %jit3A_406 = arith.constant 23 : i32
      %broadcast_in_dim3A_407 = vector.broadcast %jit3A_406 : i32 to vector<16xi32>
      %select_n3A_408 = arith.select %gt3A_397, %broadcast_in_dim3A_407, %select_n3A_392 : vector<16xi1>, vector<16xi32>
      %add3A_409 = arith.constant 24 : i32
      %add3A_410 = vector.broadcast %add3A_409 : i32 to vector<16xi32>
      %add3A_411 = arith.addi %mul3A_37, %add3A_410 : vector<16xi32>
      %gather3A_412 = tpu.vector_load_idx %arg6[%add3A_411] : memref<32768xf32, #tpu.memory_space<vmem>>[vector<16xi32>], vector<16xf32>,
      %gt3A_413 = arith.cmpf ogt, %gather3A_412, %select_n3A_405 : vector<16xf32>
      %gt3A_414 = arith.cmpf ogt, %gather3A_412, %select_n3A_400 : vector<16xf32>
      %select_n3A_415 = arith.select %gt3A_414, %gather3A_412, %select_n3A_400 : vector<16xi1>, vector<16xf32>
      %select_n3A_416 = arith.select %gt3A_413, %select_n3A_405, %select_n3A_415 : vector<16xi1>, vector<16xf32>
      %jit3A_417 = arith.constant 24 : i32
      %broadcast_in_dim3A_418 = vector.broadcast %jit3A_417 : i32 to vector<16xi32>
      %select_n3A_419 = arith.select %gt3A_414, %broadcast_in_dim3A_418, %select_n3A_404 : vector<16xi1>, vector<16xi32>
      %select_n3A_420 = arith.select %gt3A_413, %select_n3A_408, %select_n3A_419 : vector<16xi1>, vector<16xi32>
      %select_n3A_421 = arith.select %gt3A_413, %gather3A_412, %select_n3A_405 : vector<16xi1>, vector<16xf32>
      %jit3A_422 = arith.constant 24 : i32
      %broadcast_in_dim3A_423 = vector.broadcast %jit3A_422 : i32 to vector<16xi32>
      %select_n3A_424 = arith.select %gt3A_413, %broadcast_in_dim3A_423, %select_n3A_408 : vector<16xi1>, vector<16xi32>
      %add3A_425 = arith.constant 25 : i32
      %add3A_426 = vector.broadcast %add3A_425 : i32 to vector<16xi32>
      %add3A_427 = arith.addi %mul3A_37, %add3A_426 : vector<16xi32>
      %gather3A_428 = tpu.vector_load_idx %arg6[%add3A_427] : memref<32768xf32, #tpu.memory_space<vmem>>[vector<16xi32>], vector<16xf32>,
      %gt3A_429 = arith.cmpf ogt, %gather3A_428, %select_n3A_421 : vector<16xf32>
      %gt3A_430 = arith.cmpf ogt, %gather3A_428, %select_n3A_416 : vector<16xf32>
      %select_n3A_431 = arith.select %gt3A_430, %gather3A_428, %select_n3A_416 : vector<16xi1>, vector<16xf32>
      %select_n3A_432 = arith.select %gt3A_429, %select_n3A_421, %select_n3A_431 : vector<16xi1>, vector<16xf32>
      %jit3A_433 = arith.constant 25 : i32
      %broadcast_in_dim3A_434 = vector.broadcast %jit3A_433 : i32 to vector<16xi32>
      %select_n3A_435 = arith.select %gt3A_430, %broadcast_in_dim3A_434, %select_n3A_420 : vector<16xi1>, vector<16xi32>
      %select_n3A_436 = arith.select %gt3A_429, %select_n3A_424, %select_n3A_435 : vector<16xi1>, vector<16xi32>
      %select_n3A_437 = arith.select %gt3A_429, %gather3A_428, %select_n3A_421 : vector<16xi1>, vector<16xf32>
      %jit3A_438 = arith.constant 25 : i32
      %broadcast_in_dim3A_439 = vector.broadcast %jit3A_438 : i32 to vector<16xi32>
      %select_n3A_440 = arith.select %gt3A_429, %broadcast_in_dim3A_439, %select_n3A_424 : vector<16xi1>, vector<16xi32>
      %add3A_441 = arith.constant 26 : i32
      %add3A_442 = vector.broadcast %add3A_441 : i32 to vector<16xi32>
      %add3A_443 = arith.addi %mul3A_37, %add3A_442 : vector<16xi32>
      %gather3A_444 = tpu.vector_load_idx %arg6[%add3A_443] : memref<32768xf32, #tpu.memory_space<vmem>>[vector<16xi32>], vector<16xf32>,
      %gt3A_445 = arith.cmpf ogt, %gather3A_444, %select_n3A_437 : vector<16xf32>
      %gt3A_446 = arith.cmpf ogt, %gather3A_444, %select_n3A_432 : vector<16xf32>
      %select_n3A_447 = arith.select %gt3A_446, %gather3A_444, %select_n3A_432 : vector<16xi1>, vector<16xf32>
      %select_n3A_448 = arith.select %gt3A_445, %select_n3A_437, %select_n3A_447 : vector<16xi1>, vector<16xf32>
      %jit3A_449 = arith.constant 26 : i32
      %broadcast_in_dim3A_450 = vector.broadcast %jit3A_449 : i32 to vector<16xi32>
      %select_n3A_451 = arith.select %gt3A_446, %broadcast_in_dim3A_450, %select_n3A_436 : vector<16xi1>, vector<16xi32>
      %select_n3A_452 = arith.select %gt3A_445, %select_n3A_440, %select_n3A_451 : vector<16xi1>, vector<16xi32>
      %select_n3A_453 = arith.select %gt3A_445, %gather3A_444, %select_n3A_437 : vector<16xi1>, vector<16xf32>
      %jit3A_454 = arith.constant 26 : i32
      %broadcast_in_dim3A_455 = vector.broadcast %jit3A_454 : i32 to vector<16xi32>
      %select_n3A_456 = arith.select %gt3A_445, %broadcast_in_dim3A_455, %select_n3A_440 : vector<16xi1>, vector<16xi32>
      %add3A_457 = arith.constant 27 : i32
      %add3A_458 = vector.broadcast %add3A_457 : i32 to vector<16xi32>
      %add3A_459 = arith.addi %mul3A_37, %add3A_458 : vector<16xi32>
      %gather3A_460 = tpu.vector_load_idx %arg6[%add3A_459] : memref<32768xf32, #tpu.memory_space<vmem>>[vector<16xi32>], vector<16xf32>,
      %gt3A_461 = arith.cmpf ogt, %gather3A_460, %select_n3A_453 : vector<16xf32>
      %gt3A_462 = arith.cmpf ogt, %gather3A_460, %select_n3A_448 : vector<16xf32>
      %select_n3A_463 = arith.select %gt3A_462, %gather3A_460, %select_n3A_448 : vector<16xi1>, vector<16xf32>
      %select_n3A_464 = arith.select %gt3A_461, %select_n3A_453, %select_n3A_463 : vector<16xi1>, vector<16xf32>
      %jit3A_465 = arith.constant 27 : i32
      %broadcast_in_dim3A_466 = vector.broadcast %jit3A_465 : i32 to vector<16xi32>
      %select_n3A_467 = arith.select %gt3A_462, %broadcast_in_dim3A_466, %select_n3A_452 : vector<16xi1>, vector<16xi32>
      %select_n3A_468 = arith.select %gt3A_461, %select_n3A_456, %select_n3A_467 : vector<16xi1>, vector<16xi32>
      %select_n3A_469 = arith.select %gt3A_461, %gather3A_460, %select_n3A_453 : vector<16xi1>, vector<16xf32>
      %jit3A_470 = arith.constant 27 : i32
      %broadcast_in_dim3A_471 = vector.broadcast %jit3A_470 : i32 to vector<16xi32>
      %select_n3A_472 = arith.select %gt3A_461, %broadcast_in_dim3A_471, %select_n3A_456 : vector<16xi1>, vector<16xi32>
      %add3A_473 = arith.constant 28 : i32
      %add3A_474 = vector.broadcast %add3A_473 : i32 to vector<16xi32>
      %add3A_475 = arith.addi %mul3A_37, %add3A_474 : vector<16xi32>
      %gather3A_476 = tpu.vector_load_idx %arg6[%add3A_475] : memref<32768xf32, #tpu.memory_space<vmem>>[vector<16xi32>], vector<16xf32>,
      %gt3A_477 = arith.cmpf ogt, %gather3A_476, %select_n3A_469 : vector<16xf32>
      %gt3A_478 = arith.cmpf ogt, %gather3A_476, %select_n3A_464 : vector<16xf32>
      %select_n3A_479 = arith.select %gt3A_478, %gather3A_476, %select_n3A_464 : vector<16xi1>, vector<16xf32>
      %select_n3A_480 = arith.select %gt3A_477, %select_n3A_469, %select_n3A_479 : vector<16xi1>, vector<16xf32>
      %jit3A_481 = arith.constant 28 : i32
      %broadcast_in_dim3A_482 = vector.broadcast %jit3A_481 : i32 to vector<16xi32>
      %select_n3A_483 = arith.select %gt3A_478, %broadcast_in_dim3A_482, %select_n3A_468 : vector<16xi1>, vector<16xi32>
      %select_n3A_484 = arith.select %gt3A_477, %select_n3A_472, %select_n3A_483 : vector<16xi1>, vector<16xi32>
      %select_n3A_485 = arith.select %gt3A_477, %gather3A_476, %select_n3A_469 : vector<16xi1>, vector<16xf32>
      %jit3A_486 = arith.constant 28 : i32
      %broadcast_in_dim3A_487 = vector.broadcast %jit3A_486 : i32 to vector<16xi32>
      %select_n3A_488 = arith.select %gt3A_477, %broadcast_in_dim3A_487, %select_n3A_472 : vector<16xi1>, vector<16xi32>
      %add3A_489 = arith.constant 29 : i32
      %add3A_490 = vector.broadcast %add3A_489 : i32 to vector<16xi32>
      %add3A_491 = arith.addi %mul3A_37, %add3A_490 : vector<16xi32>
      %gather3A_492 = tpu.vector_load_idx %arg6[%add3A_491] : memref<32768xf32, #tpu.memory_space<vmem>>[vector<16xi32>], vector<16xf32>,
      %gt3A_493 = arith.cmpf ogt, %gather3A_492, %select_n3A_485 : vector<16xf32>
      %gt3A_494 = arith.cmpf ogt, %gather3A_492, %select_n3A_480 : vector<16xf32>
      %select_n3A_495 = arith.select %gt3A_494, %gather3A_492, %select_n3A_480 : vector<16xi1>, vector<16xf32>
      %select_n3A_496 = arith.select %gt3A_493, %select_n3A_485, %select_n3A_495 : vector<16xi1>, vector<16xf32>
      %jit3A_497 = arith.constant 29 : i32
      %broadcast_in_dim3A_498 = vector.broadcast %jit3A_497 : i32 to vector<16xi32>
      %select_n3A_499 = arith.select %gt3A_494, %broadcast_in_dim3A_498, %select_n3A_484 : vector<16xi1>, vector<16xi32>
      %select_n3A_500 = arith.select %gt3A_493, %select_n3A_488, %select_n3A_499 : vector<16xi1>, vector<16xi32>
      %select_n3A_501 = arith.select %gt3A_493, %gather3A_492, %select_n3A_485 : vector<16xi1>, vector<16xf32>
      %jit3A_502 = arith.constant 29 : i32
      %broadcast_in_dim3A_503 = vector.broadcast %jit3A_502 : i32 to vector<16xi32>
      %select_n3A_504 = arith.select %gt3A_493, %broadcast_in_dim3A_503, %select_n3A_488 : vector<16xi1>, vector<16xi32>
      %add3A_505 = arith.constant 30 : i32
      %add3A_506 = vector.broadcast %add3A_505 : i32 to vector<16xi32>
      %add3A_507 = arith.addi %mul3A_37, %add3A_506 : vector<16xi32>
      %gather3A_508 = tpu.vector_load_idx %arg6[%add3A_507] : memref<32768xf32, #tpu.memory_space<vmem>>[vector<16xi32>], vector<16xf32>,
      %gt3A_509 = arith.cmpf ogt, %gather3A_508, %select_n3A_501 : vector<16xf32>
      %gt3A_510 = arith.cmpf ogt, %gather3A_508, %select_n3A_496 : vector<16xf32>
      %select_n3A_511 = arith.select %gt3A_510, %gather3A_508, %select_n3A_496 : vector<16xi1>, vector<16xf32>
      %select_n3A_512 = arith.select %gt3A_509, %select_n3A_501, %select_n3A_511 : vector<16xi1>, vector<16xf32>
      %jit3A_513 = arith.constant 30 : i32
      %broadcast_in_dim3A_514 = vector.broadcast %jit3A_513 : i32 to vector<16xi32>
      %select_n3A_515 = arith.select %gt3A_510, %broadcast_in_dim3A_514, %select_n3A_500 : vector<16xi1>, vector<16xi32>
      %select_n3A_516 = arith.select %gt3A_509, %select_n3A_504, %select_n3A_515 : vector<16xi1>, vector<16xi32>
      %select_n3A_517 = arith.select %gt3A_509, %gather3A_508, %select_n3A_501 : vector<16xi1>, vector<16xf32>
      %jit3A_518 = arith.constant 30 : i32
      %broadcast_in_dim3A_519 = vector.broadcast %jit3A_518 : i32 to vector<16xi32>
      %select_n3A_520 = arith.select %gt3A_509, %broadcast_in_dim3A_519, %select_n3A_504 : vector<16xi1>, vector<16xi32>
      %add3A_521 = arith.constant 31 : i32
      %add3A_522 = vector.broadcast %add3A_521 : i32 to vector<16xi32>
      %add3A_523 = arith.addi %mul3A_37, %add3A_522 : vector<16xi32>
      %gather3A_524 = tpu.vector_load_idx %arg6[%add3A_523] : memref<32768xf32, #tpu.memory_space<vmem>>[vector<16xi32>], vector<16xf32>,
      %gt3A_525 = arith.cmpf ogt, %gather3A_524, %select_n3A_517 : vector<16xf32>
      %gt3A_526 = arith.cmpf ogt, %gather3A_524, %select_n3A_512 : vector<16xf32>
      %select_n3A_527 = arith.select %gt3A_526, %gather3A_524, %select_n3A_512 : vector<16xi1>, vector<16xf32>
      %select_n3A_528 = arith.select %gt3A_525, %select_n3A_517, %select_n3A_527 : vector<16xi1>, vector<16xf32>
      %jit3A_529 = arith.constant 31 : i32
      %broadcast_in_dim3A_530 = vector.broadcast %jit3A_529 : i32 to vector<16xi32>
      %select_n3A_531 = arith.select %gt3A_526, %broadcast_in_dim3A_530, %select_n3A_516 : vector<16xi1>, vector<16xi32>
      %select_n3A_532 = arith.select %gt3A_525, %select_n3A_520, %select_n3A_531 : vector<16xi1>, vector<16xi32>
      %select_n3A_533 = arith.select %gt3A_525, %gather3A_524, %select_n3A_517 : vector<16xi1>, vector<16xf32>
      %jit3A_534 = arith.constant 31 : i32
      %broadcast_in_dim3A_535 = vector.broadcast %jit3A_534 : i32 to vector<16xi32>
      %select_n3A_536 = arith.select %gt3A_525, %broadcast_in_dim3A_535, %select_n3A_520 : vector<16xi1>, vector<16xi32>
      %add3A_537 = arith.constant 32 : i32
      %add3A_538 = vector.broadcast %add3A_537 : i32 to vector<16xi32>
      %add3A_539 = arith.addi %mul3A_37, %add3A_538 : vector<16xi32>
      %gather3A_540 = tpu.vector_load_idx %arg6[%add3A_539] : memref<32768xf32, #tpu.memory_space<vmem>>[vector<16xi32>], vector<16xf32>,
      %gt3A_541 = arith.cmpf ogt, %gather3A_540, %select_n3A_533 : vector<16xf32>
      %gt3A_542 = arith.cmpf ogt, %gather3A_540, %select_n3A_528 : vector<16xf32>
      %select_n3A_543 = arith.select %gt3A_542, %gather3A_540, %select_n3A_528 : vector<16xi1>, vector<16xf32>
      %select_n3A_544 = arith.select %gt3A_541, %select_n3A_533, %select_n3A_543 : vector<16xi1>, vector<16xf32>
      %jit3A_545 = arith.constant 32 : i32
      %broadcast_in_dim3A_546 = vector.broadcast %jit3A_545 : i32 to vector<16xi32>
      %select_n3A_547 = arith.select %gt3A_542, %broadcast_in_dim3A_546, %select_n3A_532 : vector<16xi1>, vector<16xi32>
      %select_n3A_548 = arith.select %gt3A_541, %select_n3A_536, %select_n3A_547 : vector<16xi1>, vector<16xi32>
      %select_n3A_549 = arith.select %gt3A_541, %gather3A_540, %select_n3A_533 : vector<16xi1>, vector<16xf32>
      %jit3A_550 = arith.constant 32 : i32
      %broadcast_in_dim3A_551 = vector.broadcast %jit3A_550 : i32 to vector<16xi32>
      %select_n3A_552 = arith.select %gt3A_541, %broadcast_in_dim3A_551, %select_n3A_536 : vector<16xi1>, vector<16xi32>
      %add3A_553 = arith.constant 33 : i32
      %add3A_554 = vector.broadcast %add3A_553 : i32 to vector<16xi32>
      %add3A_555 = arith.addi %mul3A_37, %add3A_554 : vector<16xi32>
      %gather3A_556 = tpu.vector_load_idx %arg6[%add3A_555] : memref<32768xf32, #tpu.memory_space<vmem>>[vector<16xi32>], vector<16xf32>,
      %gt3A_557 = arith.cmpf ogt, %gather3A_556, %select_n3A_549 : vector<16xf32>
      %gt3A_558 = arith.cmpf ogt, %gather3A_556, %select_n3A_544 : vector<16xf32>
      %select_n3A_559 = arith.select %gt3A_558, %gather3A_556, %select_n3A_544 : vector<16xi1>, vector<16xf32>
      %select_n3A_560 = arith.select %gt3A_557, %select_n3A_549, %select_n3A_559 : vector<16xi1>, vector<16xf32>
      %jit3A_561 = arith.constant 33 : i32
      %broadcast_in_dim3A_562 = vector.broadcast %jit3A_561 : i32 to vector<16xi32>
      %select_n3A_563 = arith.select %gt3A_558, %broadcast_in_dim3A_562, %select_n3A_548 : vector<16xi1>, vector<16xi32>
      %select_n3A_564 = arith.select %gt3A_557, %select_n3A_552, %select_n3A_563 : vector<16xi1>, vector<16xi32>
      %select_n3A_565 = arith.select %gt3A_557, %gather3A_556, %select_n3A_549 : vector<16xi1>, vector<16xf32>
      %jit3A_566 = arith.constant 33 : i32
      %broadcast_in_dim3A_567 = vector.broadcast %jit3A_566 : i32 to vector<16xi32>
      %select_n3A_568 = arith.select %gt3A_557, %broadcast_in_dim3A_567, %select_n3A_552 : vector<16xi1>, vector<16xi32>
      %add3A_569 = arith.constant 34 : i32
      %add3A_570 = vector.broadcast %add3A_569 : i32 to vector<16xi32>
      %add3A_571 = arith.addi %mul3A_37, %add3A_570 : vector<16xi32>
      %gather3A_572 = tpu.vector_load_idx %arg6[%add3A_571] : memref<32768xf32, #tpu.memory_space<vmem>>[vector<16xi32>], vector<16xf32>,
      %gt3A_573 = arith.cmpf ogt, %gather3A_572, %select_n3A_565 : vector<16xf32>
      %gt3A_574 = arith.cmpf ogt, %gather3A_572, %select_n3A_560 : vector<16xf32>
      %select_n3A_575 = arith.select %gt3A_574, %gather3A_572, %select_n3A_560 : vector<16xi1>, vector<16xf32>
      %select_n3A_576 = arith.select %gt3A_573, %select_n3A_565, %select_n3A_575 : vector<16xi1>, vector<16xf32>
      %jit3A_577 = arith.constant 34 : i32
      %broadcast_in_dim3A_578 = vector.broadcast %jit3A_577 : i32 to vector<16xi32>
      %select_n3A_579 = arith.select %gt3A_574, %broadcast_in_dim3A_578, %select_n3A_564 : vector<16xi1>, vector<16xi32>
      %select_n3A_580 = arith.select %gt3A_573, %select_n3A_568, %select_n3A_579 : vector<16xi1>, vector<16xi32>
      %select_n3A_581 = arith.select %gt3A_573, %gather3A_572, %select_n3A_565 : vector<16xi1>, vector<16xf32>
      %jit3A_582 = arith.constant 34 : i32
      %broadcast_in_dim3A_583 = vector.broadcast %jit3A_582 : i32 to vector<16xi32>
      %select_n3A_584 = arith.select %gt3A_573, %broadcast_in_dim3A_583, %select_n3A_568 : vector<16xi1>, vector<16xi32>
      %add3A_585 = arith.constant 35 : i32
      %add3A_586 = vector.broadcast %add3A_585 : i32 to vector<16xi32>
      %add3A_587 = arith.addi %mul3A_37, %add3A_586 : vector<16xi32>
      %gather3A_588 = tpu.vector_load_idx %arg6[%add3A_587] : memref<32768xf32, #tpu.memory_space<vmem>>[vector<16xi32>], vector<16xf32>,
      %gt3A_589 = arith.cmpf ogt, %gather3A_588, %select_n3A_581 : vector<16xf32>
      %gt3A_590 = arith.cmpf ogt, %gather3A_588, %select_n3A_576 : vector<16xf32>
      %select_n3A_591 = arith.select %gt3A_590, %gather3A_588, %select_n3A_576 : vector<16xi1>, vector<16xf32>
      %select_n3A_592 = arith.select %gt3A_589, %select_n3A_581, %select_n3A_591 : vector<16xi1>, vector<16xf32>
      %jit3A_593 = arith.constant 35 : i32
      %broadcast_in_dim3A_594 = vector.broadcast %jit3A_593 : i32 to vector<16xi32>
      %select_n3A_595 = arith.select %gt3A_590, %broadcast_in_dim3A_594, %select_n3A_580 : vector<16xi1>, vector<16xi32>
      %select_n3A_596 = arith.select %gt3A_589, %select_n3A_584, %select_n3A_595 : vector<16xi1>, vector<16xi32>
      %select_n3A_597 = arith.select %gt3A_589, %gather3A_588, %select_n3A_581 : vector<16xi1>, vector<16xf32>
      %jit3A_598 = arith.constant 35 : i32
      %broadcast_in_dim3A_599 = vector.broadcast %jit3A_598 : i32 to vector<16xi32>
      %select_n3A_600 = arith.select %gt3A_589, %broadcast_in_dim3A_599, %select_n3A_584 : vector<16xi1>, vector<16xi32>
      %add3A_601 = arith.constant 36 : i32
      %add3A_602 = vector.broadcast %add3A_601 : i32 to vector<16xi32>
      %add3A_603 = arith.addi %mul3A_37, %add3A_602 : vector<16xi32>
      %gather3A_604 = tpu.vector_load_idx %arg6[%add3A_603] : memref<32768xf32, #tpu.memory_space<vmem>>[vector<16xi32>], vector<16xf32>,
      %gt3A_605 = arith.cmpf ogt, %gather3A_604, %select_n3A_597 : vector<16xf32>
      %gt3A_606 = arith.cmpf ogt, %gather3A_604, %select_n3A_592 : vector<16xf32>
      %select_n3A_607 = arith.select %gt3A_606, %gather3A_604, %select_n3A_592 : vector<16xi1>, vector<16xf32>
      %select_n3A_608 = arith.select %gt3A_605, %select_n3A_597, %select_n3A_607 : vector<16xi1>, vector<16xf32>
      %jit3A_609 = arith.constant 36 : i32
      %broadcast_in_dim3A_610 = vector.broadcast %jit3A_609 : i32 to vector<16xi32>
      %select_n3A_611 = arith.select %gt3A_606, %broadcast_in_dim3A_610, %select_n3A_596 : vector<16xi1>, vector<16xi32>
      %select_n3A_612 = arith.select %gt3A_605, %select_n3A_600, %select_n3A_611 : vector<16xi1>, vector<16xi32>
      %select_n3A_613 = arith.select %gt3A_605, %gather3A_604, %select_n3A_597 : vector<16xi1>, vector<16xf32>
      %jit3A_614 = arith.constant 36 : i32
      %broadcast_in_dim3A_615 = vector.broadcast %jit3A_614 : i32 to vector<16xi32>
      %select_n3A_616 = arith.select %gt3A_605, %broadcast_in_dim3A_615, %select_n3A_600 : vector<16xi1>, vector<16xi32>
      %add3A_617 = arith.constant 37 : i32
      %add3A_618 = vector.broadcast %add3A_617 : i32 to vector<16xi32>
      %add3A_619 = arith.addi %mul3A_37, %add3A_618 : vector<16xi32>
      %gather3A_620 = tpu.vector_load_idx %arg6[%add3A_619] : memref<32768xf32, #tpu.memory_space<vmem>>[vector<16xi32>], vector<16xf32>,
      %gt3A_621 = arith.cmpf ogt, %gather3A_620, %select_n3A_613 : vector<16xf32>
      %gt3A_622 = arith.cmpf ogt, %gather3A_620, %select_n3A_608 : vector<16xf32>
      %select_n3A_623 = arith.select %gt3A_622, %gather3A_620, %select_n3A_608 : vector<16xi1>, vector<16xf32>
      %select_n3A_624 = arith.select %gt3A_621, %select_n3A_613, %select_n3A_623 : vector<16xi1>, vector<16xf32>
      %jit3A_625 = arith.constant 37 : i32
      %broadcast_in_dim3A_626 = vector.broadcast %jit3A_625 : i32 to vector<16xi32>
      %select_n3A_627 = arith.select %gt3A_622, %broadcast_in_dim3A_626, %select_n3A_612 : vector<16xi1>, vector<16xi32>
      %select_n3A_628 = arith.select %gt3A_621, %select_n3A_616, %select_n3A_627 : vector<16xi1>, vector<16xi32>
      %select_n3A_629 = arith.select %gt3A_621, %gather3A_620, %select_n3A_613 : vector<16xi1>, vector<16xf32>
      %jit3A_630 = arith.constant 37 : i32
      %broadcast_in_dim3A_631 = vector.broadcast %jit3A_630 : i32 to vector<16xi32>
      %select_n3A_632 = arith.select %gt3A_621, %broadcast_in_dim3A_631, %select_n3A_616 : vector<16xi1>, vector<16xi32>
      %add3A_633 = arith.constant 38 : i32
      %add3A_634 = vector.broadcast %add3A_633 : i32 to vector<16xi32>
      %add3A_635 = arith.addi %mul3A_37, %add3A_634 : vector<16xi32>
      %gather3A_636 = tpu.vector_load_idx %arg6[%add3A_635] : memref<32768xf32, #tpu.memory_space<vmem>>[vector<16xi32>], vector<16xf32>,
      %gt3A_637 = arith.cmpf ogt, %gather3A_636, %select_n3A_629 : vector<16xf32>
      %gt3A_638 = arith.cmpf ogt, %gather3A_636, %select_n3A_624 : vector<16xf32>
      %select_n3A_639 = arith.select %gt3A_638, %gather3A_636, %select_n3A_624 : vector<16xi1>, vector<16xf32>
      %select_n3A_640 = arith.select %gt3A_637, %select_n3A_629, %select_n3A_639 : vector<16xi1>, vector<16xf32>
      %jit3A_641 = arith.constant 38 : i32
      %broadcast_in_dim3A_642 = vector.broadcast %jit3A_641 : i32 to vector<16xi32>
      %select_n3A_643 = arith.select %gt3A_638, %broadcast_in_dim3A_642, %select_n3A_628 : vector<16xi1>, vector<16xi32>
      %select_n3A_644 = arith.select %gt3A_637, %select_n3A_632, %select_n3A_643 : vector<16xi1>, vector<16xi32>
      %select_n3A_645 = arith.select %gt3A_637, %gather3A_636, %select_n3A_629 : vector<16xi1>, vector<16xf32>
      %jit3A_646 = arith.constant 38 : i32
      %broadcast_in_dim3A_647 = vector.broadcast %jit3A_646 : i32 to vector<16xi32>
      %select_n3A_648 = arith.select %gt3A_637, %broadcast_in_dim3A_647, %select_n3A_632 : vector<16xi1>, vector<16xi32>
      %add3A_649 = arith.constant 39 : i32
      %add3A_650 = vector.broadcast %add3A_649 : i32 to vector<16xi32>
      %add3A_651 = arith.addi %mul3A_37, %add3A_650 : vector<16xi32>
      %gather3A_652 = tpu.vector_load_idx %arg6[%add3A_651] : memref<32768xf32, #tpu.memory_space<vmem>>[vector<16xi32>], vector<16xf32>,
      %gt3A_653 = arith.cmpf ogt, %gather3A_652, %select_n3A_645 : vector<16xf32>
      %gt3A_654 = arith.cmpf ogt, %gather3A_652, %select_n3A_640 : vector<16xf32>
      %select_n3A_655 = arith.select %gt3A_654, %gather3A_652, %select_n3A_640 : vector<16xi1>, vector<16xf32>
      %select_n3A_656 = arith.select %gt3A_653, %select_n3A_645, %select_n3A_655 : vector<16xi1>, vector<16xf32>
      %jit3A_657 = arith.constant 39 : i32
      %broadcast_in_dim3A_658 = vector.broadcast %jit3A_657 : i32 to vector<16xi32>
      %select_n3A_659 = arith.select %gt3A_654, %broadcast_in_dim3A_658, %select_n3A_644 : vector<16xi1>, vector<16xi32>
      %select_n3A_660 = arith.select %gt3A_653, %select_n3A_648, %select_n3A_659 : vector<16xi1>, vector<16xi32>
      %select_n3A_661 = arith.select %gt3A_653, %gather3A_652, %select_n3A_645 : vector<16xi1>, vector<16xf32>
      %jit3A_662 = arith.constant 39 : i32
      %broadcast_in_dim3A_663 = vector.broadcast %jit3A_662 : i32 to vector<16xi32>
      %select_n3A_664 = arith.select %gt3A_653, %broadcast_in_dim3A_663, %select_n3A_648 : vector<16xi1>, vector<16xi32>
      %add3A_665 = arith.constant 40 : i32
      %add3A_666 = vector.broadcast %add3A_665 : i32 to vector<16xi32>
      %add3A_667 = arith.addi %mul3A_37, %add3A_666 : vector<16xi32>
      %gather3A_668 = tpu.vector_load_idx %arg6[%add3A_667] : memref<32768xf32, #tpu.memory_space<vmem>>[vector<16xi32>], vector<16xf32>,
      %gt3A_669 = arith.cmpf ogt, %gather3A_668, %select_n3A_661 : vector<16xf32>
      %gt3A_670 = arith.cmpf ogt, %gather3A_668, %select_n3A_656 : vector<16xf32>
      %select_n3A_671 = arith.select %gt3A_670, %gather3A_668, %select_n3A_656 : vector<16xi1>, vector<16xf32>
      %select_n3A_672 = arith.select %gt3A_669, %select_n3A_661, %select_n3A_671 : vector<16xi1>, vector<16xf32>
      %jit3A_673 = arith.constant 40 : i32
      %broadcast_in_dim3A_674 = vector.broadcast %jit3A_673 : i32 to vector<16xi32>
      %select_n3A_675 = arith.select %gt3A_670, %broadcast_in_dim3A_674, %select_n3A_660 : vector<16xi1>, vector<16xi32>
      %select_n3A_676 = arith.select %gt3A_669, %select_n3A_664, %select_n3A_675 : vector<16xi1>, vector<16xi32>
      %select_n3A_677 = arith.select %gt3A_669, %gather3A_668, %select_n3A_661 : vector<16xi1>, vector<16xf32>
      %jit3A_678 = arith.constant 40 : i32
      %broadcast_in_dim3A_679 = vector.broadcast %jit3A_678 : i32 to vector<16xi32>
      %select_n3A_680 = arith.select %gt3A_669, %broadcast_in_dim3A_679, %select_n3A_664 : vector<16xi1>, vector<16xi32>
      %add3A_681 = arith.constant 41 : i32
      %add3A_682 = vector.broadcast %add3A_681 : i32 to vector<16xi32>
      %add3A_683 = arith.addi %mul3A_37, %add3A_682 : vector<16xi32>
      %gather3A_684 = tpu.vector_load_idx %arg6[%add3A_683] : memref<32768xf32, #tpu.memory_space<vmem>>[vector<16xi32>], vector<16xf32>,
      %gt3A_685 = arith.cmpf ogt, %gather3A_684, %select_n3A_677 : vector<16xf32>
      %gt3A_686 = arith.cmpf ogt, %gather3A_684, %select_n3A_672 : vector<16xf32>
      %select_n3A_687 = arith.select %gt3A_686, %gather3A_684, %select_n3A_672 : vector<16xi1>, vector<16xf32>
      %select_n3A_688 = arith.select %gt3A_685, %select_n3A_677, %select_n3A_687 : vector<16xi1>, vector<16xf32>
      %jit3A_689 = arith.constant 41 : i32
      %broadcast_in_dim3A_690 = vector.broadcast %jit3A_689 : i32 to vector<16xi32>
      %select_n3A_691 = arith.select %gt3A_686, %broadcast_in_dim3A_690, %select_n3A_676 : vector<16xi1>, vector<16xi32>
      %select_n3A_692 = arith.select %gt3A_685, %select_n3A_680, %select_n3A_691 : vector<16xi1>, vector<16xi32>
      %select_n3A_693 = arith.select %gt3A_685, %gather3A_684, %select_n3A_677 : vector<16xi1>, vector<16xf32>
      %jit3A_694 = arith.constant 41 : i32
      %broadcast_in_dim3A_695 = vector.broadcast %jit3A_694 : i32 to vector<16xi32>
      %select_n3A_696 = arith.select %gt3A_685, %broadcast_in_dim3A_695, %select_n3A_680 : vector<16xi1>, vector<16xi32>
      %add3A_697 = arith.constant 42 : i32
      %add3A_698 = vector.broadcast %add3A_697 : i32 to vector<16xi32>
      %add3A_699 = arith.addi %mul3A_37, %add3A_698 : vector<16xi32>
      %gather3A_700 = tpu.vector_load_idx %arg6[%add3A_699] : memref<32768xf32, #tpu.memory_space<vmem>>[vector<16xi32>], vector<16xf32>,
      %gt3A_701 = arith.cmpf ogt, %gather3A_700, %select_n3A_693 : vector<16xf32>
      %gt3A_702 = arith.cmpf ogt, %gather3A_700, %select_n3A_688 : vector<16xf32>
      %select_n3A_703 = arith.select %gt3A_702, %gather3A_700, %select_n3A_688 : vector<16xi1>, vector<16xf32>
      %select_n3A_704 = arith.select %gt3A_701, %select_n3A_693, %select_n3A_703 : vector<16xi1>, vector<16xf32>
      %jit3A_705 = arith.constant 42 : i32
      %broadcast_in_dim3A_706 = vector.broadcast %jit3A_705 : i32 to vector<16xi32>
      %select_n3A_707 = arith.select %gt3A_702, %broadcast_in_dim3A_706, %select_n3A_692 : vector<16xi1>, vector<16xi32>
      %select_n3A_708 = arith.select %gt3A_701, %select_n3A_696, %select_n3A_707 : vector<16xi1>, vector<16xi32>
      %select_n3A_709 = arith.select %gt3A_701, %gather3A_700, %select_n3A_693 : vector<16xi1>, vector<16xf32>
      %jit3A_710 = arith.constant 42 : i32
      %broadcast_in_dim3A_711 = vector.broadcast %jit3A_710 : i32 to vector<16xi32>
      %select_n3A_712 = arith.select %gt3A_701, %broadcast_in_dim3A_711, %select_n3A_696 : vector<16xi1>, vector<16xi32>
      %add3A_713 = arith.constant 43 : i32
      %add3A_714 = vector.broadcast %add3A_713 : i32 to vector<16xi32>
      %add3A_715 = arith.addi %mul3A_37, %add3A_714 : vector<16xi32>
      %gather3A_716 = tpu.vector_load_idx %arg6[%add3A_715] : memref<32768xf32, #tpu.memory_space<vmem>>[vector<16xi32>], vector<16xf32>,
      %gt3A_717 = arith.cmpf ogt, %gather3A_716, %select_n3A_709 : vector<16xf32>
      %gt3A_718 = arith.cmpf ogt, %gather3A_716, %select_n3A_704 : vector<16xf32>
      %select_n3A_719 = arith.select %gt3A_718, %gather3A_716, %select_n3A_704 : vector<16xi1>, vector<16xf32>
      %select_n3A_720 = arith.select %gt3A_717, %select_n3A_709, %select_n3A_719 : vector<16xi1>, vector<16xf32>
      %jit3A_721 = arith.constant 43 : i32
      %broadcast_in_dim3A_722 = vector.broadcast %jit3A_721 : i32 to vector<16xi32>
      %select_n3A_723 = arith.select %gt3A_718, %broadcast_in_dim3A_722, %select_n3A_708 : vector<16xi1>, vector<16xi32>
      %select_n3A_724 = arith.select %gt3A_717, %select_n3A_712, %select_n3A_723 : vector<16xi1>, vector<16xi32>
      %select_n3A_725 = arith.select %gt3A_717, %gather3A_716, %select_n3A_709 : vector<16xi1>, vector<16xf32>
      %jit3A_726 = arith.constant 43 : i32
      %broadcast_in_dim3A_727 = vector.broadcast %jit3A_726 : i32 to vector<16xi32>
      %select_n3A_728 = arith.select %gt3A_717, %broadcast_in_dim3A_727, %select_n3A_712 : vector<16xi1>, vector<16xi32>
      %add3A_729 = arith.constant 44 : i32
      %add3A_730 = vector.broadcast %add3A_729 : i32 to vector<16xi32>
      %add3A_731 = arith.addi %mul3A_37, %add3A_730 : vector<16xi32>
      %gather3A_732 = tpu.vector_load_idx %arg6[%add3A_731] : memref<32768xf32, #tpu.memory_space<vmem>>[vector<16xi32>], vector<16xf32>,
      %gt3A_733 = arith.cmpf ogt, %gather3A_732, %select_n3A_725 : vector<16xf32>
      %gt3A_734 = arith.cmpf ogt, %gather3A_732, %select_n3A_720 : vector<16xf32>
      %select_n3A_735 = arith.select %gt3A_734, %gather3A_732, %select_n3A_720 : vector<16xi1>, vector<16xf32>
      %select_n3A_736 = arith.select %gt3A_733, %select_n3A_725, %select_n3A_735 : vector<16xi1>, vector<16xf32>
      %jit3A_737 = arith.constant 44 : i32
      %broadcast_in_dim3A_738 = vector.broadcast %jit3A_737 : i32 to vector<16xi32>
      %select_n3A_739 = arith.select %gt3A_734, %broadcast_in_dim3A_738, %select_n3A_724 : vector<16xi1>, vector<16xi32>
      %select_n3A_740 = arith.select %gt3A_733, %select_n3A_728, %select_n3A_739 : vector<16xi1>, vector<16xi32>
      %select_n3A_741 = arith.select %gt3A_733, %gather3A_732, %select_n3A_725 : vector<16xi1>, vector<16xf32>
      %jit3A_742 = arith.constant 44 : i32
      %broadcast_in_dim3A_743 = vector.broadcast %jit3A_742 : i32 to vector<16xi32>
      %select_n3A_744 = arith.select %gt3A_733, %broadcast_in_dim3A_743, %select_n3A_728 : vector<16xi1>, vector<16xi32>
      %add3A_745 = arith.constant 45 : i32
      %add3A_746 = vector.broadcast %add3A_745 : i32 to vector<16xi32>
      %add3A_747 = arith.addi %mul3A_37, %add3A_746 : vector<16xi32>
      %gather3A_748 = tpu.vector_load_idx %arg6[%add3A_747] : memref<32768xf32, #tpu.memory_space<vmem>>[vector<16xi32>], vector<16xf32>,
      %gt3A_749 = arith.cmpf ogt, %gather3A_748, %select_n3A_741 : vector<16xf32>
      %gt3A_750 = arith.cmpf ogt, %gather3A_748, %select_n3A_736 : vector<16xf32>
      %select_n3A_751 = arith.select %gt3A_750, %gather3A_748, %select_n3A_736 : vector<16xi1>, vector<16xf32>
      %select_n3A_752 = arith.select %gt3A_749, %select_n3A_741, %select_n3A_751 : vector<16xi1>, vector<16xf32>
      %jit3A_753 = arith.constant 45 : i32
      %broadcast_in_dim3A_754 = vector.broadcast %jit3A_753 : i32 to vector<16xi32>
      %select_n3A_755 = arith.select %gt3A_750, %broadcast_in_dim3A_754, %select_n3A_740 : vector<16xi1>, vector<16xi32>
      %select_n3A_756 = arith.select %gt3A_749, %select_n3A_744, %select_n3A_755 : vector<16xi1>, vector<16xi32>
      %select_n3A_757 = arith.select %gt3A_749, %gather3A_748, %select_n3A_741 : vector<16xi1>, vector<16xf32>
      %jit3A_758 = arith.constant 45 : i32
      %broadcast_in_dim3A_759 = vector.broadcast %jit3A_758 : i32 to vector<16xi32>
      %select_n3A_760 = arith.select %gt3A_749, %broadcast_in_dim3A_759, %select_n3A_744 : vector<16xi1>, vector<16xi32>
      %add3A_761 = arith.constant 46 : i32
      %add3A_762 = vector.broadcast %add3A_761 : i32 to vector<16xi32>
      %add3A_763 = arith.addi %mul3A_37, %add3A_762 : vector<16xi32>
      %gather3A_764 = tpu.vector_load_idx %arg6[%add3A_763] : memref<32768xf32, #tpu.memory_space<vmem>>[vector<16xi32>], vector<16xf32>,
      %gt3A_765 = arith.cmpf ogt, %gather3A_764, %select_n3A_757 : vector<16xf32>
      %gt3A_766 = arith.cmpf ogt, %gather3A_764, %select_n3A_752 : vector<16xf32>
      %select_n3A_767 = arith.select %gt3A_766, %gather3A_764, %select_n3A_752 : vector<16xi1>, vector<16xf32>
      %select_n3A_768 = arith.select %gt3A_765, %select_n3A_757, %select_n3A_767 : vector<16xi1>, vector<16xf32>
      %jit3A_769 = arith.constant 46 : i32
      %broadcast_in_dim3A_770 = vector.broadcast %jit3A_769 : i32 to vector<16xi32>
      %select_n3A_771 = arith.select %gt3A_766, %broadcast_in_dim3A_770, %select_n3A_756 : vector<16xi1>, vector<16xi32>
      %select_n3A_772 = arith.select %gt3A_765, %select_n3A_760, %select_n3A_771 : vector<16xi1>, vector<16xi32>
      %select_n3A_773 = arith.select %gt3A_765, %gather3A_764, %select_n3A_757 : vector<16xi1>, vector<16xf32>
      %jit3A_774 = arith.constant 46 : i32
      %broadcast_in_dim3A_775 = vector.broadcast %jit3A_774 : i32 to vector<16xi32>
      %select_n3A_776 = arith.select %gt3A_765, %broadcast_in_dim3A_775, %select_n3A_760 : vector<16xi1>, vector<16xi32>
      %add3A_777 = arith.constant 47 : i32
      %add3A_778 = vector.broadcast %add3A_777 : i32 to vector<16xi32>
      %add3A_779 = arith.addi %mul3A_37, %add3A_778 : vector<16xi32>
      %gather3A_780 = tpu.vector_load_idx %arg6[%add3A_779] : memref<32768xf32, #tpu.memory_space<vmem>>[vector<16xi32>], vector<16xf32>,
      %gt3A_781 = arith.cmpf ogt, %gather3A_780, %select_n3A_773 : vector<16xf32>
      %gt3A_782 = arith.cmpf ogt, %gather3A_780, %select_n3A_768 : vector<16xf32>
      %select_n3A_783 = arith.select %gt3A_782, %gather3A_780, %select_n3A_768 : vector<16xi1>, vector<16xf32>
      %select_n3A_784 = arith.select %gt3A_781, %select_n3A_773, %select_n3A_783 : vector<16xi1>, vector<16xf32>
      %jit3A_785 = arith.constant 47 : i32
      %broadcast_in_dim3A_786 = vector.broadcast %jit3A_785 : i32 to vector<16xi32>
      %select_n3A_787 = arith.select %gt3A_782, %broadcast_in_dim3A_786, %select_n3A_772 : vector<16xi1>, vector<16xi32>
      %select_n3A_788 = arith.select %gt3A_781, %select_n3A_776, %select_n3A_787 : vector<16xi1>, vector<16xi32>
      %select_n3A_789 = arith.select %gt3A_781, %gather3A_780, %select_n3A_773 : vector<16xi1>, vector<16xf32>
      %jit3A_790 = arith.constant 47 : i32
      %broadcast_in_dim3A_791 = vector.broadcast %jit3A_790 : i32 to vector<16xi32>
      %select_n3A_792 = arith.select %gt3A_781, %broadcast_in_dim3A_791, %select_n3A_776 : vector<16xi1>, vector<16xi32>
      %add3A_793 = arith.constant 48 : i32
      %add3A_794 = vector.broadcast %add3A_793 : i32 to vector<16xi32>
      %add3A_795 = arith.addi %mul3A_37, %add3A_794 : vector<16xi32>
      %gather3A_796 = tpu.vector_load_idx %arg6[%add3A_795] : memref<32768xf32, #tpu.memory_space<vmem>>[vector<16xi32>], vector<16xf32>,
      %gt3A_797 = arith.cmpf ogt, %gather3A_796, %select_n3A_789 : vector<16xf32>
      %gt3A_798 = arith.cmpf ogt, %gather3A_796, %select_n3A_784 : vector<16xf32>
      %select_n3A_799 = arith.select %gt3A_798, %gather3A_796, %select_n3A_784 : vector<16xi1>, vector<16xf32>
      %select_n3A_800 = arith.select %gt3A_797, %select_n3A_789, %select_n3A_799 : vector<16xi1>, vector<16xf32>
      %jit3A_801 = arith.constant 48 : i32
      %broadcast_in_dim3A_802 = vector.broadcast %jit3A_801 : i32 to vector<16xi32>
      %select_n3A_803 = arith.select %gt3A_798, %broadcast_in_dim3A_802, %select_n3A_788 : vector<16xi1>, vector<16xi32>
      %select_n3A_804 = arith.select %gt3A_797, %select_n3A_792, %select_n3A_803 : vector<16xi1>, vector<16xi32>
      %select_n3A_805 = arith.select %gt3A_797, %gather3A_796, %select_n3A_789 : vector<16xi1>, vector<16xf32>
      %jit3A_806 = arith.constant 48 : i32
      %broadcast_in_dim3A_807 = vector.broadcast %jit3A_806 : i32 to vector<16xi32>
      %select_n3A_808 = arith.select %gt3A_797, %broadcast_in_dim3A_807, %select_n3A_792 : vector<16xi1>, vector<16xi32>
      %add3A_809 = arith.constant 49 : i32
      %add3A_810 = vector.broadcast %add3A_809 : i32 to vector<16xi32>
      %add3A_811 = arith.addi %mul3A_37, %add3A_810 : vector<16xi32>
      %gather3A_812 = tpu.vector_load_idx %arg6[%add3A_811] : memref<32768xf32, #tpu.memory_space<vmem>>[vector<16xi32>], vector<16xf32>,
      %gt3A_813 = arith.cmpf ogt, %gather3A_812, %select_n3A_805 : vector<16xf32>
      %gt3A_814 = arith.cmpf ogt, %gather3A_812, %select_n3A_800 : vector<16xf32>
      %select_n3A_815 = arith.select %gt3A_814, %gather3A_812, %select_n3A_800 : vector<16xi1>, vector<16xf32>
      %select_n3A_816 = arith.select %gt3A_813, %select_n3A_805, %select_n3A_815 : vector<16xi1>, vector<16xf32>
      %jit3A_817 = arith.constant 49 : i32
      %broadcast_in_dim3A_818 = vector.broadcast %jit3A_817 : i32 to vector<16xi32>
      %select_n3A_819 = arith.select %gt3A_814, %broadcast_in_dim3A_818, %select_n3A_804 : vector<16xi1>, vector<16xi32>
      %select_n3A_820 = arith.select %gt3A_813, %select_n3A_808, %select_n3A_819 : vector<16xi1>, vector<16xi32>
      %select_n3A_821 = arith.select %gt3A_813, %gather3A_812, %select_n3A_805 : vector<16xi1>, vector<16xf32>
      %jit3A_822 = arith.constant 49 : i32
      %broadcast_in_dim3A_823 = vector.broadcast %jit3A_822 : i32 to vector<16xi32>
      %select_n3A_824 = arith.select %gt3A_813, %broadcast_in_dim3A_823, %select_n3A_808 : vector<16xi1>, vector<16xi32>
      %add3A_825 = arith.constant 50 : i32
      %add3A_826 = vector.broadcast %add3A_825 : i32 to vector<16xi32>
      %add3A_827 = arith.addi %mul3A_37, %add3A_826 : vector<16xi32>
      %gather3A_828 = tpu.vector_load_idx %arg6[%add3A_827] : memref<32768xf32, #tpu.memory_space<vmem>>[vector<16xi32>], vector<16xf32>,
      %gt3A_829 = arith.cmpf ogt, %gather3A_828, %select_n3A_821 : vector<16xf32>
      %gt3A_830 = arith.cmpf ogt, %gather3A_828, %select_n3A_816 : vector<16xf32>
      %select_n3A_831 = arith.select %gt3A_830, %gather3A_828, %select_n3A_816 : vector<16xi1>, vector<16xf32>
      %select_n3A_832 = arith.select %gt3A_829, %select_n3A_821, %select_n3A_831 : vector<16xi1>, vector<16xf32>
      %jit3A_833 = arith.constant 50 : i32
      %broadcast_in_dim3A_834 = vector.broadcast %jit3A_833 : i32 to vector<16xi32>
      %select_n3A_835 = arith.select %gt3A_830, %broadcast_in_dim3A_834, %select_n3A_820 : vector<16xi1>, vector<16xi32>
      %select_n3A_836 = arith.select %gt3A_829, %select_n3A_824, %select_n3A_835 : vector<16xi1>, vector<16xi32>
      %select_n3A_837 = arith.select %gt3A_829, %gather3A_828, %select_n3A_821 : vector<16xi1>, vector<16xf32>
      %jit3A_838 = arith.constant 50 : i32
      %broadcast_in_dim3A_839 = vector.broadcast %jit3A_838 : i32 to vector<16xi32>
      %select_n3A_840 = arith.select %gt3A_829, %broadcast_in_dim3A_839, %select_n3A_824 : vector<16xi1>, vector<16xi32>
      %add3A_841 = arith.constant 51 : i32
      %add3A_842 = vector.broadcast %add3A_841 : i32 to vector<16xi32>
      %add3A_843 = arith.addi %mul3A_37, %add3A_842 : vector<16xi32>
      %gather3A_844 = tpu.vector_load_idx %arg6[%add3A_843] : memref<32768xf32, #tpu.memory_space<vmem>>[vector<16xi32>], vector<16xf32>,
      %gt3A_845 = arith.cmpf ogt, %gather3A_844, %select_n3A_837 : vector<16xf32>
      %gt3A_846 = arith.cmpf ogt, %gather3A_844, %select_n3A_832 : vector<16xf32>
      %select_n3A_847 = arith.select %gt3A_846, %gather3A_844, %select_n3A_832 : vector<16xi1>, vector<16xf32>
      %select_n3A_848 = arith.select %gt3A_845, %select_n3A_837, %select_n3A_847 : vector<16xi1>, vector<16xf32>
      %jit3A_849 = arith.constant 51 : i32
      %broadcast_in_dim3A_850 = vector.broadcast %jit3A_849 : i32 to vector<16xi32>
      %select_n3A_851 = arith.select %gt3A_846, %broadcast_in_dim3A_850, %select_n3A_836 : vector<16xi1>, vector<16xi32>
      %select_n3A_852 = arith.select %gt3A_845, %select_n3A_840, %select_n3A_851 : vector<16xi1>, vector<16xi32>
      %select_n3A_853 = arith.select %gt3A_845, %gather3A_844, %select_n3A_837 : vector<16xi1>, vector<16xf32>
      %jit3A_854 = arith.constant 51 : i32
      %broadcast_in_dim3A_855 = vector.broadcast %jit3A_854 : i32 to vector<16xi32>
      %select_n3A_856 = arith.select %gt3A_845, %broadcast_in_dim3A_855, %select_n3A_840 : vector<16xi1>, vector<16xi32>
      %add3A_857 = arith.constant 52 : i32
      %add3A_858 = vector.broadcast %add3A_857 : i32 to vector<16xi32>
      %add3A_859 = arith.addi %mul3A_37, %add3A_858 : vector<16xi32>
      %gather3A_860 = tpu.vector_load_idx %arg6[%add3A_859] : memref<32768xf32, #tpu.memory_space<vmem>>[vector<16xi32>], vector<16xf32>,
      %gt3A_861 = arith.cmpf ogt, %gather3A_860, %select_n3A_853 : vector<16xf32>
      %gt3A_862 = arith.cmpf ogt, %gather3A_860, %select_n3A_848 : vector<16xf32>
      %select_n3A_863 = arith.select %gt3A_862, %gather3A_860, %select_n3A_848 : vector<16xi1>, vector<16xf32>
      %select_n3A_864 = arith.select %gt3A_861, %select_n3A_853, %select_n3A_863 : vector<16xi1>, vector<16xf32>
      %jit3A_865 = arith.constant 52 : i32
      %broadcast_in_dim3A_866 = vector.broadcast %jit3A_865 : i32 to vector<16xi32>
      %select_n3A_867 = arith.select %gt3A_862, %broadcast_in_dim3A_866, %select_n3A_852 : vector<16xi1>, vector<16xi32>
      %select_n3A_868 = arith.select %gt3A_861, %select_n3A_856, %select_n3A_867 : vector<16xi1>, vector<16xi32>
      %select_n3A_869 = arith.select %gt3A_861, %gather3A_860, %select_n3A_853 : vector<16xi1>, vector<16xf32>
      %jit3A_870 = arith.constant 52 : i32
      %broadcast_in_dim3A_871 = vector.broadcast %jit3A_870 : i32 to vector<16xi32>
      %select_n3A_872 = arith.select %gt3A_861, %broadcast_in_dim3A_871, %select_n3A_856 : vector<16xi1>, vector<16xi32>
      %add3A_873 = arith.constant 53 : i32
      %add3A_874 = vector.broadcast %add3A_873 : i32 to vector<16xi32>
      %add3A_875 = arith.addi %mul3A_37, %add3A_874 : vector<16xi32>
      %gather3A_876 = tpu.vector_load_idx %arg6[%add3A_875] : memref<32768xf32, #tpu.memory_space<vmem>>[vector<16xi32>], vector<16xf32>,
      %gt3A_877 = arith.cmpf ogt, %gather3A_876, %select_n3A_869 : vector<16xf32>
      %gt3A_878 = arith.cmpf ogt, %gather3A_876, %select_n3A_864 : vector<16xf32>
      %select_n3A_879 = arith.select %gt3A_878, %gather3A_876, %select_n3A_864 : vector<16xi1>, vector<16xf32>
      %select_n3A_880 = arith.select %gt3A_877, %select_n3A_869, %select_n3A_879 : vector<16xi1>, vector<16xf32>
      %jit3A_881 = arith.constant 53 : i32
      %broadcast_in_dim3A_882 = vector.broadcast %jit3A_881 : i32 to vector<16xi32>
      %select_n3A_883 = arith.select %gt3A_878, %broadcast_in_dim3A_882, %select_n3A_868 : vector<16xi1>, vector<16xi32>
      %select_n3A_884 = arith.select %gt3A_877, %select_n3A_872, %select_n3A_883 : vector<16xi1>, vector<16xi32>
      %select_n3A_885 = arith.select %gt3A_877, %gather3A_876, %select_n3A_869 : vector<16xi1>, vector<16xf32>
      %jit3A_886 = arith.constant 53 : i32
      %broadcast_in_dim3A_887 = vector.broadcast %jit3A_886 : i32 to vector<16xi32>
      %select_n3A_888 = arith.select %gt3A_877, %broadcast_in_dim3A_887, %select_n3A_872 : vector<16xi1>, vector<16xi32>
      %add3A_889 = arith.constant 54 : i32
      %add3A_890 = vector.broadcast %add3A_889 : i32 to vector<16xi32>
      %add3A_891 = arith.addi %mul3A_37, %add3A_890 : vector<16xi32>
      %gather3A_892 = tpu.vector_load_idx %arg6[%add3A_891] : memref<32768xf32, #tpu.memory_space<vmem>>[vector<16xi32>], vector<16xf32>,
      %gt3A_893 = arith.cmpf ogt, %gather3A_892, %select_n3A_885 : vector<16xf32>
      %gt3A_894 = arith.cmpf ogt, %gather3A_892, %select_n3A_880 : vector<16xf32>
      %select_n3A_895 = arith.select %gt3A_894, %gather3A_892, %select_n3A_880 : vector<16xi1>, vector<16xf32>
      %select_n3A_896 = arith.select %gt3A_893, %select_n3A_885, %select_n3A_895 : vector<16xi1>, vector<16xf32>
      %jit3A_897 = arith.constant 54 : i32
      %broadcast_in_dim3A_898 = vector.broadcast %jit3A_897 : i32 to vector<16xi32>
      %select_n3A_899 = arith.select %gt3A_894, %broadcast_in_dim3A_898, %select_n3A_884 : vector<16xi1>, vector<16xi32>
      %select_n3A_900 = arith.select %gt3A_893, %select_n3A_888, %select_n3A_899 : vector<16xi1>, vector<16xi32>
      %select_n3A_901 = arith.select %gt3A_893, %gather3A_892, %select_n3A_885 : vector<16xi1>, vector<16xf32>
      %jit3A_902 = arith.constant 54 : i32
      %broadcast_in_dim3A_903 = vector.broadcast %jit3A_902 : i32 to vector<16xi32>
      %select_n3A_904 = arith.select %gt3A_893, %broadcast_in_dim3A_903, %select_n3A_888 : vector<16xi1>, vector<16xi32>
      %add3A_905 = arith.constant 55 : i32
      %add3A_906 = vector.broadcast %add3A_905 : i32 to vector<16xi32>
      %add3A_907 = arith.addi %mul3A_37, %add3A_906 : vector<16xi32>
      %gather3A_908 = tpu.vector_load_idx %arg6[%add3A_907] : memref<32768xf32, #tpu.memory_space<vmem>>[vector<16xi32>], vector<16xf32>,
      %gt3A_909 = arith.cmpf ogt, %gather3A_908, %select_n3A_901 : vector<16xf32>
      %gt3A_910 = arith.cmpf ogt, %gather3A_908, %select_n3A_896 : vector<16xf32>
      %select_n3A_911 = arith.select %gt3A_910, %gather3A_908, %select_n3A_896 : vector<16xi1>, vector<16xf32>
      %select_n3A_912 = arith.select %gt3A_909, %select_n3A_901, %select_n3A_911 : vector<16xi1>, vector<16xf32>
      %jit3A_913 = arith.constant 55 : i32
      %broadcast_in_dim3A_914 = vector.broadcast %jit3A_913 : i32 to vector<16xi32>
      %select_n3A_915 = arith.select %gt3A_910, %broadcast_in_dim3A_914, %select_n3A_900 : vector<16xi1>, vector<16xi32>
      %select_n3A_916 = arith.select %gt3A_909, %select_n3A_904, %select_n3A_915 : vector<16xi1>, vector<16xi32>
      %select_n3A_917 = arith.select %gt3A_909, %gather3A_908, %select_n3A_901 : vector<16xi1>, vector<16xf32>
      %jit3A_918 = arith.constant 55 : i32
      %broadcast_in_dim3A_919 = vector.broadcast %jit3A_918 : i32 to vector<16xi32>
      %select_n3A_920 = arith.select %gt3A_909, %broadcast_in_dim3A_919, %select_n3A_904 : vector<16xi1>, vector<16xi32>
      %add3A_921 = arith.constant 56 : i32
      %add3A_922 = vector.broadcast %add3A_921 : i32 to vector<16xi32>
      %add3A_923 = arith.addi %mul3A_37, %add3A_922 : vector<16xi32>
      %gather3A_924 = tpu.vector_load_idx %arg6[%add3A_923] : memref<32768xf32, #tpu.memory_space<vmem>>[vector<16xi32>], vector<16xf32>,
      %gt3A_925 = arith.cmpf ogt, %gather3A_924, %select_n3A_917 : vector<16xf32>
      %gt3A_926 = arith.cmpf ogt, %gather3A_924, %select_n3A_912 : vector<16xf32>
      %select_n3A_927 = arith.select %gt3A_926, %gather3A_924, %select_n3A_912 : vector<16xi1>, vector<16xf32>
      %select_n3A_928 = arith.select %gt3A_925, %select_n3A_917, %select_n3A_927 : vector<16xi1>, vector<16xf32>
      %jit3A_929 = arith.constant 56 : i32
      %broadcast_in_dim3A_930 = vector.broadcast %jit3A_929 : i32 to vector<16xi32>
      %select_n3A_931 = arith.select %gt3A_926, %broadcast_in_dim3A_930, %select_n3A_916 : vector<16xi1>, vector<16xi32>
      %select_n3A_932 = arith.select %gt3A_925, %select_n3A_920, %select_n3A_931 : vector<16xi1>, vector<16xi32>
      %select_n3A_933 = arith.select %gt3A_925, %gather3A_924, %select_n3A_917 : vector<16xi1>, vector<16xf32>
      %jit3A_934 = arith.constant 56 : i32
      %broadcast_in_dim3A_935 = vector.broadcast %jit3A_934 : i32 to vector<16xi32>
      %select_n3A_936 = arith.select %gt3A_925, %broadcast_in_dim3A_935, %select_n3A_920 : vector<16xi1>, vector<16xi32>
      %add3A_937 = arith.constant 57 : i32
      %add3A_938 = vector.broadcast %add3A_937 : i32 to vector<16xi32>
      %add3A_939 = arith.addi %mul3A_37, %add3A_938 : vector<16xi32>
      %gather3A_940 = tpu.vector_load_idx %arg6[%add3A_939] : memref<32768xf32, #tpu.memory_space<vmem>>[vector<16xi32>], vector<16xf32>,
      %gt3A_941 = arith.cmpf ogt, %gather3A_940, %select_n3A_933 : vector<16xf32>
      %gt3A_942 = arith.cmpf ogt, %gather3A_940, %select_n3A_928 : vector<16xf32>
      %select_n3A_943 = arith.select %gt3A_942, %gather3A_940, %select_n3A_928 : vector<16xi1>, vector<16xf32>
      %select_n3A_944 = arith.select %gt3A_941, %select_n3A_933, %select_n3A_943 : vector<16xi1>, vector<16xf32>
      %jit3A_945 = arith.constant 57 : i32
      %broadcast_in_dim3A_946 = vector.broadcast %jit3A_945 : i32 to vector<16xi32>
      %select_n3A_947 = arith.select %gt3A_942, %broadcast_in_dim3A_946, %select_n3A_932 : vector<16xi1>, vector<16xi32>
      %select_n3A_948 = arith.select %gt3A_941, %select_n3A_936, %select_n3A_947 : vector<16xi1>, vector<16xi32>
      %select_n3A_949 = arith.select %gt3A_941, %gather3A_940, %select_n3A_933 : vector<16xi1>, vector<16xf32>
      %jit3A_950 = arith.constant 57 : i32
      %broadcast_in_dim3A_951 = vector.broadcast %jit3A_950 : i32 to vector<16xi32>
      %select_n3A_952 = arith.select %gt3A_941, %broadcast_in_dim3A_951, %select_n3A_936 : vector<16xi1>, vector<16xi32>
      %add3A_953 = arith.constant 58 : i32
      %add3A_954 = vector.broadcast %add3A_953 : i32 to vector<16xi32>
      %add3A_955 = arith.addi %mul3A_37, %add3A_954 : vector<16xi32>
      %gather3A_956 = tpu.vector_load_idx %arg6[%add3A_955] : memref<32768xf32, #tpu.memory_space<vmem>>[vector<16xi32>], vector<16xf32>,
      %gt3A_957 = arith.cmpf ogt, %gather3A_956, %select_n3A_949 : vector<16xf32>
      %gt3A_958 = arith.cmpf ogt, %gather3A_956, %select_n3A_944 : vector<16xf32>
      %select_n3A_959 = arith.select %gt3A_958, %gather3A_956, %select_n3A_944 : vector<16xi1>, vector<16xf32>
      %select_n3A_960 = arith.select %gt3A_957, %select_n3A_949, %select_n3A_959 : vector<16xi1>, vector<16xf32>
      %jit3A_961 = arith.constant 58 : i32
      %broadcast_in_dim3A_962 = vector.broadcast %jit3A_961 : i32 to vector<16xi32>
      %select_n3A_963 = arith.select %gt3A_958, %broadcast_in_dim3A_962, %select_n3A_948 : vector<16xi1>, vector<16xi32>
      %select_n3A_964 = arith.select %gt3A_957, %select_n3A_952, %select_n3A_963 : vector<16xi1>, vector<16xi32>
      %select_n3A_965 = arith.select %gt3A_957, %gather3A_956, %select_n3A_949 : vector<16xi1>, vector<16xf32>
      %jit3A_966 = arith.constant 58 : i32
      %broadcast_in_dim3A_967 = vector.broadcast %jit3A_966 : i32 to vector<16xi32>
      %select_n3A_968 = arith.select %gt3A_957, %broadcast_in_dim3A_967, %select_n3A_952 : vector<16xi1>, vector<16xi32>
      %add3A_969 = arith.constant 59 : i32
      %add3A_970 = vector.broadcast %add3A_969 : i32 to vector<16xi32>
      %add3A_971 = arith.addi %mul3A_37, %add3A_970 : vector<16xi32>
      %gather3A_972 = tpu.vector_load_idx %arg6[%add3A_971] : memref<32768xf32, #tpu.memory_space<vmem>>[vector<16xi32>], vector<16xf32>,
      %gt3A_973 = arith.cmpf ogt, %gather3A_972, %select_n3A_965 : vector<16xf32>
      %gt3A_974 = arith.cmpf ogt, %gather3A_972, %select_n3A_960 : vector<16xf32>
      %select_n3A_975 = arith.select %gt3A_974, %gather3A_972, %select_n3A_960 : vector<16xi1>, vector<16xf32>
      %select_n3A_976 = arith.select %gt3A_973, %select_n3A_965, %select_n3A_975 : vector<16xi1>, vector<16xf32>
      %jit3A_977 = arith.constant 59 : i32
      %broadcast_in_dim3A_978 = vector.broadcast %jit3A_977 : i32 to vector<16xi32>
      %select_n3A_979 = arith.select %gt3A_974, %broadcast_in_dim3A_978, %select_n3A_964 : vector<16xi1>, vector<16xi32>
      %select_n3A_980 = arith.select %gt3A_973, %select_n3A_968, %select_n3A_979 : vector<16xi1>, vector<16xi32>
      %select_n3A_981 = arith.select %gt3A_973, %gather3A_972, %select_n3A_965 : vector<16xi1>, vector<16xf32>
      %jit3A_982 = arith.constant 59 : i32
      %broadcast_in_dim3A_983 = vector.broadcast %jit3A_982 : i32 to vector<16xi32>
      %select_n3A_984 = arith.select %gt3A_973, %broadcast_in_dim3A_983, %select_n3A_968 : vector<16xi1>, vector<16xi32>
      %add3A_985 = arith.constant 60 : i32
      %add3A_986 = vector.broadcast %add3A_985 : i32 to vector<16xi32>
      %add3A_987 = arith.addi %mul3A_37, %add3A_986 : vector<16xi32>
      %gather3A_988 = tpu.vector_load_idx %arg6[%add3A_987] : memref<32768xf32, #tpu.memory_space<vmem>>[vector<16xi32>], vector<16xf32>,
      %gt3A_989 = arith.cmpf ogt, %gather3A_988, %select_n3A_981 : vector<16xf32>
      %gt3A_990 = arith.cmpf ogt, %gather3A_988, %select_n3A_976 : vector<16xf32>
      %select_n3A_991 = arith.select %gt3A_990, %gather3A_988, %select_n3A_976 : vector<16xi1>, vector<16xf32>
      %select_n3A_992 = arith.select %gt3A_989, %select_n3A_981, %select_n3A_991 : vector<16xi1>, vector<16xf32>
      %jit3A_993 = arith.constant 60 : i32
      %broadcast_in_dim3A_994 = vector.broadcast %jit3A_993 : i32 to vector<16xi32>
      %select_n3A_995 = arith.select %gt3A_990, %broadcast_in_dim3A_994, %select_n3A_980 : vector<16xi1>, vector<16xi32>
      %select_n3A_996 = arith.select %gt3A_989, %select_n3A_984, %select_n3A_995 : vector<16xi1>, vector<16xi32>
      %select_n3A_997 = arith.select %gt3A_989, %gather3A_988, %select_n3A_981 : vector<16xi1>, vector<16xf32>
      %jit3A_998 = arith.constant 60 : i32
      %broadcast_in_dim3A_999 = vector.broadcast %jit3A_998 : i32 to vector<16xi32>
      %select_n3A_1000 = arith.select %gt3A_989, %broadcast_in_dim3A_999, %select_n3A_984 : vector<16xi1>, vector<16xi32>
      %add3A_1001 = arith.constant 61 : i32
      %add3A_1002 = vector.broadcast %add3A_1001 : i32 to vector<16xi32>
      %add3A_1003 = arith.addi %mul3A_37, %add3A_1002 : vector<16xi32>
      %gather3A_1004 = tpu.vector_load_idx %arg6[%add3A_1003] : memref<32768xf32, #tpu.memory_space<vmem>>[vector<16xi32>], vector<16xf32>,
      %gt3A_1005 = arith.cmpf ogt, %gather3A_1004, %select_n3A_997 : vector<16xf32>
      %gt3A_1006 = arith.cmpf ogt, %gather3A_1004, %select_n3A_992 : vector<16xf32>
      %select_n3A_1007 = arith.select %gt3A_1006, %gather3A_1004, %select_n3A_992 : vector<16xi1>, vector<16xf32>
      %select_n3A_1008 = arith.select %gt3A_1005, %select_n3A_997, %select_n3A_1007 : vector<16xi1>, vector<16xf32>
      %jit3A_1009 = arith.constant 61 : i32
      %broadcast_in_dim3A_1010 = vector.broadcast %jit3A_1009 : i32 to vector<16xi32>
      %select_n3A_1011 = arith.select %gt3A_1006, %broadcast_in_dim3A_1010, %select_n3A_996 : vector<16xi1>, vector<16xi32>
      %select_n3A_1012 = arith.select %gt3A_1005, %select_n3A_1000, %select_n3A_1011 : vector<16xi1>, vector<16xi32>
      %select_n3A_1013 = arith.select %gt3A_1005, %gather3A_1004, %select_n3A_997 : vector<16xi1>, vector<16xf32>
      %jit3A_1014 = arith.constant 61 : i32
      %broadcast_in_dim3A_1015 = vector.broadcast %jit3A_1014 : i32 to vector<16xi32>
      %select_n3A_1016 = arith.select %gt3A_1005, %broadcast_in_dim3A_1015, %select_n3A_1000 : vector<16xi1>, vector<16xi32>
      %add3A_1017 = arith.constant 62 : i32
      %add3A_1018 = vector.broadcast %add3A_1017 : i32 to vector<16xi32>
      %add3A_1019 = arith.addi %mul3A_37, %add3A_1018 : vector<16xi32>
      %gather3A_1020 = tpu.vector_load_idx %arg6[%add3A_1019] : memref<32768xf32, #tpu.memory_space<vmem>>[vector<16xi32>], vector<16xf32>,
      %gt3A_1021 = arith.cmpf ogt, %gather3A_1020, %select_n3A_1013 : vector<16xf32>
      %gt3A_1022 = arith.cmpf ogt, %gather3A_1020, %select_n3A_1008 : vector<16xf32>
      %select_n3A_1023 = arith.select %gt3A_1022, %gather3A_1020, %select_n3A_1008 : vector<16xi1>, vector<16xf32>
      %select_n3A_1024 = arith.select %gt3A_1021, %select_n3A_1013, %select_n3A_1023 : vector<16xi1>, vector<16xf32>
      %jit3A_1025 = arith.constant 62 : i32
      %broadcast_in_dim3A_1026 = vector.broadcast %jit3A_1025 : i32 to vector<16xi32>
      %select_n3A_1027 = arith.select %gt3A_1022, %broadcast_in_dim3A_1026, %select_n3A_1012 : vector<16xi1>, vector<16xi32>
      %select_n3A_1028 = arith.select %gt3A_1021, %select_n3A_1016, %select_n3A_1027 : vector<16xi1>, vector<16xi32>
      %select_n3A_1029 = arith.select %gt3A_1021, %gather3A_1020, %select_n3A_1013 : vector<16xi1>, vector<16xf32>
      %jit3A_1030 = arith.constant 62 : i32
      %broadcast_in_dim3A_1031 = vector.broadcast %jit3A_1030 : i32 to vector<16xi32>
      %select_n3A_1032 = arith.select %gt3A_1021, %broadcast_in_dim3A_1031, %select_n3A_1016 : vector<16xi1>, vector<16xi32>
      %add3A_1033 = arith.constant 63 : i32
      %add3A_1034 = vector.broadcast %add3A_1033 : i32 to vector<16xi32>
      %add3A_1035 = arith.addi %mul3A_37, %add3A_1034 : vector<16xi32>
      %gather3A_1036 = tpu.vector_load_idx %arg6[%add3A_1035] : memref<32768xf32, #tpu.memory_space<vmem>>[vector<16xi32>], vector<16xf32>,
      %gt3A_1037 = arith.cmpf ogt, %gather3A_1036, %select_n3A_1029 : vector<16xf32>
      %gt3A_1038 = arith.cmpf ogt, %gather3A_1036, %select_n3A_1024 : vector<16xf32>
      %select_n3A_1039 = arith.select %gt3A_1038, %gather3A_1036, %select_n3A_1024 : vector<16xi1>, vector<16xf32>
      %select_n3A_1040 = arith.select %gt3A_1037, %select_n3A_1029, %select_n3A_1039 : vector<16xi1>, vector<16xf32>
      %jit3A_1041 = arith.constant 63 : i32
      %broadcast_in_dim3A_1042 = vector.broadcast %jit3A_1041 : i32 to vector<16xi32>
      %select_n3A_1043 = arith.select %gt3A_1038, %broadcast_in_dim3A_1042, %select_n3A_1028 : vector<16xi1>, vector<16xi32>
      %select_n3A_1044 = arith.select %gt3A_1037, %select_n3A_1032, %select_n3A_1043 : vector<16xi1>, vector<16xi32>
      %select_n3A_1045 = arith.select %gt3A_1037, %gather3A_1036, %select_n3A_1029 : vector<16xi1>, vector<16xf32>
      %jit3A_1046 = arith.constant 63 : i32
      %broadcast_in_dim3A_1047 = vector.broadcast %jit3A_1046 : i32 to vector<16xi32>
      %select_n3A_1048 = arith.select %gt3A_1037, %broadcast_in_dim3A_1047, %select_n3A_1032 : vector<16xi1>, vector<16xi32>
      %add3A_1049 = arith.addf %select_n3A_1045, %select_n3A_1040 : vector<16xf32>
      %add3A_1050 = arith.constant 9.99999971E-10 : f32
      %add3A_1051 = vector.broadcast %add3A_1050 : f32 to vector<16xf32>
      %add3A_1052 = arith.addf %add3A_1049, %add3A_1051 : vector<16xf32>
      %mul3A_1053 = arith.constant 2 : i32
      %mul3A_1054 = vector.broadcast %mul3A_1053 : i32 to vector<16xi32>
      %mul3A_1055 = arith.muli %add3A_34, %mul3A_1054 : vector<16xi32>
      %div3A = arith.divf %select_n3A_1045, %add3A_1052 : vector<16xf32>
      tpu.vector_store_idx %arg7[%mul3A_1055], %div3A : memref<1024xf32, #tpu.memory_space<vmem>>[vector<16xi32>], vector<16xf32>,
      %add3A_1056 = arith.constant 1 : i32
      %add3A_1057 = vector.broadcast %add3A_1056 : i32 to vector<16xi32>
      %add3A_1058 = arith.addi %mul3A_1055, %add3A_1057 : vector<16xi32>
      %div3A_1059 = arith.divf %select_n3A_1040, %add3A_1052 : vector<16xf32>
      tpu.vector_store_idx %arg7[%add3A_1058], %div3A_1059 : memref<1024xf32, #tpu.memory_space<vmem>>[vector<16xi32>], vector<16xf32>,
      tpu.vector_store_idx %arg8[%mul3A_1055], %select_n3A_1048 : memref<1024xi32, #tpu.memory_space<vmem>>[vector<16xi32>], vector<16xi32>,
      %add3A_1060 = arith.constant 1 : i32
      %add3A_1061 = vector.broadcast %add3A_1060 : i32 to vector<16xi32>
      %add3A_1062 = arith.addi %mul3A_1055, %add3A_1061 : vector<16xi32>
      tpu.vector_store_idx %arg8[%add3A_1062], %select_n3A_1044 : memref<1024xi32, #tpu.memory_space<vmem>>[vector<16xi32>], vector<16xi32>,
      tpu.vector_store_idx %arg9[%select_n3A_1048], %broadcast_in_dim3A_20 {add = true} : memref<64xf32, #tpu.memory_space<vmem>>[vector<16xi32>], vector<16xf32>,
      tpu.vector_store_idx %arg9[%select_n3A_1044], %broadcast_in_dim3A_20 {add = true} : memref<64xf32, #tpu.memory_space<vmem>>[vector<16xi32>], vector<16xf32>,
    }
    %scan3A_25 = arith.constant 32 : i32
    %mul3A_26 = arith.constant 2 : i32
    %mul3A_27 = arith.muli %mul3A_2, %mul3A_26 : i32
    "tpu.region"() ({
      %run_scoped3A = tpu.sem_alloc : memref<!tpu.dma_semaphore, #tpu.memory_space<semaphore_mem>>
      %dma_start3A = tpu.memref_slice %arg3[%mul3A_27] : memref<32768xf32, #tpu.memory_space<hbm>> -> memref<1024xf32, #tpu.memory_space<hbm>>
      %dma_start3A_30 = tpu.memref_slice %arg3[%mul3A_27] : memref<32768xf32, #tpu.memory_space<hbm>> -> memref<1024xf32, #tpu.memory_space<hbm>>
      tpu.enqueue_dma source(%arg7 : memref<1024xf32, #tpu.memory_space<vmem>>) target(%dma_start3A_30 : memref<1024xf32, #tpu.memory_space<hbm>>) target_semaphore(%run_scoped3A : memref<!tpu.dma_semaphore, #tpu.memory_space<semaphore_mem>>)
      %dma_wait3A = tpu.memref_slice %arg3[%mul3A_27] : memref<32768xf32, #tpu.memory_space<hbm>> -> memref<1024xf32, #tpu.memory_space<hbm>>
      %dma_wait3A_31 = tpu.memref_slice %arg3[%mul3A_27] : memref<32768xf32, #tpu.memory_space<hbm>> -> memref<1024xf32, #tpu.memory_space<hbm>>
      tpu.wait_dma2 semaphore(%run_scoped3A : memref<!tpu.dma_semaphore, #tpu.memory_space<semaphore_mem>>) src(%arg7 : memref<1024xf32, #tpu.memory_space<vmem>>) dst(%dma_wait3A_31 : memref<1024xf32, #tpu.memory_space<hbm>>)
      tpu.yield
    }) : () -> ()
    %mul3A_28 = arith.constant 2 : i32
    %mul3A_29 = arith.muli %mul3A_2, %mul3A_28 : i32
    "tpu.region"() ({
      %run_scoped3A = tpu.sem_alloc : memref<!tpu.dma_semaphore, #tpu.memory_space<semaphore_mem>>
      %dma_start3A = tpu.memref_slice %arg4[%mul3A_29] : memref<32768xi32, #tpu.memory_space<hbm>> -> memref<1024xi32, #tpu.memory_space<hbm>>
      %dma_start3A_30 = tpu.memref_slice %arg4[%mul3A_29] : memref<32768xi32, #tpu.memory_space<hbm>> -> memref<1024xi32, #tpu.memory_space<hbm>>
      tpu.enqueue_dma source(%arg8 : memref<1024xi32, #tpu.memory_space<vmem>>) target(%dma_start3A_30 : memref<1024xi32, #tpu.memory_space<hbm>>) target_semaphore(%run_scoped3A : memref<!tpu.dma_semaphore, #tpu.memory_space<semaphore_mem>>)
      %dma_wait3A = tpu.memref_slice %arg4[%mul3A_29] : memref<32768xi32, #tpu.memory_space<hbm>> -> memref<1024xi32, #tpu.memory_space<hbm>>
      %dma_wait3A_31 = tpu.memref_slice %arg4[%mul3A_29] : memref<32768xi32, #tpu.memory_space<hbm>> -> memref<1024xi32, #tpu.memory_space<hbm>>
      tpu.wait_dma2 semaphore(%run_scoped3A : memref<!tpu.dma_semaphore, #tpu.memory_space<semaphore_mem>>) src(%arg8 : memref<1024xi32, #tpu.memory_space<vmem>>) dst(%dma_wait3A_31 : memref<1024xi32, #tpu.memory_space<hbm>>)
      tpu.yield
    }) : () -> ()
    "tpu.region"() ({
      %run_scoped3A = tpu.sem_alloc : memref<!tpu.dma_semaphore, #tpu.memory_space<semaphore_mem>>
      %dma_start3A = arith.constant 0 : i32
      %dma_start3A_30 = tpu.memref_slice %arg5[%add3A, %dma_start3A] : memref<32x64xf32, #tpu.memory_space<hbm>> -> memref<1x64xf32, #tpu.memory_space<hbm>>
      %dma_start3A_31 = tpu.memref_squeeze %dma_start3A_30 : memref<1x64xf32, #tpu.memory_space<hbm>> -> memref<64xf32, #tpu.memory_space<hbm>>
      %dma_start3A_32 = arith.constant 0 : i32
      %dma_start3A_33 = tpu.memref_slice %arg5[%add3A, %dma_start3A_32] : memref<32x64xf32, #tpu.memory_space<hbm>> -> memref<1x64xf32, #tpu.memory_space<hbm>>
      %dma_start3A_34 = tpu.memref_squeeze %dma_start3A_33 : memref<1x64xf32, #tpu.memory_space<hbm>> -> memref<64xf32, #tpu.memory_space<hbm>>
      tpu.enqueue_dma source(%arg9 : memref<64xf32, #tpu.memory_space<vmem>>) target(%dma_start3A_34 : memref<64xf32, #tpu.memory_space<hbm>>) target_semaphore(%run_scoped3A : memref<!tpu.dma_semaphore, #tpu.memory_space<semaphore_mem>>)
      %dma_wait3A = arith.constant 0 : i32
      %dma_wait3A_35 = tpu.memref_slice %arg5[%add3A, %dma_wait3A] : memref<32x64xf32, #tpu.memory_space<hbm>> -> memref<1x64xf32, #tpu.memory_space<hbm>>
      %dma_wait3A_36 = tpu.memref_squeeze %dma_wait3A_35 : memref<1x64xf32, #tpu.memory_space<hbm>> -> memref<64xf32, #tpu.memory_space<hbm>>
      %dma_wait3A_37 = arith.constant 0 : i32
      %dma_wait3A_38 = tpu.memref_slice %arg5[%add3A, %dma_wait3A_37] : memref<32x64xf32, #tpu.memory_space<hbm>> -> memref<1x64xf32, #tpu.memory_space<hbm>>
      %dma_wait3A_39 = tpu.memref_squeeze %dma_wait3A_38 : memref<1x64xf32, #tpu.memory_space<hbm>> -> memref<64xf32, #tpu.memory_space<hbm>>
      tpu.wait_dma2 semaphore(%run_scoped3A : memref<!tpu.dma_semaphore, #tpu.memory_space<semaphore_mem>>) src(%arg9 : memref<64xf32, #tpu.memory_space<vmem>>) dst(%dma_wait3A_39 : memref<64xf32, #tpu.memory_space<hbm>>)
      tpu.yield
    }) : () -> ()
    return
  }
}

module attributes {stable_mosaic.version = 14 : i64} {
  func.func @_gate_body(%arg0: i32, %arg1: memref<512x2048xf32, #tpu.memory_space<vmem>>, %arg2: memref<64x2048xf32, #tpu.memory_space<vmem>>, %arg3: memref<512x64xf32, #tpu.memory_space<vmem>>, %arg4: memref<8x64xf32, #tpu.memory_space<vmem>>) attributes {dimension_semantics = [#tpu.dimension_semantics<arbitrary>], iteration_bounds = array<i64: 32>, scalar_prefetch = 0 : i64, scratch_operands = 0 : i64, tpu.core_type = #tpu.core_type<tc>, window_params = [{transform_indices = @transform_0, window_bounds = array<i64: 512, 2048>}, {pipeline_mode = #tpu.pipeline_mode<synchronous>, transform_indices = @transform_1, window_bounds = array<i64: 64, 2048>}, {transform_indices = @transform_2, window_bounds = array<i64: 512, 64>}, {pipeline_mode = #tpu.pipeline_mode<synchronous>, transform_indices = @transform_3, window_bounds = array<i64: 8, 64>}]} {
    %get3A = arith.constant 0 : index
    %get3A_0 = arith.constant 0 : index
    %get3A_1 = vector.load %arg1[%get3A, %get3A_0] : memref<512x2048xf32, #tpu.memory_space<vmem>>, vector<512x2048xf32>
    %get3A_2 = arith.constant 0 : index
    %get3A_3 = arith.constant 0 : index
    %get3A_4 = vector.load %arg2[%get3A_2, %get3A_3] : memref<64x2048xf32, #tpu.memory_space<vmem>>, vector<64x2048xf32>
    %dot_general3A = arith.constant dense<0.000000e+00> : vector<512x64xf32>
    %dot_general3A_5 = tpu.matmul %get3A_1, %get3A_4, %dot_general3A {dimension_numbers = #tpu.dot_dimension_numbers<[1], [1], [0], [0], [0, 0, 1, 0], [], []>, transpose_lhs_hint = false} : vector<512x2048xf32>, vector<64x2048xf32>, vector<512x64xf32> -> vector<512x64xf32>
    %reduce_max3A = arith.constant dense<0xFF800000> : vector<512xf32>
    %reduce_max3A_6 = vector.multi_reduction <maximumf>, %dot_general3A_5, %reduce_max3A [1] : vector<512x64xf32> to vector<512xf32>
    %broadcast_in_dim3A = vector.shape_cast %reduce_max3A_6 : vector<512xf32> to vector<512x1xf32>
    %sub3A = vector.broadcast %broadcast_in_dim3A : vector<512x1xf32> to vector<512x64xf32>
    %sub3A_7 = arith.subf %dot_general3A_5, %sub3A : vector<512x64xf32>
    %exp3A = math.exp %sub3A_7 : vector<512x64xf32>
    %reduce_sum3A = arith.constant dense<0.000000e+00> : vector<512xf32>
    %reduce_sum3A_8 = vector.multi_reduction <add>, %exp3A, %reduce_sum3A [1] : vector<512x64xf32> to vector<512xf32>
    %broadcast_in_dim3A_9 = vector.shape_cast %reduce_sum3A_8 : vector<512xf32> to vector<512x1xf32>
    %div3A = vector.broadcast %broadcast_in_dim3A_9 : vector<512x1xf32> to vector<512x64xf32>
    %div3A_10 = arith.divf %exp3A, %div3A : vector<512x64xf32>
    %swap3A = arith.constant 0 : index
    %swap3A_11 = arith.constant 0 : index
    %swap3A_12 = vector.load %arg3[%swap3A, %swap3A_11] : memref<512x64xf32, #tpu.memory_space<vmem>>, vector<512x64xf32>
    tpu.vector_store %arg3[%swap3A, %swap3A_11], %div3A_10 {strides = array<i32>} : memref<512x64xf32, #tpu.memory_space<vmem>>, vector<512x64xf32>,
    %eq3A = arith.constant 0 : i32
    %eq3A_13 = arith.cmpi eq, %arg0, %eq3A : i32
    %convert_element_type3A = arith.extui %eq3A_13 : i1 to i32
    %cond3A = arith.constant 0 : i32
    %cond3A_14 = arith.cmpi ne, %convert_element_type3A, %cond3A : i32
    scf.if %cond3A_14 {
      %broadcast_in_dim3A_24 = arith.constant 0.000000e+00 : f32
      %broadcast_in_dim3A_25 = vector.broadcast %broadcast_in_dim3A_24 : f32 to vector<8x64xf32>
      %swap3A_26 = arith.constant 0 : index
      %swap3A_27 = arith.constant 0 : index
      %swap3A_28 = vector.load %arg4[%swap3A_26, %swap3A_27] : memref<8x64xf32, #tpu.memory_space<vmem>>, vector<8x64xf32>
      tpu.vector_store %arg4[%swap3A_26, %swap3A_27], %broadcast_in_dim3A_25 {strides = array<i32>} : memref<8x64xf32, #tpu.memory_space<vmem>>, vector<8x64xf32>,
    } else {
    }
    %get3A_15 = arith.constant 0 : index
    %get3A_16 = arith.constant 0 : index
    %get3A_17 = vector.load %arg4[%get3A_15, %get3A_16] : memref<8x64xf32, #tpu.memory_space<vmem>>, vector<1x64xf32>
    %reduce_sum3A_18 = arith.constant dense<0.000000e+00> : vector<64xf32>
    %reduce_sum3A_19 = vector.multi_reduction <add>, %div3A_10, %reduce_sum3A_18 [0] : vector<512x64xf32> to vector<64xf32>
    %broadcast_in_dim3A_20 = vector.shape_cast %reduce_sum3A_19 : vector<64xf32> to vector<1x64xf32>
    %add3A = arith.addf %get3A_17, %broadcast_in_dim3A_20 : vector<1x64xf32>
    %swap3A_21 = arith.constant 0 : index
    %swap3A_22 = arith.constant 0 : index
    %swap3A_23 = vector.load %arg4[%swap3A_21, %swap3A_22] : memref<8x64xf32, #tpu.memory_space<vmem>>, vector<1x64xf32>
    tpu.vector_store %arg4[%swap3A_21, %swap3A_22], %add3A {strides = array<i32>} : memref<8x64xf32, #tpu.memory_space<vmem>>, vector<1x64xf32>,
    return
  }
  func.func @transform_0(%arg0: i32) -> (i32, i32) {
    %c0_i32 = arith.constant 0 : i32
    %c0_i32_0 = arith.constant 0 : i32
    return %arg0, %c0_i32 : i32, i32
  }
  func.func @transform_1(%arg0: i32) -> (i32, i32) {
    %c0_i32 = arith.constant 0 : i32
    %c0_i32_0 = arith.constant 0 : i32
    %c0_i32_1 = arith.constant 0 : i32
    return %c0_i32, %c0_i32_0 : i32, i32
  }
  func.func @transform_2(%arg0: i32) -> (i32, i32) {
    %c0_i32 = arith.constant 0 : i32
    %c0_i32_0 = arith.constant 0 : i32
    return %arg0, %c0_i32 : i32, i32
  }
  func.func @transform_3(%arg0: i32) -> (i32, i32) {
    %c0_i32 = arith.constant 0 : i32
    %c0_i32_0 = arith.constant 0 : i32
    %c0_i32_1 = arith.constant 0 : i32
    return %c0_i32, %c0_i32_0 : i32, i32
  }
}

module attributes {stable_mosaic.version = 14 : i64} {
  func.func @_aux_body(%arg0: memref<8x64xf32, #tpu.memory_space<vmem>>, %arg1: memref<32x64xf32, #tpu.memory_space<vmem>>, %arg2: memref<1x64xf32, #tpu.memory_space<vmem>>) attributes {dimension_semantics = [], scalar_prefetch = 0 : i64, scratch_operands = 0 : i64, tpu.core_type = #tpu.core_type<tc>} {
    %get3A = arith.constant 0 : index
    %get3A_0 = arith.constant 0 : index
    %get3A_1 = vector.load %arg0[%get3A, %get3A_0] : memref<8x64xf32, #tpu.memory_space<vmem>>, vector<1x64xf32>
    %div3A = arith.constant 1.638400e+04 : f32
    %div3A_2 = vector.broadcast %div3A : f32 to vector<1x64xf32>
    %div3A_3 = arith.divf %get3A_1, %div3A_2 : vector<1x64xf32>
    %get3A_4 = arith.constant 0 : index
    %get3A_5 = arith.constant 0 : index
    %get3A_6 = vector.load %arg1[%get3A_4, %get3A_5] : memref<32x64xf32, #tpu.memory_space<vmem>>, vector<32x64xf32>
    %reduce_sum3A = arith.constant dense<0.000000e+00> : vector<64xf32>
    %reduce_sum3A_7 = vector.multi_reduction <add>, %get3A_6, %reduce_sum3A [0] : vector<32x64xf32> to vector<64xf32>
    %broadcast_in_dim3A = vector.shape_cast %reduce_sum3A_7 : vector<64xf32> to vector<1x64xf32>
    %div3A_8 = arith.constant 3.276800e+04 : f32
    %div3A_9 = vector.broadcast %div3A_8 : f32 to vector<1x64xf32>
    %div3A_10 = arith.divf %broadcast_in_dim3A, %div3A_9 : vector<1x64xf32>
    %mul3A = arith.mulf %div3A_3, %div3A_10 : vector<1x64xf32>
    %reduce_sum3A_11 = vector.shape_cast %mul3A : vector<1x64xf32> to vector<1x1x64xf32>
    %reduce_sum3A_12 = arith.constant dense<0.000000e+00> : vector<1xf32>
    %reduce_sum3A_13 = vector.multi_reduction <add>, %reduce_sum3A_11, %reduce_sum3A_12 [1, 2] : vector<1x1x64xf32> to vector<1xf32>
    %reduce_sum3A_14 = vector.shape_cast %reduce_sum3A_13 : vector<1xf32> to vector<1x1x1xf32>
    %reduce_sum3A_15 = vector.extract %reduce_sum3A_14[0, 0, 0] : f32 from vector<1x1x1xf32>
    %mul3A_16 = arith.constant 6.400000e-01 : f32
    %mul3A_17 = arith.mulf %mul3A_16, %reduce_sum3A_15 : f32
    %broadcast_in_dim3A_18 = vector.broadcast %mul3A_17 : f32 to vector<1x64xf32>
    %swap3A = arith.constant 0 : index
    %swap3A_19 = arith.constant 0 : index
    %swap3A_20 = vector.load %arg2[%swap3A, %swap3A_19] : memref<1x64xf32, #tpu.memory_space<vmem>>, vector<1x64xf32>
    tpu.vector_store %arg2[%swap3A, %swap3A_19], %broadcast_in_dim3A_18 {strides = array<i32>} : memref<1x64xf32, #tpu.memory_space<vmem>>, vector<1x64xf32>,
    return
  }
}

</mosaic_0001>

<sc_bundles>
// kernel: kernel.5.cloned.1.call-start
scs
__scs_entry_jumppad:
0x0: {  	(pc) =	sbr.rel $0x88, $3  }
0x1: {  	(tag) =	ssettag $0x0;
	lr =	simm.s32 $0x1  }
0x2: {  	[smem:$0x3F9F] =	sst lr;
	_ =	strace $0xD0000000  }
0x3: {  	_ = 	snop  }
0x4: {  	_ = 	snop  }
0x5: {  	_ = 	snop  }
0x6: {  	_ = 	snop  }
0x7: {  	_ = 	snop  }
__scs_overlays_trampoline_lowered:
0x8: {  	[smem:$0x3FAE] =	sst s0  }
0x9: {  	[smem:$0x3FAF] =	sst s1  }
0xa: {  	[smem:$0x3FB0] =	sst s2  }
0xb: {  	[smem:$0x3FB1] =	sst s3  }
0xc: {  	[smem:$0x3FB2] =	sst s4  }
0xd: {  	[smem:$0x3FB3] =	sst s5  }
0xe: {  	[smem:$0x3FB4] =	sst s6  }
0xf: {  	[smem:$0x3FB5] =	sst s7  }
0x10: {  	[smem:$0x3FB6] =	sst s8  }
0x11: {  	[smem:$0x3FB7] =	sst s9;
	s0 =	simm.s32 @!p0 $0x0  }
0x12: {  	s1 =	sld [smem:$0x3F9D];
	s0 =	simm.s32 @p0 $0x1  }
0x13: {  	[smem:$0x3FB8] =	sst s0;
	s0 =	simm.s32 @!p1 $0x0  }
0x14: {  	s2 =	sld [smem:$0x3F9C];
	s0 =	simm.s32 @p1 $0x1  }
0x15: {  	[smem:$0x3FB9] =	sst s0;
	s0 =	simm.s32 @!p2 $0x0  }
0x16: {  	s3 =	sld [smem:$0x3FDB];
	s0 =	simm.s32 @p2 $0x1  }
0x17: {  	s4 =	simm.s32 $0x1BF5;
	[smem:$0x3FBB] =	sst s0  }
0x18: {  	s0 =	sld [smem:$0x3F9E];
	_ =	swait.ge [sflag:s4], $0x0  }
0x19: {  	s7 =	sld [smem:$0x3F9F]  }
0x1a: {  	s8 =	sadd.s32 $0xFFFFE003, lr  }
0x1b: {  	s9 =	sadd.s32 $0xFFFFFEF7, lr;
	s5 =	simm.s32 $0xFFFFFFFF;
	p2 =	slt.u32 s8, $0xFFFFF086  }
0x1c: {  	p1 =	slt.u32 s9, $0xF7A;
	s5 =	simm.s32 @!p2 $0x0  }
0x1d: {  	s5 =	simm.s32 @p1 $0x1;
	p0 =	seq.s32 s7, s2  }
0x1e: {  	s7 =	smul.u32 @!p0 $0xF7A, s2;
	p2 =	seq.s32 @!p0 s5, $0x0  }
0x1f: {  	s9 =	smul.u32 $0xF7A, s1;
	s8 =	simm.s32 @!p0 $0x1BF5;
	p2 =	por !p2, p0  }
0x20: {  	[sflag:s8] =	ssyncset.s32 @!p0 $0xFFFFF086;
	s6 =	sadd.s32 @!p0 s3, s7;
	s7 =	simm.s32 @!p0 $0x108  }
0x21: {  	s3 =	sadd.s32 s3, s9;
	s6 =	sadd.s32 @!p0 $0x88, s6;
	s7 =	simm.s32 @p2 $0x1082  }
0x22: {  	[simem:s7], [sflag:s8] =	dma.local @!p0 [hbm:s6], $0xF7A  }
0x23: {  	s9 =	sor.u32 $0xD0000000, s2;
	s6 =	simm.s32 $0x108;
	_ =	swait.ge @!p0 [sflag:s8], $0x0  }
0x24: {  	s3 =	sadd.s32 $0x88, s3;
	s6 =	simm.s32 @!p1 $0x1082;
	[sflag:s4] =	ssyncset.s32 $0xFFFFF086  }
0x25: {  	[simem:s6], [sflag:s4] =	dma.local [hbm:s3], $0xF7A  }
0x26: {  	[smem:$0x3F9F] =	sst s1;
	(tag) =	ssettag s2;
	_ =	strace s9  }
0x27: {  	s1 =	sld [smem:$0x3FAF]  }
0x28: {  	s2 =	sld [smem:$0x3FB0]  }
0x29: {  	s4 =	sld [smem:$0x3FB2]  }
0x2a: {  	p0 =	seq.s32 s5, $0x0;
	s5 =	sld [smem:$0x3FB3]  }
0x2b: {  	s6 =	sld [smem:$0x3FB4]  }
0x2c: {  	s7 =	sld [smem:$0x3FB5]  }
0x2d: {  	s3 =	simm.s32 $0x108;
	s8 =	sld [smem:$0x3FB6]  }
0x2e: {  	s3 =	simm.s32 @!p0 $0x1082;
	s9 =	sld [smem:$0x3FB7]  }
0x2f: {  	lr =	sadd.s32 s0, s3;
	s0 =	sld [smem:$0x3FAE]  }
0x30: {  	s3 =	sld [smem:$0x3FB1]  }
0x31: {  	[smem:$0x3FBA] =	sst s10  }
0x32: {  	s10 =	sld [smem:$0x3FB8];
	_ =	sdelay $0x3  }
0x33: {  	p0 =	seq.s32 s10, $0x1;
	s10 =	sld [smem:$0x3FBA];
	_ =	sdelay $0x3  }
0x34: {  	[smem:$0x3FBA] =	sst s10  }
0x35: {  	s10 =	sld [smem:$0x3FB9];
	_ =	sdelay $0x3  }
0x36: {  	p1 =	seq.s32 s10, $0x1;
	s10 =	sld [smem:$0x3FBA];
	_ =	sdelay $0x3  }
0x37: {  	[smem:$0x3FBA] =	sst s10  }
0x38: {  	s10 =	sld [smem:$0x3FBB]  }
0x39: {  	_ = 	snop;
	(pc) =	sbr.ind lr, $3  }
0x3a: {  	_ = 	snop  }
0x3b: {  	_ = 	snop  }
0x3c: {  	p2 =	seq.s32 s10, $0x1;
	s10 =	sld [smem:$0x3FBA]  }
0x3d: {  	_ =	shalt  }
0x3e: {  	_ =	shalt  }
0x3f: {  	_ =	shalt  }
0x40: {  	_ =	shalt  }
0x41: {  	_ =	shalt  }
0x42: {  	_ =	shalt  }
0x43: {  	_ =	shalt  }
0x44: {  	_ =	shalt  }
0x45: {  	_ =	shalt  }
0x46: {  	_ =	shalt  }
0x47: {  	_ =	shalt  }
0x48: {  	_ =	shalt  }
0x49: {  	_ =	shalt  }
0x4a: {  	_ =	shalt  }
0x4b: {  	_ =	shalt  }
0x4c: {  	_ =	shalt  }
0x4d: {  	_ =	shalt  }
0x4e: {  	_ =	shalt  }
0x4f: {  	_ =	shalt  }
0x50: {  	_ =	shalt  }
0x51: {  	_ =	shalt  }
0x52: {  	_ =	shalt  }
0x53: {  	_ =	shalt  }
0x54: {  	_ =	shalt  }
0x55: {  	_ =	shalt  }
0x56: {  	_ =	shalt  }
0x57: {  	_ =	shalt  }
0x58: {  	_ =	shalt  }
0x59: {  	_ =	shalt  }
0x5a: {  	_ =	shalt  }
0x5b: {  	_ =	shalt  }
0x5c: {  	_ =	shalt  }
0x5d: {  	_ =	shalt  }
0x5e: {  	_ =	shalt  }
0x5f: {  	_ =	shalt  }
0x60: {  	_ =	shalt  }
0x61: {  	_ =	shalt  }
0x62: {  	_ =	shalt  }
0x63: {  	_ =	shalt  }
0x64: {  	_ =	shalt  }
0x65: {  	_ =	shalt  }
0x66: {  	_ =	shalt  }
0x67: {  	_ =	shalt  }
0x68: {  	_ =	shalt  }
0x69: {  	_ =	shalt  }
0x6a: {  	_ =	shalt  }
0x6b: {  	_ =	shalt  }
0x6c: {  	_ =	shalt  }
0x6d: {  	_ =	shalt  }
0x6e: {  	_ =	shalt  }
0x6f: {  	_ =	shalt  }
0x70: {  	_ =	shalt  }
0x71: {  	_ =	shalt  }
0x72: {  	_ =	shalt  }
0x73: {  	_ =	shalt  }
0x74: {  	_ =	shalt  }
0x75: {  	_ =	shalt  }
0x76: {  	_ =	shalt  }
0x77: {  	_ =	shalt  }
0x78: {  	_ =	shalt  }
0x79: {  	_ =	shalt  }
0x7a: {  	_ =	shalt  }
0x7b: {  	_ =	shalt  }
0x7c: {  	_ =	shalt  }
0x7d: {  	_ =	shalt  }
0x7e: {  	_ =	shalt  }
0x7f: {  	_ =	shalt  }
0x80: {  	_ =	shalt  }
0x81: {  	_ =	shalt  }
0x82: {  	_ =	shalt  }
0x83: {  	_ =	shalt  }
0x84: {  	_ =	shalt  }
0x85: {  	_ =	shalt  }
0x86: {  	_ =	shalt  }
0x87: {  	_ =	shalt  }
.Lfunc_end0:
.L_simem_size_0:
called_computation_lowered:
.L_overlay_start_0:
0x88: {  	s2 =	sld [smem:$0x3FD9]  }
0x89: {  	s3 =	sld [smem:$0x3FFE];
	_ =	sdelay $0x1  }
0x8a: {  	s1 =	srdreg.scid  }
0x8b: {  	s0 =	sand.u32 $0x1, s1  }
0x8c: {  	s14 =	sshll.u32 s0, $0xA;
	s2 =	sadd.s32 s3, s2  }
0x8d: {  	s2 =	sadd.s32 s2, s14  }
0x8e: {  	[smem:$0x3FC6] =	sst s2  }
0x8f: {  	_ = 	snop  }
0x90: {  	s2 =	sld [smem:$0x3FD0];
	_ =	sdelay $0x2  }
0x91: {  	s15 =	simm.s32 $0xA;
	s4 =	simm.s32 $0x10  }
0x92: {  	[smem:s4], [sflag:s15] =	dma.local [hbm:s2], $0x1  }
0x93: {  	_ =	swait.eq [sflag:s15], $0x1  }
0x94: {  	[sflag:s15] =	ssyncset.done $0x0  }
0x95: {  	[sflag:s15] =	ssyncadd.s32 $0xFFFFFFFF  }
0x96: {  	s16 =	sld [smem:$0x11];
	(tm) =	ssettm $0x1  }
0x97: {  	s17 =	sld [smem:$0x3FFB];
	_ =	sdelay $0x3  }
0x98: {  	_ =	strace s17  }
0x99: {  	s3 =	sld [smem:$0x3FFC];
	_ =	sdelay $0x3  }
0x9a: {  	_ =	strace s3  }
0x9b: {  	s3 =	sld [smem:$0x3FFD];
	_ =	sdelay $0x3  }
0x9c: {  	_ =	strace s3  }
0x9d: {  	_ =	strace $0x8FFFFFFF  }
0x9e: {  	s18 =	sld [smem:$0x3FDB];
	_ =	sdelay $0x1  }
0x9f: {  	s19 =	simm.s32 $_scs_section_size  }
0xa0: {  	s5 =	simm.s32 $_size__tile_overlayer_lowered;
	s6 =	simm.s32 $_tile_overlayer_lowered  }
0xa1: {  	s22 =	simm.s32 $0x1BFF;
	s21 =	sshll.u32 s6, $0x1;
	s3 =	sadd.s32 s19, s18  }
0xa2: {  	s7 =	simm.s32 $0x0;
	s20 =	sshll.u32 s5, $0x1;
	s5 =	sadd.s32 s21, s3  }
0xa3: {  	[timem:s7], [sflag:s22] =	dma.local [hbm:s5], s20  }
0xa4: {  	_ =	swait.ge [sflag:s22], s20  }
0xa5: {  	s4 =	ssub.s32 $0x0, s20;
	[sflag:s22] =	ssyncset.done $0x0  }
0xa6: {  	[sflag:s22] =	ssyncadd.s32 s4;
	_ =	sdelay $0x1  }
0xa7: {  	s23 =	simm.s32 $0x1B8B  }
0xa8: {  	_ =	swait.ge [sflag:s23], $0x1  }
0xa9: {  	[sflag:s23] =	ssyncset.done $0x0  }
0xaa: {  	s25 =	simm.s32 $0x1B8E;
	s24 =	sld [smem:$0x3FFE];
	[sflag:s23] =	ssyncadd.s32 $0xFFFFFFFF  }
0xab: {  	s26 =	simm.s32 $execute0_lowered;
	[smem:$0x3FD2] =	sst s25  }
0xac: {  	s5 =	sshll.u32 s26, $0x1;
	_ =	strace $0x80000046;
	[dreg:$0x1] =	wrdreg $0xFFFFFFFF  }
0xad: {  	s28 =	simm.s32 $_size_execute0_lowered;
	s3 =	sadd.s32 s3, s5;
	[dreg:$0x0] =	wrdreg $0x0  }
0xae: {  	s5 =	sshll.u32 s28, $0x1;
	[dreg:$0x2] =	wrdreg s3  }
0xaf: {  	[dreg:$0x3] =	wrdreg s5  }
0xb0: {  	[dreg:$0x4] =	wrdreg $0xC0  }
0xb1: {  	_ =	task [dreg:s7], $0x5FFFF  }
0xb2: {  	[dreg:$0x1] =	wrdreg $0xFFFFFFFF  }
0xb3: {  	[dreg:$0x0] =	wrdreg $0x60  }
0xb4: {  	[dreg:$0x2] =	wrdreg s24  }
0xb5: {  	[dreg:$0x3] =	wrdreg s16  }
0xb6: {  	[dreg:$0x4] =	wrdreg $0x9  }
0xb7: {  	_ =	task.clear_ibuf [dreg:s7], $0x5FFFF;
	_ =	strace $0x90000046  }
0xb8: {  	s29 =	simm.s32 $0x9;
	_ =	strace $0x80000048  }
0xb9: {  	_ =	swait.ge [sflag:s29], $0x1  }
0xba: {  	[sflag:s29] =	ssyncadd.s32 $0xFFFFFFFF  }
0xbb: {  	_ =	strace $0x90000048  }
0xbc: {  	_ =	sfence  }
0xbd: {  	s30 =	sld [smem:$0x0];
	_ =	sdelay $0x2  }
0xbe: {  	s31 =	sshll.u32 s1, $0xD;
	s1 =	sshrl.u32 s1, $0x2  }
0xbf: {  	s3 =	sand.u32 $0x4000, s31;
	s1 =	sadd.s32 s1, s30  }
0xc0: {  	s0 =	sor.u32 s3, s0;
	s1 =	sshll.u32 s1, $0x11  }
0xc1: {  	s0 =	sor.u32 s1, s0  }
0xc2: {  	s0 =	sadd.s32 $0x8F2B, s0  }
0xc3: {  	[sflag:s0] =	ssyncadd.remote.s32 $0x1  }
0xc4: {  	_ =	sfence.sel $0xFFFF  }
0xc5: {  	[dreg:$0x0] =	wrdreg $0xFFFFFFFF;
	(pc) =	sbr.abs _section_cstart, $3  }
0xc6: {  	[dreg:$0x1] =	wrdreg $0xFFFFFFFF  }
0xc7: {  	_ =	task.clear_ibuf [dreg:s7], $0x2FFFF;
	_ =	strace $0x9FFFFFFF  }
0xc8: {  	(tm) =	ssettm $0x7FFFFFFF  }
0xc9: {  	_ =	shalt  }
tec
execute0_lowered:
.L_overlay_start_1:
0x0: {  	(tag) =	ssettag $0x1  }
0x1: {  	s3 =	rddreg [dreg:$0x0]  }
0x2: {  	s4 =	rddreg [dreg:$0x1]  }
0x3: {  	s0 =	rddreg [dreg:$0x2]  }
0x4: {  	s5 =	srdreg.scid;
	s1 =	stileid.u32;
	s2 =	simm.s32 $0x0  }
0x5: {  	s11 =	simm.s32 $0x8800;
	s5 =	sand.u32 $0x1, s5;
	s6 =	sshll.u32 s1, $0x1  }
0x6: {  	s12 =	simm.s32 $0x0;
	[smem:$0x7FF] =	sst s2;
	s6 =	sor.u32 s5, s6  }
0x7: {  	_ =	strace $0x80000047;
	s5 =	ssub.s32 $0x2, s5;
	s7 =	sshll.u32 s6, $0xC  }
0x8: {  	s8 =	sshll.u32 s6, $0x7;
	s6 =	sshll.u32 s6, $0x4;
	s10 =	sshrl.u32 s5, $0x1  }
0x9: {  	s7 =	sadd.s32 s7, s3;
	s9 =	sadd.s32 s8, s3;
	s6 =	sadd.s32 s6, s3  }
0xa: {  	s10 =	ssub.s32 s5, s10;
	s4 =	sadd.s32 s4, s8;
	s8 =	simm.s32 $0x1  }
0xb: {  	v0 =	vimm.f32 $0.0e+00;
	s3 =	sadd.s32 $0x1000, s7;
	s5 =	sadd.s32 $0x21000, s9;
	s6 =	sadd.s32 $0x22000, s6  }
0xc: {  	v1 =	vlaneseq.u32;
	v2 =	vimm.s32 $0x0;
	v3 =	vimm.f32 $1.000000000e+00;
	s7 =	smax.u32 s10, $0x1;
	s9 =	simm.s32 $0x8000;
	s10 =	simm.s32 $0x8400  }
.LBB2_1:
0xd: {  	[tilespmem:s2], [sflag:$0x1] =	stream.linear.gather [hbm4b:s3+s2], $0x8000, $0x38;
	[tilespmem:$0x8880] =	vst v63  }
0xe: {  	_ =	swait.ge [sflag:s8], $0x8000  }
0xf: {  	v4 =	vor.u32 s2, v1;
	[sflag:s8] =	ssyncset.done $0x0  }
0x10: {  	v5 =	vshll.u32 v4, $0x6;
	[sflag:s8] =	ssyncadd.s32 $0xFFFF8000  }
0x11: {  	v6 =	vor.u32 $0x1, v5;
	[tilespmem:$0x8800] =	vst v0  }
0x12: {  	[tilespmem:$0x8810] =	vst v0  }
0x13: {  	[tilespmem:$0x8820] =	vst v0  }
0x14: {  	v7 =	vor.u32 $0x2, v5;
	[tilespmem:$0x8830] =	vst v0  }
0x15: {  	v8 =	vld.idx.msk [tilespmem:v5+s2+$0x0], $0xffff  }
0x16: {  	v6 =	vld.idx.msk [tilespmem:v6+s2+$0x0], $0xffff  }
0x17: {  	v9 =	vor.u32 $0x3, v5;
	_ =	sdelay $0x1  }
0x18: {  	v7 =	vld.idx.msk [tilespmem:v7+s2+$0x0], $0xffff  }
0x19: {  	v10 =	vor.u32 $0x4, v5  }
0x1a: {  	vm14 =	vgt.f32 v6, v8;
	vm11 =	vgt.f32 v6, $-1.000000000e+00  }
0x1b: {  	v9 =	vld.idx.msk [tilespmem:v9+s2+$0x0], $0xffff;
	vm1 =	vmneg vm14;
	v11 =	vnsel vm11, $0xBF800000, v6  }
0x1c: {  	v12 =	vor.u32 $0x5, v5;
	v11 =	vsel vm1, v11, v8  }
0x1d: {  	v6 =	vsel vm1, v8, v6;
	vm12 =	vgt.f32 v7, v11  }
0x1e: {  	v8 =	vld.idx.msk [tilespmem:v10+s2+$0x0], $0xffff;
	vm2 =	vgt.f32 v7, v6;
	v10 =	vsel vm12, v7, v11  }
0x1f: {  	v10 =	vsel vm2, v6, v10  }
0x20: {  	v11 =	vor.u32 $0x6, v5;
	v6 =	vsel vm2, v7, v6;
	vm13 =	vgt.f32 v9, v10  }
0x21: {  	v7 =	vld.idx.msk [tilespmem:v12+s2+$0x0], $0xffff;
	vm3 =	vgt.f32 v9, v6;
	v10 =	vsel vm13, v9, v10  }
0x22: {  	v10 =	vsel vm3, v6, v10  }
0x23: {  	v12 =	vor.u32 $0x7, v5;
	v6 =	vsel vm3, v9, v6;
	vm15 =	vgt.f32 v8, v10  }
0x24: {  	vm4 =	vgt.f32 v8, v6;
	v10 =	vsel vm15, v8, v10  }
0x25: {  	v9 =	vld.idx.msk [tilespmem:v11+s2+$0x0], $0xffff;
	v10 =	vsel vm4, v6, v10  }
0x26: {  	v6 =	vsel vm4, v8, v6;
	v8 =	vimm.s32 $0x0;
	vm0 =	vgt.f32 v7, v10  }
0x27: {  	v11 =	vor.u32 $0x8, v5;
	v8 =	vsel vm0, $0xFFFFFFFF, v8  }
0x28: {  	vm5 =	vgt.f32 v7, v6;
	v10 =	vsel vm0, v7, v10;
	[tilespmem:$0x1FD70] =	vst v8;
	v8 =	vld.idx.msk [tilespmem:v12+s2+$0x0], $0xffff  }
0x29: {  	v12 =	vor.u32 $0x9, v5;
	v10 =	vsel vm5, v6, v10  }
0x2a: {  	v6 =	vsel vm5, v7, v6;
	v7 =	vimm.s32 $0x0;
	vm9 =	vgt.f32 v9, v10  }
0x2b: {  	vm6 =	vgt.f32 v9, v6;
	v7 =	vsel vm9, $0xFFFFFFFF, v7;
	v10 =	vsel vm9, v9, v10  }
0x2c: {  	[tilespmem:$0x1FD80] =	vst v7;
	v7 =	vld.idx.msk [tilespmem:v11+s2+$0x0], $0xffff;
	v10 =	vsel vm6, v6, v10  }
0x2d: {  	v6 =	vsel vm6, v9, v6;
	v9 =	vimm.s32 $0x0;
	vm10 =	vgt.f32 v8, v10  }
0x2e: {  	v11 =	vor.u32 $0xA, v5;
	v9 =	vsel vm10, $0xFFFFFFFF, v9  }
0x2f: {  	vm7 =	vgt.f32 v8, v6;
	v10 =	vsel vm10, v8, v10;
	[tilespmem:$0x1FD90] =	vst v9;
	v9 =	vld.idx.msk [tilespmem:v12+s2+$0x0], $0xffff  }
0x30: {  	v12 =	vor.u32 $0xB, v5;
	v10 =	vsel vm7, v6, v10  }
0x31: {  	v6 =	vsel vm7, v8, v6;
	v8 =	vimm.s32 $0x0;
	vm8 =	vgt.f32 v7, v10  }
0x32: {  	v8 =	vsel vm8, $0xFFFFFFFF, v8;
	v10 =	vsel vm8, v7, v10;
	vm8 =	vgt.f32 v7, v6  }
0x33: {  	[tilespmem:$0x1FDA0] =	vst v8;
	v8 =	vld.idx.msk [tilespmem:v11+s2+$0x0], $0xffff;
	v10 =	vsel vm8, v6, v10  }
0x34: {  	v6 =	vsel vm8, v7, v6;
	v7 =	vimm.s32 $0x0;
	vm9 =	vgt.f32 v9, v10  }
0x35: {  	v11 =	vor.u32 $0xC, v5;
	v7 =	vsel vm9, $0xFFFFFFFF, v7  }
0x36: {  	v10 =	vsel vm9, v9, v10;
	vm9 =	vgt.f32 v9, v6;
	[tilespmem:$0x1FDB0] =	vst v7;
	v7 =	vld.idx.msk [tilespmem:v12+s2+$0x0], $0xffff  }
0x37: {  	v12 =	vor.u32 $0xD, v5;
	v10 =	vsel vm9, v6, v10  }
0x38: {  	v6 =	vsel vm9, v9, v6;
	v9 =	vimm.s32 $0x0;
	vm10 =	vgt.f32 v8, v10  }
0x39: {  	v9 =	vsel vm10, $0xFFFFFFFF, v9;
	v10 =	vsel vm10, v8, v10;
	vm10 =	vgt.f32 v8, v6  }
0x3a: {  	[tilespmem:$0x1FDC0] =	vst v9;
	v9 =	vld.idx.msk [tilespmem:v11+s2+$0x0], $0xffff;
	v11 =	vor.u32 $0xE, v5;
	v10 =	vsel vm10, v6, v10  }
0x3b: {  	v6 =	vsel vm10, v8, v6;
	v8 =	vimm.s32 $0x0;
	vm0 =	vgt.f32 v7, v10  }
0x3c: {  	v13 =	vor.u32 $0xF, v5;
	v14 =	vsel vm14, $0x1, v2;
	v8 =	vsel vm0, $0xFFFFFFFF, v8  }
0x3d: {  	vm1 =	vmand vm1, vm11;
	v10 =	vsel vm0, v7, v10;
	vm0 =	vgt.f32 v7, v6;
	[tilespmem:$0x1FDD0] =	vst v8;
	v8 =	vld.idx.msk [tilespmem:v12+s2+$0x0], $0xffff  }
0x3e: {  	v12 =	vsel vm1, $0x1, v2;
	v10 =	vsel vm0, v6, v10;
	v6 =	vsel vm0, v7, v6  }
0x3f: {  	vm14 =	vgt.f32 v9, v10;
	v7 =	vsel vm12, $0x2, v12;
	vm1 =	vgt.f32 v9, v6  }
0x40: {  	v11 =	vld.idx.msk [tilespmem:v11+s2+$0x0], $0xffff;
	v12 =	vor.u32 $0x10, v5;
	v10 =	vsel vm14, v9, v10;
	v7 =	vsel vm2, v14, v7  }
0x41: {  	v15 =	vld [tilespmem:$0x1FD70];
	v14 =	vsel vm2, $0x2, v14;
	v10 =	vsel vm1, v6, v10;
	v7 =	vsel vm13, $0x3, v7  }
0x42: {  	v6 =	vsel vm1, v9, v6;
	v7 =	vsel vm3, v14, v7;
	vm12 =	vgt.f32 v8, v10  }
0x43: {  	v9 =	vld.idx.msk [tilespmem:v13+s2+$0x0], $0xffff;
	v14 =	vsel vm3, $0x3, v14;
	vm2 =	vgt.f32 v8, v6;
	v10 =	vsel vm12, v8, v10  }
0x44: {  	v7 =	vsel vm15, $0x4, v7;
	vm13 =	vmmov vm12;
	v10 =	vsel vm2, v6, v10  }
0x45: {  	v7 =	vsel vm4, v14, v7;
	v6 =	vsel vm2, v8, v6;
	vm11 =	vgt.f32 v11, v10  }
0x46: {  	vm12 =	vnez.u8 v15;
	vm3 =	vgt.f32 v11, v6;
	v10 =	vsel vm11, v11, v10  }
0x47: {  	v8 =	vld.idx.msk [tilespmem:v12+s2+$0x0], $0xffff;
	v7 =	vsel vm12, $0x5, v7;
	v10 =	vsel vm3, v6, v10  }
0x48: {  	v6 =	vsel vm3, v11, v6;
	v11 =	vimm.s32 $0x0;
	vm12 =	vgt.f32 v9, v10  }
0x49: {  	v13 =	vor.u32 $0x11, v5;
	v11 =	vsel vm12, $0xFFFFFFFF, v11  }
0x4a: {  	v10 =	vsel vm12, v9, v10;
	[tilespmem:$0x1FDE0] =	vst v11;
	v11 =	vsel vm4, $0x4, v14;
	vm4 =	vgt.f32 v9, v6  }
0x4b: {  	v7 =	vsel vm5, v11, v7;
	v10 =	vsel vm4, v6, v10;
	v11 =	vsel vm5, $0x5, v11  }
0x4c: {  	v6 =	vsel vm4, v9, v6;
	v9 =	vimm.s32 $0x0;
	vm5 =	vgt.f32 v8, v10  }
0x4d: {  	v9 =	vsel vm5, $0xFFFFFFFF, v9  }
0x4e: {  	[tilespmem:$0x1FDF0] =	vst v9;
	v9 =	vld [tilespmem:$0x1FD80];
	_ =	sdelay $0x1  }
0x4f: {  	v15 =	vld [tilespmem:$0x1FD90];
	v12 =	vor.u32 $0x12, v5  }
0x50: {  	v13 =	vld.idx.msk [tilespmem:v13+s2+$0x0], $0xffff;
	_ =	sdelay $0x1  }
0x51: {  	v10 =	vsel vm5, v8, v10;
	vm5 =	vgt.f32 v8, v6;
	vm12 =	vnez.u8 v9  }
0x52: {  	v10 =	vsel vm5, v6, v10;
	v7 =	vsel vm12, $0x6, v7  }
0x53: {  	v6 =	vsel vm5, v8, v6;
	v9 =	vld.idx.msk [tilespmem:v12+s2+$0x0], $0xffff;
	vm12 =	vnez.u8 v15;
	v7 =	vsel vm6, v11, v7  }
0x54: {  	v8 =	vimm.s32 $0x0;
	v7 =	vsel vm12, $0x7, v7;
	vm12 =	vgt.f32 v13, v10  }
0x55: {  	v14 =	vor.u32 $0x13, v5;
	v8 =	vsel vm12, $0xFFFFFFFF, v8  }
0x56: {  	v10 =	vsel vm12, v13, v10;
	[tilespmem:$0x1FE00] =	vst v8;
	v8 =	vsel vm6, $0x6, v11;
	vm6 =	vgt.f32 v13, v6  }
0x57: {  	v7 =	vsel vm7, v8, v7;
	v10 =	vsel vm6, v6, v10;
	v8 =	vsel vm7, $0x7, v8  }
0x58: {  	v6 =	vsel vm6, v13, v6;
	v13 =	vimm.s32 $0x0;
	vm7 =	vgt.f32 v9, v10  }
0x59: {  	v13 =	vsel vm7, $0xFFFFFFFF, v13  }
0x5a: {  	[tilespmem:$0x1FE10] =	vst v13;
	v13 =	vld [tilespmem:$0x1FDA0];
	_ =	sdelay $0x1  }
0x5b: {  	v11 =	vld.idx.msk [tilespmem:v14+s2+$0x0], $0xffff;
	_ =	sdelay $0x1  }
0x5c: {  	v10 =	vsel vm7, v9, v10;
	vm7 =	vgt.f32 v9, v6  }
0x5d: {  	v12 =	vor.u32 $0x14, v5;
	v10 =	vsel vm7, v6, v10;
	vm12 =	vnez.u8 v13  }
0x5e: {  	v6 =	vsel vm7, v9, v6;
	v9 =	vimm.s32 $0x0;
	v7 =	vsel vm12, $0x8, v7  }
0x5f: {  	v7 =	vsel vm8, v8, v7;
	v8 =	vsel vm8, $0x8, v8;
	vm8 =	vgt.f32 v11, v10  }
0x60: {  	v9 =	vsel vm8, $0xFFFFFFFF, v9  }
0x61: {  	[tilespmem:$0x1FE20] =	vst v9;
	v9 =	vld [tilespmem:$0x1FDB0];
	_ =	sdelay $0x1  }
0x62: {  	v12 =	vld.idx.msk [tilespmem:v12+s2+$0x0], $0xffff;
	_ =	sdelay $0x1  }
0x63: {  	v10 =	vsel vm8, v11, v10;
	vm8 =	vgt.f32 v11, v6  }
0x64: {  	v14 =	vor.u32 $0x15, v5;
	v10 =	vsel vm8, v6, v10;
	vm12 =	vnez.u8 v9  }
0x65: {  	v6 =	vsel vm8, v11, v6;
	v11 =	vimm.s32 $0x0;
	v7 =	vsel vm12, $0x9, v7  }
0x66: {  	v7 =	vsel vm9, v8, v7;
	v8 =	vsel vm9, $0x9, v8;
	vm9 =	vgt.f32 v12, v10  }
0x67: {  	v11 =	vsel vm9, $0xFFFFFFFF, v11  }
0x68: {  	[tilespmem:$0x1FE30] =	vst v11;
	v11 =	vld [tilespmem:$0x1FDC0];
	_ =	sdelay $0x1  }
0x69: {  	v9 =	vld.idx.msk [tilespmem:v14+s2+$0x0], $0xffff;
	_ =	sdelay $0x1  }
0x6a: {  	v10 =	vsel vm9, v12, v10;
	vm9 =	vgt.f32 v12, v6  }
0x6b: {  	v13 =	vor.u32 $0x16, v5;
	v10 =	vsel vm9, v6, v10;
	vm12 =	vnez.u8 v11  }
0x6c: {  	v6 =	vsel vm9, v12, v6;
	v12 =	vimm.s32 $0x0;
	v7 =	vsel vm12, $0xA, v7  }
0x6d: {  	v7 =	vsel vm10, v8, v7;
	v8 =	vsel vm10, $0xA, v8;
	vm10 =	vgt.f32 v9, v10  }
0x6e: {  	v12 =	vsel vm10, $0xFFFFFFFF, v12  }
0x6f: {  	v14 =	vor.u32 $0x17, v5;
	[tilespmem:$0x1FE40] =	vst v12;
	v12 =	vld [tilespmem:$0x1FDD0]  }
0x70: {  	v11 =	vld.idx.msk [tilespmem:v13+s2+$0x0], $0xffff;
	_ =	sdelay $0x1  }
0x71: {  	v13 =	vor.u32 $0x18, v5  }
0x72: {  	v10 =	vsel vm10, v9, v10;
	vm10 =	vgt.f32 v9, v6  }
0x73: {  	v10 =	vsel vm10, v6, v10;
	v6 =	vsel vm10, v9, v6;
	vm12 =	vnez.u8 v12;
	v12 =	vld.idx.msk [tilespmem:v14+s2+$0x0], $0xffff  }
0x74: {  	v9 =	vimm.s32 $0x0;
	v7 =	vsel vm12, $0xB, v7;
	vm12 =	vgt.f32 v11, v10  }
0x75: {  	v14 =	vor.u32 $0x19, v5;
	v7 =	vsel vm0, v8, v7;
	v9 =	vsel vm12, $0xFFFFFFFF, v9  }
0x76: {  	v8 =	vsel vm0, $0xB, v8;
	v10 =	vsel vm12, v11, v10;
	vm0 =	vgt.f32 v11, v6;
	[tilespmem:$0x1FE50] =	vst v9;
	v9 =	vld.idx.msk [tilespmem:v13+s2+$0x0], $0xffff  }
0x77: {  	v7 =	vsel vm14, $0xC, v7;
	v10 =	vsel vm0, v6, v10  }
0x78: {  	v6 =	vsel vm0, v11, v6;
	v7 =	vsel vm1, v8, v7;
	vm12 =	vgt.f32 v12, v10  }
0x79: {  	v8 =	vsel vm1, $0xC, v8;
	vm1 =	vgt.f32 v12, v6;
	v10 =	vsel vm12, v12, v10  }
0x7a: {  	v13 =	vor.u32 $0x1A, v5;
	v7 =	vsel vm13, $0xD, v7;
	v11 =	vld.idx.msk [tilespmem:v14+s2+$0x0], $0xffff;
	v10 =	vsel vm1, v6, v10  }
0x7b: {  	v7 =	vsel vm2, v8, v7;
	v6 =	vsel vm1, v12, v6;
	vm13 =	vgt.f32 v9, v10  }
0x7c: {  	v8 =	vsel vm2, $0xD, v8;
	vm2 =	vgt.f32 v9, v6;
	v10 =	vsel vm13, v9, v10  }
0x7d: {  	vm15 =	vmmov vm11;
	v10 =	vsel vm2, v6, v10;
	v6 =	vsel vm2, v9, v6;
	v9 =	vld [tilespmem:$0x1FDE0]  }
0x7e: {  	v14 =	vor.u32 $0x1B, v5;
	v7 =	vsel vm15, $0xE, v7  }
0x7f: {  	v12 =	vld.idx.msk [tilespmem:v13+s2+$0x0], $0xffff;
	v7 =	vsel vm3, v8, v7;
	vm14 =	vgt.f32 v11, v10  }
0x80: {  	v8 =	vsel vm3, $0xE, v8;
	vm3 =	vgt.f32 v11, v6;
	v10 =	vsel vm14, v11, v10  }
0x81: {  	v10 =	vsel vm3, v6, v10;
	v6 =	vsel vm3, v11, v6;
	v11 =	vld [tilespmem:$0x1FDF0]  }
0x82: {  	vm15 =	vnez.u8 v9  }
0x83: {  	v9 =	vld.idx.msk [tilespmem:v14+s2+$0x0], $0xffff;
	v7 =	vsel vm15, $0xF, v7  }
0x84: {  	vm15 =	vgt.f32 v12, v10;
	v7 =	vsel vm4, v8, v7  }
0x85: {  	v8 =	vsel vm4, $0xF, v8;
	v10 =	vsel vm15, v12, v10;
	vm4 =	vgt.f32 v12, v6  }
0x86: {  	v13 =	vor.u32 $0x1C, v5;
	vm11 =	vnez.u8 v11;
	v10 =	vsel vm4, v6, v10  }
0x87: {  	v6 =	vsel vm4, v12, v6;
	v12 =	vimm.s32 $0x0;
	v7 =	vsel vm11, $0x10, v7  }
0x88: {  	v7 =	vsel vm5, v8, v7;
	v8 =	vsel vm5, $0x10, v8;
	vm5 =	vgt.f32 v9, v10  }
0x89: {  	v12 =	vsel vm5, $0xFFFFFFFF, v12  }
0x8a: {  	[tilespmem:$0x1FE60] =	vst v12;
	v12 =	vld [tilespmem:$0x1FE00];
	_ =	sdelay $0x1  }
0x8b: {  	v11 =	vld.idx.msk [tilespmem:v13+s2+$0x0], $0xffff;
	_ =	sdelay $0x1  }
0x8c: {  	v10 =	vsel vm5, v9, v10;
	vm5 =	vgt.f32 v9, v6  }
0x8d: {  	v14 =	vor.u32 $0x1D, v5;
	v10 =	vsel vm5, v6, v10;
	vm11 =	vnez.u8 v12  }
0x8e: {  	v6 =	vsel vm5, v9, v6;
	v9 =	vimm.s32 $0x0;
	v7 =	vsel vm11, $0x11, v7  }
0x8f: {  	v7 =	vsel vm6, v8, v7;
	v8 =	vsel vm6, $0x11, v8;
	vm6 =	vgt.f32 v11, v10  }
0x90: {  	v9 =	vsel vm6, $0xFFFFFFFF, v9  }
0x91: {  	[tilespmem:$0x1FE70] =	vst v9;
	v9 =	vld [tilespmem:$0x1FE10];
	_ =	sdelay $0x1  }
0x92: {  	v12 =	vld.idx.msk [tilespmem:v14+s2+$0x0], $0xffff;
	_ =	sdelay $0x1  }
0x93: {  	v10 =	vsel vm6, v11, v10;
	vm6 =	vgt.f32 v11, v6  }
0x94: {  	v13 =	vor.u32 $0x1E, v5;
	v10 =	vsel vm6, v6, v10;
	vm11 =	vnez.u8 v9  }
0x95: {  	v6 =	vsel vm6, v11, v6;
	v11 =	vimm.s32 $0x0;
	v7 =	vsel vm11, $0x12, v7  }
0x96: {  	v7 =	vsel vm7, v8, v7;
	v8 =	vsel vm7, $0x12, v8;
	vm7 =	vgt.f32 v12, v10  }
0x97: {  	v11 =	vsel vm7, $0xFFFFFFFF, v11  }
0x98: {  	[tilespmem:$0x1FE80] =	vst v11;
	v11 =	vld [tilespmem:$0x1FE20];
	_ =	sdelay $0x1  }
0x99: {  	v9 =	vld.idx.msk [tilespmem:v13+s2+$0x0], $0xffff;
	_ =	sdelay $0x1  }
0x9a: {  	v10 =	vsel vm7, v12, v10;
	vm7 =	vgt.f32 v12, v6  }
0x9b: {  	v14 =	vor.u32 $0x1F, v5;
	v10 =	vsel vm7, v6, v10;
	vm11 =	vnez.u8 v11  }
0x9c: {  	v6 =	vsel vm7, v12, v6;
	v12 =	vimm.s32 $0x0;
	v7 =	vsel vm11, $0x13, v7  }
0x9d: {  	v7 =	vsel vm8, v8, v7;
	v8 =	vsel vm8, $0x13, v8;
	vm8 =	vgt.f32 v9, v10  }
0x9e: {  	v12 =	vsel vm8, $0xFFFFFFFF, v12  }
0x9f: {  	[tilespmem:$0x1FE90] =	vst v12;
	v12 =	vld [tilespmem:$0x1FE30];
	_ =	sdelay $0x1  }
0xa0: {  	v11 =	vld.idx.msk [tilespmem:v14+s2+$0x0], $0xffff;
	_ =	sdelay $0x1  }
0xa1: {  	v10 =	vsel vm8, v9, v10;
	vm8 =	vgt.f32 v9, v6  }
0xa2: {  	v13 =	vor.u32 $0x20, v5;
	v10 =	vsel vm8, v6, v10;
	vm11 =	vnez.u8 v12  }
0xa3: {  	v6 =	vsel vm8, v9, v6;
	v9 =	vimm.s32 $0x0;
	v7 =	vsel vm11, $0x14, v7  }
0xa4: {  	v7 =	vsel vm9, v8, v7;
	v8 =	vsel vm9, $0x14, v8;
	vm9 =	vgt.f32 v11, v10  }
0xa5: {  	v9 =	vsel vm9, $0xFFFFFFFF, v9  }
0xa6: {  	[tilespmem:$0x1FEA0] =	vst v9;
	v9 =	vld [tilespmem:$0x1FE40];
	_ =	sdelay $0x1  }
0xa7: {  	v12 =	vld.idx.msk [tilespmem:v13+s2+$0x0], $0xffff;
	_ =	sdelay $0x1  }
0xa8: {  	v10 =	vsel vm9, v11, v10;
	vm9 =	vgt.f32 v11, v6  }
0xa9: {  	v14 =	vor.u32 $0x21, v5;
	v10 =	vsel vm9, v6, v10;
	vm11 =	vnez.u8 v9  }
0xaa: {  	v6 =	vsel vm9, v11, v6;
	v11 =	vimm.s32 $0x0;
	v7 =	vsel vm11, $0x15, v7  }
0xab: {  	v7 =	vsel vm10, v8, v7;
	v8 =	vsel vm10, $0x15, v8;
	vm10 =	vgt.f32 v12, v10  }
0xac: {  	v11 =	vsel vm10, $0xFFFFFFFF, v11  }
0xad: {  	v13 =	vor.u32 $0x22, v5;
	[tilespmem:$0x1FEB0] =	vst v11;
	v11 =	vld [tilespmem:$0x1FE50]  }
0xae: {  	v9 =	vld.idx.msk [tilespmem:v14+s2+$0x0], $0xffff;
	_ =	sdelay $0x1  }
0xaf: {  	v14 =	vor.u32 $0x23, v5;
	v10 =	vsel vm10, v12, v10;
	vm10 =	vgt.f32 v12, v6  }
0xb0: {  	v10 =	vsel vm10, v6, v10  }
0xb1: {  	v6 =	vsel vm10, v12, v6;
	v12 =	vimm.s32 $0x0;
	vm11 =	vnez.u8 v11;
	v11 =	vld.idx.msk [tilespmem:v13+s2+$0x0], $0xffff  }
0xb2: {  	v13 =	vor.u32 $0x24, v5;
	v7 =	vsel vm11, $0x16, v7;
	vm11 =	vgt.f32 v9, v10  }
0xb3: {  	v7 =	vsel vm0, v8, v7;
	v12 =	vsel vm11, $0xFFFFFFFF, v12  }
0xb4: {  	v8 =	vsel vm0, $0x16, v8;
	v10 =	vsel vm11, v9, v10;
	vm0 =	vgt.f32 v9, v6;
	[tilespmem:$0x1FEC0] =	vst v12;
	v12 =	vld.idx.msk [tilespmem:v14+s2+$0x0], $0xffff  }
0xb5: {  	v7 =	vsel vm12, $0x17, v7;
	v14 =	vor.u32 $0x25, v5;
	v10 =	vsel vm0, v6, v10  }
0xb6: {  	v6 =	vsel vm0, v9, v6;
	v7 =	vsel vm1, v8, v7;
	vm12 =	vgt.f32 v11, v10  }
0xb7: {  	v8 =	vsel vm1, $0x17, v8;
	v9 =	vld.idx.msk [tilespmem:v13+s2+$0x0], $0xffff;
	vm1 =	vgt.f32 v11, v6;
	v10 =	vsel vm12, v11, v10  }
0xb8: {  	v7 =	vsel vm13, $0x18, v7;
	v10 =	vsel vm1, v6, v10  }
0xb9: {  	v7 =	vsel vm2, v8, v7;
	v6 =	vsel vm1, v11, v6;
	vm13 =	vgt.f32 v12, v10  }
0xba: {  	v8 =	vsel vm2, $0x18, v8;
	vm2 =	vgt.f32 v12, v6;
	v10 =	vsel vm13, v12, v10  }
0xbb: {  	v13 =	vor.u32 $0x26, v5;
	v7 =	vsel vm14, $0x19, v7;
	v10 =	vsel vm2, v6, v10  }
0xbc: {  	v11 =	vld.idx.msk [tilespmem:v14+s2+$0x0], $0xffff;
	v7 =	vsel vm3, v8, v7;
	v6 =	vsel vm2, v12, v6;
	vm14 =	vgt.f32 v9, v10  }
0xbd: {  	v8 =	vsel vm3, $0x19, v8;
	vm3 =	vgt.f32 v9, v6;
	v10 =	vsel vm14, v9, v10  }
0xbe: {  	v10 =	vsel vm3, v6, v10;
	v6 =	vsel vm3, v9, v6;
	v9 =	vld [tilespmem:$0x1FE60];
	_ =	sdelay $0x1  }
0xbf: {  	v7 =	vsel vm15, $0x1A, v7;
	v12 =	vld.idx.msk [tilespmem:v13+s2+$0x0], $0xffff  }
0xc0: {  	v7 =	vsel vm4, v8, v7;
	vm15 =	vgt.f32 v11, v10  }
0xc1: {  	v8 =	vsel vm4, $0x1A, v8;
	vm4 =	vgt.f32 v11, v6;
	v10 =	vsel vm15, v11, v10  }
0xc2: {  	v14 =	vor.u32 $0x27, v5;
	v10 =	vsel vm4, v6, v10;
	vm11 =	vnez.u8 v9  }
0xc3: {  	v6 =	vsel vm4, v11, v6;
	v11 =	vimm.s32 $0x0;
	v7 =	vsel vm11, $0x1B, v7  }
0xc4: {  	v7 =	vsel vm5, v8, v7;
	v8 =	vsel vm5, $0x1B, v8;
	vm5 =	vgt.f32 v12, v10  }
0xc5: {  	v11 =	vsel vm5, $0xFFFFFFFF, v11  }
0xc6: {  	[tilespmem:$0x1FED0] =	vst v11;
	v11 =	vld [tilespmem:$0x1FE70];
	_ =	sdelay $0x1  }
0xc7: {  	v9 =	vld.idx.msk [tilespmem:v14+s2+$0x0], $0xffff;
	_ =	sdelay $0x1  }
0xc8: {  	v10 =	vsel vm5, v12, v10;
	vm5 =	vgt.f32 v12, v6  }
0xc9: {  	v13 =	vor.u32 $0x28, v5;
	v10 =	vsel vm5, v6, v10;
	vm11 =	vnez.u8 v11  }
0xca: {  	v6 =	vsel vm5, v12, v6;
	v12 =	vimm.s32 $0x0;
	v7 =	vsel vm11, $0x1C, v7  }
0xcb: {  	v7 =	vsel vm6, v8, v7;
	v8 =	vsel vm6, $0x1C, v8;
	vm6 =	vgt.f32 v9, v10  }
0xcc: {  	v12 =	vsel vm6, $0xFFFFFFFF, v12  }
0xcd: {  	[tilespmem:$0x1FEE0] =	vst v12;
	v12 =	vld [tilespmem:$0x1FE80];
	_ =	sdelay $0x1  }
0xce: {  	v11 =	vld.idx.msk [tilespmem:v13+s2+$0x0], $0xffff;
	_ =	sdelay $0x1  }
0xcf: {  	v10 =	vsel vm6, v9, v10;
	vm6 =	vgt.f32 v9, v6  }
0xd0: {  	v14 =	vor.u32 $0x29, v5;
	v10 =	vsel vm6, v6, v10;
	vm11 =	vnez.u8 v12  }
0xd1: {  	v6 =	vsel vm6, v9, v6;
	v9 =	vimm.s32 $0x0;
	v7 =	vsel vm11, $0x1D, v7  }
0xd2: {  	v7 =	vsel vm7, v8, v7;
	v8 =	vsel vm7, $0x1D, v8;
	vm7 =	vgt.f32 v11, v10  }
0xd3: {  	v9 =	vsel vm7, $0xFFFFFFFF, v9  }
0xd4: {  	[tilespmem:$0x1FEF0] =	vst v9;
	v9 =	vld [tilespmem:$0x1FE90];
	_ =	sdelay $0x1  }
0xd5: {  	v12 =	vld.idx.msk [tilespmem:v14+s2+$0x0], $0xffff;
	_ =	sdelay $0x1  }
0xd6: {  	v10 =	vsel vm7, v11, v10;
	vm7 =	vgt.f32 v11, v6  }
0xd7: {  	v13 =	vor.u32 $0x2A, v5;
	v10 =	vsel vm7, v6, v10;
	vm11 =	vnez.u8 v9  }
0xd8: {  	v6 =	vsel vm7, v11, v6;
	v11 =	vimm.s32 $0x0;
	v7 =	vsel vm11, $0x1E, v7  }
0xd9: {  	v7 =	vsel vm8, v8, v7;
	v8 =	vsel vm8, $0x1E, v8;
	vm8 =	vgt.f32 v12, v10  }
0xda: {  	v11 =	vsel vm8, $0xFFFFFFFF, v11  }
0xdb: {  	[tilespmem:$0x1FF00] =	vst v11;
	v11 =	vld [tilespmem:$0x1FEA0];
	_ =	sdelay $0x1  }
0xdc: {  	v9 =	vld.idx.msk [tilespmem:v13+s2+$0x0], $0xffff;
	_ =	sdelay $0x1  }
0xdd: {  	v10 =	vsel vm8, v12, v10;
	vm8 =	vgt.f32 v12, v6  }
0xde: {  	v14 =	vor.u32 $0x2B, v5;
	v10 =	vsel vm8, v6, v10;
	vm11 =	vnez.u8 v11  }
0xdf: {  	v6 =	vsel vm8, v12, v6;
	v12 =	vimm.s32 $0x0;
	v7 =	vsel vm11, $0x1F, v7  }
0xe0: {  	v7 =	vsel vm9, v8, v7;
	v8 =	vsel vm9, $0x1F, v8;
	vm9 =	vgt.f32 v9, v10  }
0xe1: {  	v12 =	vsel vm9, $0xFFFFFFFF, v12  }
0xe2: {  	[tilespmem:$0x1FF10] =	vst v12;
	v12 =	vld [tilespmem:$0x1FEB0];
	_ =	sdelay $0x1  }
0xe3: {  	v11 =	vld.idx.msk [tilespmem:v14+s2+$0x0], $0xffff;
	_ =	sdelay $0x1  }
0xe4: {  	v10 =	vsel vm9, v9, v10;
	vm9 =	vgt.f32 v9, v6  }
0xe5: {  	v13 =	vor.u32 $0x2C, v5;
	v10 =	vsel vm9, v6, v10;
	vm11 =	vnez.u8 v12  }
0xe6: {  	v6 =	vsel vm9, v9, v6;
	v9 =	vimm.s32 $0x0;
	v7 =	vsel vm11, $0x20, v7  }
0xe7: {  	v7 =	vsel vm10, v8, v7;
	v8 =	vsel vm10, $0x20, v8;
	vm10 =	vgt.f32 v11, v10  }
0xe8: {  	v9 =	vsel vm10, $0xFFFFFFFF, v9  }
0xe9: {  	[tilespmem:$0x1FF20] =	vst v9;
	v9 =	vld [tilespmem:$0x1FEC0]  }
0xea: {  	v14 =	vor.u32 $0x2D, v5  }
0xeb: {  	v12 =	vld.idx.msk [tilespmem:v13+s2+$0x0], $0xffff;
	_ =	sdelay $0x1  }
0xec: {  	v13 =	vor.u32 $0x2E, v5;
	v10 =	vsel vm10, v11, v10;
	vm10 =	vgt.f32 v11, v6  }
0xed: {  	v10 =	vsel vm10, v6, v10;
	vm11 =	vnez.u8 v9  }
0xee: {  	v6 =	vsel vm10, v11, v6;
	v11 =	vimm.s32 $0x0;
	v9 =	vld.idx.msk [tilespmem:v14+s2+$0x0], $0xffff;
	v7 =	vsel vm11, $0x21, v7  }
0xef: {  	v14 =	vor.u32 $0x2F, v5;
	vm11 =	vgt.f32 v12, v10;
	v7 =	vsel vm0, v8, v7  }
0xf0: {  	v8 =	vsel vm0, $0x21, v8;
	v11 =	vsel vm11, $0xFFFFFFFF, v11;
	v10 =	vsel vm11, v12, v10  }
0xf1: {  	vm11 =	vgt.f32 v12, v6;
	[tilespmem:$0x1FF30] =	vst v11;
	v7 =	vsel vm12, $0x22, v7;
	v11 =	vld.idx.msk [tilespmem:v13+s2+$0x0], $0xffff;
	v13 =	vimm.s32 $0x0  }
0xf2: {  	v10 =	vsel vm11, v6, v10;
	v6 =	vsel vm11, v12, v6;
	v13 =	vsel vm11, $0xFFFFFFFF, v13  }
0xf3: {  	v12 =	vimm.s32 $0x0;
	[tilespmem:$0x1FF40] =	vst v13;
	v13 =	vor.u32 $0x30, v5;
	vm12 =	vgt.f32 v9, v10  }
0xf4: {  	v7 =	vsel vm1, v8, v7;
	v8 =	vsel vm1, $0x22, v8;
	v12 =	vsel vm12, $0xFFFFFFFF, v12  }
0xf5: {  	v7 =	vsel vm13, $0x23, v7;
	vm1 =	vgt.f32 v9, v6;
	v10 =	vsel vm12, v9, v10;
	[tilespmem:$0x1FF50] =	vst v12;
	v12 =	vld.idx.msk [tilespmem:v14+s2+$0x0], $0xffff  }
0xf6: {  	v7 =	vsel vm2, v8, v7;
	v14 =	vor.u32 $0x31, v5;
	v10 =	vsel vm1, v6, v10  }
0xf7: {  	v8 =	vsel vm2, $0x23, v8;
	v6 =	vsel vm1, v9, v6;
	vm2 =	vgt.f32 v11, v10  }
0xf8: {  	v7 =	vsel vm14, $0x24, v7;
	vm12 =	vgt.f32 v11, v6;
	v10 =	vsel vm2, v11, v10;
	v9 =	vld.idx.msk [tilespmem:v13+s2+$0x0], $0xffff  }
0xf9: {  	v7 =	vsel vm3, v8, v7;
	v10 =	vsel vm12, v6, v10  }
0xfa: {  	v8 =	vsel vm3, $0x24, v8;
	v6 =	vsel vm12, v11, v6;
	vm3 =	vgt.f32 v12, v10  }
0xfb: {  	v11 =	vld.idx.msk [tilespmem:v14+s2+$0x0], $0xffff;
	vm13 =	vgt.f32 v12, v6;
	v10 =	vsel vm3, v12, v10  }
0xfc: {  	v10 =	vsel vm13, v6, v10  }
0xfd: {  	v6 =	vsel vm13, v12, v6;
	v12 =	vimm.s32 $0x0;
	vm14 =	vgt.f32 v9, v10  }
0xfe: {  	v12 =	vsel vm14, $0xFFFFFFFF, v12;
	v10 =	vsel vm14, v9, v10;
	vm14 =	vgt.f32 v9, v6  }
0xff: {  	v13 =	vor.u32 $0x32, v5;
	v10 =	vsel vm14, v6, v10  }
0x100: {  	[tilespmem:$0x1FF60] =	vst v12;
	v12 =	vld [tilespmem:$0x1FED0];
	v6 =	vsel vm14, v9, v6;
	v9 =	vimm.s32 $0x0;
	vm11 =	vgt.f32 v11, v10  }
0x101: {  	v9 =	vsel vm11, $0xFFFFFFFF, v9  }
0x102: {  	[tilespmem:$0x1FF70] =	vst v9;
	v9 =	vld [tilespmem:$0x1FEE0];
	_ =	sdelay $0x1  }
0x103: {  	v7 =	vsel vm15, $0x25, v7  }
0x104: {  	v7 =	vsel vm4, v8, v7;
	v14 =	vor.u32 $0x33, v5;
	vm15 =	vnez.u8 v12;
	v12 =	vld.idx.msk [tilespmem:v13+s2+$0x0], $0xffff  }
0x105: {  	v8 =	vsel vm4, $0x25, v8;
	v7 =	vsel vm15, $0x26, v7  }
0x106: {  	v7 =	vsel vm5, v8, v7;
	vm15 =	vnez.u8 v9  }
0x107: {  	v10 =	vsel vm11, v11, v10;
	v7 =	vsel vm15, $0x27, v7;
	vm15 =	vgt.f32 v11, v6  }
0x108: {  	v10 =	vsel vm15, v6, v10  }
0x109: {  	v9 =	vld.idx.msk [tilespmem:v14+s2+$0x0], $0xffff;
	v6 =	vsel vm15, v11, v6;
	v11 =	vimm.s32 $0x0;
	vm0 =	vgt.f32 v12, v10  }
0x10a: {  	v11 =	vsel vm0, $0xFFFFFFFF, v11  }
0x10b: {  	[tilespmem:$0x1FF80] =	vst v11;
	v11 =	vld [tilespmem:$0x1FEF0]  }
0x10c: {  	v10 =	vsel vm0, v12, v10;
	vm0 =	vgt.f32 v12, v6  }
0x10d: {  	v13 =	vor.u32 $0x34, v5;
	v10 =	vsel vm0, v6, v10  }
0x10e: {  	v6 =	vsel vm0, v12, v6;
	v12 =	vimm.s32 $0x0;
	vm4 =	vgt.f32 v9, v10  }
0x10f: {  	v8 =	vsel vm5, $0x26, v8;
	v12 =	vsel vm4, $0xFFFFFFFF, v12  }
0x110: {  	v14 =	vor.u32 $0x35, v5;
	v7 =	vsel vm6, v8, v7;
	[tilespmem:$0x1FF90] =	vst v12;
	v12 =	vld [tilespmem:$0x1FF00];
	vm11 =	vnez.u8 v11  }
0x111: {  	v8 =	vsel vm6, $0x27, v8;
	v10 =	vsel vm4, v9, v10;
	v7 =	vsel vm11, $0x28, v7  }
0x112: {  	v11 =	vld.idx.msk [tilespmem:v13+s2+$0x0], $0xffff;
	v7 =	vsel vm7, v8, v7;
	v8 =	vsel vm7, $0x28, v8;
	vm7 =	vgt.f32 v9, v6  }
0x113: {  	v10 =	vsel vm7, v6, v10;
	v6 =	vsel vm7, v9, v6;
	v9 =	vld [tilespmem:$0x1FF10];
	_ =	sdelay $0x1  }
0x114: {  	vm11 =	vnez.u8 v12  }
0x115: {  	v12 =	vld.idx.msk [tilespmem:v14+s2+$0x0], $0xffff;
	v7 =	vsel vm11, $0x29, v7  }
0x116: {  	v7 =	vsel vm8, v8, v7  }
0x117: {  	v8 =	vsel vm8, $0x29, v8;
	vm8 =	vgt.f32 v11, v10;
	vm11 =	vnez.u8 v9  }
0x118: {  	v10 =	vsel vm8, v11, v10;
	v7 =	vsel vm11, $0x2A, v7;
	vm11 =	vgt.f32 v11, v6  }
0x119: {  	v13 =	vor.u32 $0x36, v5;
	v10 =	vsel vm11, v6, v10  }
0x11a: {  	v6 =	vsel vm11, v11, v6;
	v11 =	vimm.s32 $0x0;
	vm5 =	vgt.f32 v12, v10  }
0x11b: {  	v11 =	vsel vm5, $0xFFFFFFFF, v11  }
0x11c: {  	[tilespmem:$0x1FFA0] =	vst v11;
	v11 =	vld [tilespmem:$0x1FF20];
	_ =	sdelay $0x2  }
0x11d: {  	v9 =	vld.idx.msk [tilespmem:v13+s2+$0x0], $0xffff;
	_ =	sdelay $0x1  }
0x11e: {  	v7 =	vsel vm9, v8, v7;
	v8 =	vsel vm9, $0x2A, v8;
	vm9 =	vnez.u8 v11  }
0x11f: {  	v10 =	vsel vm5, v12, v10;
	v7 =	vsel vm9, $0x2B, v7;
	vm9 =	vgt.f32 v12, v6  }
0x120: {  	v14 =	vor.u32 $0x37, v5;
	v10 =	vsel vm9, v6, v10  }
0x121: {  	v6 =	vsel vm9, v12, v6;
	v12 =	vimm.s32 $0x0;
	vm5 =	vgt.f32 v9, v10  }
0x122: {  	v12 =	vsel vm5, $0xFFFFFFFF, v12  }
0x123: {  	[tilespmem:$0x1FFB0] =	vst v12;
	v12 =	vld [tilespmem:$0x1FF30];
	_ =	sdelay $0x2  }
0x124: {  	v11 =	vld.idx.msk [tilespmem:v14+s2+$0x0], $0xffff  }
0x125: {  	v13 =	vor.u32 $0x38, v5  }
0x126: {  	v7 =	vsel vm10, v8, v7;
	v8 =	vsel vm10, $0x2B, v8;
	vm10 =	vnez.u8 v12  }
0x127: {  	v10 =	vsel vm5, v9, v10;
	v7 =	vsel vm10, $0x2C, v7;
	vm10 =	vgt.f32 v9, v6  }
0x128: {  	v15 =	vld [tilespmem:$0x1FF40];
	v10 =	vsel vm10, v6, v10  }
0x129: {  	v6 =	vsel vm10, v9, v6;
	v9 =	vimm.s32 $0x0;
	vm5 =	vgt.f32 v11, v10  }
0x12a: {  	v12 =	vld.idx.msk [tilespmem:v13+s2+$0x0], $0xffff;
	v9 =	vsel vm5, $0xFFFFFFFF, v9  }
0x12b: {  	v14 =	vor.u32 $0x39, v5;
	[tilespmem:$0x1FFC0] =	vst v9;
	v9 =	vld [tilespmem:$0x1FF50];
	_ =	sdelay $0x1  }
0x12c: {  	vm4 =	vnez.u8 v15;
	v13 =	vor.u32 $0x3A, v5  }
0x12d: {  	v7 =	vsel vm4, v8, v7;
	vm6 =	vgt.f32 v11, v6;
	v10 =	vsel vm5, v11, v10  }
0x12e: {  	v8 =	vsel vm4, $0x2C, v8;
	v10 =	vsel vm6, v6, v10;
	v6 =	vsel vm6, v11, v6  }
0x12f: {  	v11 =	vimm.s32 $0x0;
	vm5 =	vgt.f32 v12, v10;
	vm4 =	vnez.u8 v9;
	v9 =	vld.idx.msk [tilespmem:v14+s2+$0x0], $0xffff  }
0x130: {  	v11 =	vsel vm5, $0xFFFFFFFF, v11  }
0x131: {  	v10 =	vsel vm5, v12, v10;
	vm5 =	vgt.f32 v12, v6;
	[tilespmem:$0x1FFD0] =	vst v11;
	v7 =	vsel vm4, $0x2D, v7  }
0x132: {  	v11 =	vld.idx.msk [tilespmem:v13+s2+$0x0], $0xffff;
	v10 =	vsel vm5, v6, v10;
	v6 =	vsel vm5, v12, v6;
	v7 =	vsel vm1, v8, v7  }
0x133: {  	v14 =	vor.u32 $0x3B, v5;
	v8 =	vsel vm1, $0x2D, v8;
	v7 =	vsel vm2, $0x2E, v7  }
0x134: {  	v7 =	vsel vm12, v8, v7;
	v8 =	vsel vm12, $0x2E, v8;
	vm12 =	vgt.f32 v9, v10  }
0x135: {  	v7 =	vsel vm3, $0x2F, v7;
	vm4 =	vgt.f32 v9, v6;
	v10 =	vsel vm12, v9, v10  }
0x136: {  	v7 =	vsel vm13, v8, v7;
	v8 =	vsel vm13, $0x2F, v8;
	v10 =	vsel vm4, v6, v10  }
0x137: {  	v6 =	vsel vm4, v9, v6;
	v9 =	vimm.s32 $0x0;
	vm13 =	vgt.f32 v11, v10  }
0x138: {  	v13 =	vor.u32 $0x3C, v5;
	v9 =	vsel vm13, $0xFFFFFFFF, v9  }
0x139: {  	v12 =	vimm.s32 $0x0;
	vm3 =	vgt.f32 v11, v6;
	v10 =	vsel vm13, v11, v10;
	[tilespmem:$0x1FFF0] =	vst v9;
	v9 =	vld [tilespmem:$0x1FF60]  }
0x13a: {  	v12 =	vsel vm12, $0xFFFFFFFF, v12;
	v10 =	vsel vm3, v6, v10;
	v6 =	vsel vm3, v11, v6;
	v11 =	vld [tilespmem:$0x1FF70]  }
0x13b: {  	[tilespmem:$0x1FFE0] =	vst v12;
	v12 =	vld.idx.msk [tilespmem:v14+s2+$0x0], $0xffff;
	_ =	sdelay $0x2  }
0x13c: {  	vm12 =	vnez.u8 v9;
	v9 =	vld.idx.msk [tilespmem:v13+s2+$0x0], $0xffff  }
0x13d: {  	v14 =	vor.u32 $0x3D, v5;
	vm13 =	vnez.u8 v11;
	v7 =	vsel vm12, $0x30, v7  }
0x13e: {  	v7 =	vsel vm14, v8, v7;
	v8 =	vsel vm14, $0x30, v8;
	vm14 =	vgt.f32 v12, v10  }
0x13f: {  	vm2 =	vgt.f32 v12, v6;
	v7 =	vsel vm13, $0x31, v7;
	v10 =	vsel vm14, v12, v10  }
0x140: {  	v7 =	vsel vm15, v8, v7;
	v10 =	vsel vm2, v6, v10  }
0x141: {  	v8 =	vsel vm15, $0x31, v8;
	v6 =	vsel vm2, v12, v6;
	v12 =	vld [tilespmem:$0x1FF80];
	vm15 =	vgt.f32 v9, v10  }
0x142: {  	v11 =	vld.idx.msk [tilespmem:v14+s2+$0x0], $0xffff;
	vm1 =	vgt.f32 v9, v6;
	v10 =	vsel vm15, v9, v10  }
0x143: {  	v10 =	vsel vm1, v6, v10;
	v6 =	vsel vm1, v9, v6;
	v9 =	vld [tilespmem:$0x1FF90];
	_ =	sdelay $0x2  }
0x144: {  	vm12 =	vnez.u8 v12  }
0x145: {  	v7 =	vsel vm12, $0x32, v7;
	vm12 =	vgt.f32 v11, v10  }
0x146: {  	vm13 =	vnez.u8 v9;
	v9 =	vsel vm12, v11, v10;
	v10 =	vld [tilespmem:$0x1FFA0];
	_ =	sdelay $0x1  }
0x147: {  	v13 =	vor.u32 $0x3E, v5;
	_ =	sdelay $0x1  }
0x148: {  	v5 =	vor.u32 $0x3F, v5;
	v7 =	vsel vm0, v8, v7  }
0x149: {  	v7 =	vsel vm13, $0x33, v7;
	vm13 =	vnez.u8 v10;
	v10 =	vld [tilespmem:$0x1FFB0]  }
0x14a: {  	v8 =	vsel vm0, $0x32, v8  }
0x14b: {  	v12 =	vld.idx.msk [tilespmem:v13+s2+$0x0], $0xffff;
	v7 =	vsel vm7, v8, v7  }
0x14c: {  	v8 =	vsel vm7, $0x33, v8;
	v7 =	vsel vm8, $0x34, v7  }
0x14d: {  	v5 =	vld.idx.msk [tilespmem:v5+s2+$0x0], $0xffff;
	v7 =	vsel vm11, v8, v7  }
0x14e: {  	vm0 =	vgt.f32 v11, v6;
	v7 =	vsel vm13, $0x35, v7;
	vm13 =	vnez.u8 v10;
	v10 =	vld [tilespmem:$0x1FFC0]  }
0x14f: {  	v9 =	vsel vm0, v6, v9  }
0x150: {  	v6 =	vsel vm0, v11, v6;
	vm8 =	vgt.f32 v12, v9  }
0x151: {  	vm7 =	vgt.f32 v12, v6;
	v9 =	vsel vm8, v12, v9;
	v8 =	vsel vm11, $0x34, v8  }
0x152: {  	v9 =	vsel vm7, v6, v9;
	v6 =	vsel vm7, v12, v6;
	v7 =	vsel vm9, v8, v7  }
0x153: {  	vm11 =	vgt.f32 v5, v9;
	v7 =	vsel vm13, $0x36, v7;
	vm13 =	vnez.u8 v10;
	v10 =	vld [tilespmem:$0x1FFD0]  }
0x154: {  	v8 =	vsel vm9, $0x35, v8;
	v9 =	vsel vm11, v5, v9;
	vm9 =	vgt.f32 v5, v6  }
0x155: {  	v9 =	vsel vm9, v6, v9;
	v5 =	vsel vm9, v5, v6  }
0x156: {  	v6 =	vsel vm10, v8, v7;
	v7 =	vadd.f32 v9, v5  }
0x157: {  	v8 =	vsel vm10, $0x36, v8;
	v6 =	vsel vm13, $0x37, v6  }
0x158: {  	v7 =	vadd.f32 $9.999999710e-10, v7;
	v6 =	vsel vm6, v8, v6;
	vm13 =	vnez.u8 v10  }
0x159: {  	v8 =	vsel vm6, $0x37, v8;
	v6 =	vsel vm13, $0x38, v6  }
0x15a: {  	(erf) = vrcp.f32 v7;
	v7 =	vsel vm5, $0x38, v8;
	v6 =	vsel vm5, v8, v6;
	v8 =	vld [tilespmem:$0x1FFE0];
	_ =	sdelay $0x4  }
0x15b: {  	vm10 =	vnez.u8 v8;
	v8 =	vld [tilespmem:$0x1FFF0];
	_ =	sdelay $0x3  }
0x15c: {  	v6 =	vsel vm10, $0x39, v6  }
0x15d: {  	v6 =	vsel vm4, v7, v6;
	vm13 =	vnez.u8 v8  }
0x15e: {  	v7 =	vsel vm4, $0x39, v7;
	v6 =	vsel vm13, $0x3A, v6  }
0x15f: {  	v6 =	vsel vm3, v7, v6  }
0x160: {  	v7 =	vsel vm3, $0x3A, v7;
	v6 =	vsel vm14, $0x3B, v6  }
0x161: {  	v6 =	vsel vm2, v7, v6  }
0x162: {  	v7 =	vsel vm2, $0x3B, v7;
	v6 =	vsel vm15, $0x3C, v6  }
0x163: {  	v8 =	vshll.u32 v4, $0x1;
	v4 =	vsel vm1, v7, v6  }
0x164: {  	v6 =	vsel vm1, $0x3C, v7;
	v4 =	vsel vm12, $0x3D, v4  }
0x165: {  	v11 =	vpop (erf);
	v7 =	vor.u32 $0x1, v8;
	v4 =	vsel vm0, v6, v4  }
0x166: {  	v5 =	vmul.f32 v11, v5;
	v10 =	vsel vm0, $0x3D, v6;
	v4 =	vsel vm8, $0x3E, v4  }
0x167: {  	v6 =	vsel vm7, $0x3E, v10;
	v4 =	vsel vm7, v10, v4  }
0x168: {  	v9 =	vmul.f32 v11, v9;
	[tilespmem:v8+s9+$0x0] =	vst.idx.msk $0xffff, v5;
	v13 =	vsel vm9, $0x3F, v6;
	v5 =	vsel vm11, $0x3F, v4  }
0x169: {  	s13 =	simm.s32 $0x10;
	v12 =	vsel vm9, v6, v5  }
0x16a: {  	v4 =	vor.u32 s13, v1;
	[tilespmem:v7+s9+$0x0] =	vst.idx.msk $0xffff, v9  }
0x16b: {  	v5 =	vshll.u32 v4, $0x6;
	[tilespmem:v8+s10+$0x0] =	vst.idx.msk $0xffff, v13  }
0x16c: {  	v11 =	vor.u32 $0x1, v5;
	v10 =	vor.u32 $0x2, v5;
	v8 =	vor.u32 $0x3, v5;
	[tilespmem:v7+s10+$0x0] =	vst.idx.msk $0xffff, v12  }
0x16d: {  	s13 =	simm.s32 $0x20;
	v9 =	vor.u32 $0x4, v5;
	v7 =	vor.u32 $0x5, v5;
	v6 =	vor.u32 $0x6, v5;
	[tilespmem:v13+s11+$0x0] =	vst.idx.add.f32.msk $0xffff, v3  }
.LBB2_2:
0x16e: {  	p0 =	sne.s32 s13, $0x1F0;
	v13 =	vor.u32 $0x7, v5;
	v38 =	vor.u32 $0x8, v5;
	v39 =	vor.u32 $0x9, v5;
	[tilespmem:v12+s11+$0x0] =	vst.idx.add.f32.msk $0xffff, v3;
	s14 =	smov.u32 s13;
	s13 =	sadd.s32 $0x10, s13  }
0x16f: {  	v17 =	vor.u32 $0xA, v5;
	v16 =	vor.u32 $0xB, v5;
	v14 =	vor.u32 $0xC, v5  }
0x170: {  	v27 =	vor.u32 $0xD, v5;
	v18 =	vor.u32 $0xE, v5;
	v19 =	vor.u32 $0xF, v5;
	v40 =	vld.idx.msk [tilespmem:v5+s2+$0x0], $0xffff  }
0x171: {  	v20 =	vor.u32 $0x10, v5;
	v21 =	vor.u32 $0x11, v5;
	v23 =	vor.u32 $0x12, v5;
	v11 =	vld.idx.msk [tilespmem:v11+s2+$0x0], $0xffff  }
0x172: {  	v25 =	vor.u32 $0x13, v5;
	v26 =	vor.u32 $0x14, v5;
	v22 =	vor.u32 $0x15, v5  }
0x173: {  	v24 =	vor.u32 $0x16, v5;
	v32 =	vor.u32 $0x17, v5;
	v31 =	vor.u32 $0x18, v5  }
0x174: {  	v28 =	vor.u32 $0x19, v5;
	v33 =	vor.u32 $0x1A, v5;
	v30 =	vor.u32 $0x1B, v5;
	v41 =	vld.idx.msk [tilespmem:v10+s2+$0x0], $0xffff  }
0x175: {  	v37 =	vor.u32 $0x1C, v5;
	v34 =	vor.u32 $0x1D, v5;
	v35 =	vor.u32 $0x1E, v5  }
0x176: {  	v36 =	vor.u32 $0x1F, v5;
	v29 =	vor.u32 $0x20, v5;
	v15 =	vor.u32 $0x21, v5  }
0x177: {  	v12 =	vor.u32 $0x22, v5;
	vm0 =	vgt.f32 v11, v40;
	vm1 =	vgt.f32 v11, $-1.000000000e+00;
	v42 =	vld.idx.msk [tilespmem:v8+s2+$0x0], $0xffff  }
0x178: {  	vm2 =	vmneg vm0;
	v10 =	vnsel vm1, $0xBF800000, v11;
	v8 =	vor.u32 $0x23, v5  }
0x179: {  	v10 =	vsel vm2, v10, v40;
	vm1 =	vmand vm2, vm1;
	v11 =	vsel vm2, v40, v11  }
0x17a: {  	v43 =	vsel vm0, $0x1, v2;
	v40 =	vsel vm1, $0x1, v2;
	vm0 =	vgt.f32 v41, v10;
	v9 =	vld.idx.msk [tilespmem:v9+s2+$0x0], $0xffff  }
0x17b: {  	vm1 =	vgt.f32 v41, v11;
	v10 =	vsel vm0, v41, v10;
	v40 =	vsel vm0, $0x2, v40  }
0x17c: {  	v44 =	vsel vm1, v11, v10;
	v40 =	vsel vm1, v43, v40;
	v10 =	vor.u32 $0x24, v5  }
0x17d: {  	v41 =	vsel vm1, v41, v11;
	v43 =	vsel vm1, $0x2, v43;
	vm0 =	vgt.f32 v42, v44;
	v45 =	vld.idx.msk [tilespmem:v7+s2+$0x0], $0xffff  }
0x17e: {  	vm1 =	vgt.f32 v42, v41;
	v7 =	vsel vm0, v42, v44;
	v11 =	vsel vm0, $0x3, v40  }
0x17f: {  	v40 =	vsel vm1, v41, v7;
	v44 =	vsel vm1, v43, v11;
	v11 =	vor.u32 $0x25, v5  }
0x180: {  	v41 =	vsel vm1, v42, v41;
	v7 =	vor.u32 $0x26, v5;
	vm0 =	vgt.f32 v9, v40;
	v42 =	vld.idx.msk [tilespmem:v6+s2+$0x0], $0xffff  }
0x181: {  	vm2 =	vgt.f32 v9, v41;
	v40 =	vsel vm0, v9, v40;
	v6 =	vor.u32 $0x27, v5  }
0x182: {  	v43 =	vsel vm1, $0x3, v43;
	v44 =	vsel vm0, $0x4, v44;
	v40 =	vsel vm2, v41, v40  }
0x183: {  	v9 =	vsel vm2, v9, v41;
	v44 =	vsel vm2, v43, v44;
	vm0 =	vgt.f32 v45, v40;
	v41 =	vld.idx.msk [tilespmem:v13+s2+$0x0], $0xffff  }
0x184: {  	vm1 =	vgt.f32 v45, v9;
	v13 =	vsel vm0, v45, v40;
	v40 =	vsel vm0, $0x5, v44  }
0x185: {  	v43 =	vsel vm2, $0x4, v43;
	v13 =	vsel vm1, v9, v13;
	v9 =	vsel vm1, v45, v9  }
0x186: {  	v40 =	vsel vm1, v43, v40;
	v43 =	vsel vm1, $0x5, v43;
	vm0 =	vgt.f32 v42, v13;
	v38 =	vld.idx.msk [tilespmem:v38+s2+$0x0], $0xffff  }
0x187: {  	vm1 =	vgt.f32 v42, v9;
	v13 =	vsel vm0, v42, v13;
	v40 =	vsel vm0, $0x6, v40  }
0x188: {  	v44 =	vsel vm1, v9, v13;
	v40 =	vsel vm1, v43, v40;
	v13 =	vor.u32 $0x28, v5  }
0x189: {  	v42 =	vsel vm1, v42, v9;
	v9 =	vor.u32 $0x29, v5;
	vm0 =	vgt.f32 v41, v44;
	v39 =	vld.idx.msk [tilespmem:v39+s2+$0x0], $0xffff  }
0x18a: {  	vm2 =	vgt.f32 v41, v42;
	v44 =	vsel vm0, v41, v44;
	v40 =	vsel vm0, $0x7, v40  }
0x18b: {  	v43 =	vsel vm1, $0x6, v43;
	v41 =	vsel vm2, v41, v42;
	v44 =	vsel vm2, v42, v44  }
0x18c: {  	v40 =	vsel vm2, v43, v40;
	v42 =	vsel vm2, $0x7, v43;
	vm0 =	vgt.f32 v38, v44;
	v43 =	vld.idx.msk [tilespmem:v17+s2+$0x0], $0xffff  }
0x18d: {  	vm1 =	vgt.f32 v38, v41;
	v17 =	vsel vm0, v38, v44;
	v40 =	vsel vm0, $0x8, v40  }
0x18e: {  	v38 =	vsel vm1, v38, v41;
	v17 =	vsel vm1, v41, v17;
	v40 =	vsel vm1, v42, v40  }
0x18f: {  	v41 =	vsel vm1, $0x8, v42;
	vm0 =	vgt.f32 v39, v17;
	v42 =	vld.idx.msk [tilespmem:v16+s2+$0x0], $0xffff;
	v16 =	vor.u32 $0x2A, v5  }
0x190: {  	vm1 =	vgt.f32 v39, v38;
	v17 =	vsel vm0, v39, v17;
	v40 =	vsel vm0, $0x9, v40  }
0x191: {  	v44 =	vsel vm1, v38, v17;
	v40 =	vsel vm1, v41, v40;
	v38 =	vsel vm1, v39, v38  }
0x192: {  	v39 =	vsel vm1, $0x9, v41;
	v17 =	vor.u32 $0x2B, v5;
	vm0 =	vgt.f32 v43, v44;
	v41 =	vld.idx.msk [tilespmem:v14+s2+$0x0], $0xffff  }
0x193: {  	vm1 =	vgt.f32 v43, v38;
	v14 =	vsel vm0, v43, v44;
	v40 =	vsel vm0, $0xA, v40  }
0x194: {  	v44 =	vsel vm1, v38, v14;
	v40 =	vsel vm1, v39, v40;
	v14 =	vor.u32 $0x2C, v5  }
0x195: {  	v38 =	vsel vm1, v43, v38;
	v39 =	vsel vm1, $0xA, v39;
	vm0 =	vgt.f32 v42, v44;
	v27 =	vld.idx.msk [tilespmem:v27+s2+$0x0], $0xffff  }
0x196: {  	vm1 =	vgt.f32 v42, v38;
	v43 =	vsel vm0, v42, v44;
	v40 =	vsel vm0, $0xB, v40  }
0x197: {  	v43 =	vsel vm1, v38, v43;
	v40 =	vsel vm1, v39, v40;
	v39 =	vsel vm1, $0xB, v39  }
0x198: {  	v38 =	vsel vm1, v42, v38;
	vm0 =	vgt.f32 v41, v43;
	v42 =	vld.idx.msk [tilespmem:v18+s2+$0x0], $0xffff;
	v18 =	vor.u32 $0x2D, v5  }
0x199: {  	vm1 =	vgt.f32 v41, v38;
	v43 =	vsel vm0, v41, v43;
	v40 =	vsel vm0, $0xC, v40  }
0x19a: {  	v43 =	vsel vm1, v38, v43;
	v40 =	vsel vm1, v39, v40;
	v38 =	vsel vm1, v41, v38  }
0x19b: {  	v39 =	vsel vm1, $0xC, v39;
	vm0 =	vgt.f32 v27, v43;
	v41 =	vld.idx.msk [tilespmem:v19+s2+$0x0], $0xffff;
	v19 =	vor.u32 $0x2E, v5  }
0x19c: {  	vm1 =	vgt.f32 v27, v38;
	v43 =	vsel vm0, v27, v43;
	v40 =	vsel vm0, $0xD, v40  }
0x19d: {  	v27 =	vsel vm1, v27, v38;
	v43 =	vsel vm1, v38, v43;
	v40 =	vsel vm1, v39, v40  }
0x19e: {  	v38 =	vsel vm1, $0xD, v39;
	vm0 =	vgt.f32 v42, v43;
	v39 =	vld.idx.msk [tilespmem:v20+s2+$0x0], $0xffff;
	v20 =	vor.u32 $0x2F, v5  }
0x19f: {  	vm1 =	vgt.f32 v42, v27;
	v43 =	vsel vm0, v42, v43;
	v40 =	vsel vm0, $0xE, v40  }
0x1a0: {  	v43 =	vsel vm1, v27, v43;
	v40 =	vsel vm1, v38, v40;
	v38 =	vsel vm1, $0xE, v38  }
0x1a1: {  	v27 =	vsel vm1, v42, v27;
	vm0 =	vgt.f32 v41, v43;
	v42 =	vld.idx.msk [tilespmem:v21+s2+$0x0], $0xffff;
	v21 =	vor.u32 $0x30, v5  }
0x1a2: {  	vm1 =	vgt.f32 v41, v27;
	v43 =	vsel vm0, v41, v43;
	v40 =	vsel vm0, $0xF, v40  }
0x1a3: {  	v43 =	vsel vm1, v27, v43;
	v40 =	vsel vm1, v38, v40;
	v38 =	vsel vm1, $0xF, v38  }
0x1a4: {  	v27 =	vsel vm1, v41, v27;
	vm0 =	vgt.f32 v39, v43;
	v41 =	vld.idx.msk [tilespmem:v23+s2+$0x0], $0xffff;
	v23 =	vor.u32 $0x31, v5  }
0x1a5: {  	vm1 =	vgt.f32 v39, v27;
	v43 =	vsel vm0, v39, v43;
	v40 =	vsel vm0, $0x10, v40  }
0x1a6: {  	v43 =	vsel vm1, v27, v43;
	v40 =	vsel vm1, v38, v40;
	v38 =	vsel vm1, $0x10, v38  }
0x1a7: {  	v27 =	vsel vm1, v39, v27;
	vm0 =	vgt.f32 v42, v43;
	v39 =	vld.idx.msk [tilespmem:v25+s2+$0x0], $0xffff;
	v25 =	vor.u32 $0x32, v5  }
0x1a8: {  	vm1 =	vgt.f32 v42, v27;
	v43 =	vsel vm0, v42, v43;
	v40 =	vsel vm0, $0x11, v40  }
0x1a9: {  	v43 =	vsel vm1, v27, v43;
	v40 =	vsel vm1, v38, v40;
	v27 =	vsel vm1, v42, v27  }
0x1aa: {  	v38 =	vsel vm1, $0x11, v38;
	vm0 =	vgt.f32 v41, v43;
	v42 =	vld.idx.msk [tilespmem:v26+s2+$0x0], $0xffff;
	v26 =	vor.u32 $0x33, v5  }
0x1ab: {  	vm1 =	vgt.f32 v41, v27;
	v43 =	vsel vm0, v41, v43;
	v40 =	vsel vm0, $0x12, v40  }
0x1ac: {  	v43 =	vsel vm1, v27, v43;
	v40 =	vsel vm1, v38, v40;
	v38 =	vsel vm1, $0x12, v38  }
0x1ad: {  	v41 =	vsel vm1, v41, v27;
	v27 =	vor.u32 $0x34, v5;
	vm0 =	vgt.f32 v39, v43;
	v44 =	vld.idx.msk [tilespmem:v22+s2+$0x0], $0xffff  }
0x1ae: {  	vm1 =	vgt.f32 v39, v41;
	v22 =	vsel vm0, v39, v43;
	v40 =	vsel vm0, $0x13, v40  }
0x1af: {  	v43 =	vsel vm1, v41, v22;
	v40 =	vsel vm1, v38, v40;
	v22 =	vor.u32 $0x35, v5  }
0x1b0: {  	v39 =	vsel vm1, v39, v41;
	v38 =	vsel vm1, $0x13, v38;
	vm0 =	vgt.f32 v42, v43;
	v41 =	vld.idx.msk [tilespmem:v24+s2+$0x0], $0xffff  }
0x1b1: {  	vm1 =	vgt.f32 v42, v39;
	v24 =	vsel vm0, v42, v43;
	v40 =	vsel vm0, $0x14, v40  }
0x1b2: {  	v43 =	vsel vm1, v39, v24;
	v40 =	vsel vm1, v38, v40;
	v24 =	vor.u32 $0x36, v5  }
0x1b3: {  	v39 =	vsel vm1, v42, v39;
	v38 =	vsel vm1, $0x14, v38;
	vm0 =	vgt.f32 v44, v43;
	v42 =	vld.idx.msk [tilespmem:v32+s2+$0x0], $0xffff  }
0x1b4: {  	vm1 =	vgt.f32 v44, v39;
	v32 =	vsel vm0, v44, v43;
	v40 =	vsel vm0, $0x15, v40  }
0x1b5: {  	v32 =	vsel vm1, v39, v32;
	v40 =	vsel vm1, v38, v40;
	v39 =	vsel vm1, v44, v39  }
0x1b6: {  	v38 =	vsel vm1, $0x15, v38;
	vm0 =	vgt.f32 v41, v32;
	v43 =	vld.idx.msk [tilespmem:v31+s2+$0x0], $0xffff;
	v31 =	vor.u32 $0x37, v5  }
0x1b7: {  	vm1 =	vgt.f32 v41, v39;
	v32 =	vsel vm0, v41, v32;
	v40 =	vsel vm0, $0x16, v40  }
0x1b8: {  	v44 =	vsel vm1, v39, v32;
	v40 =	vsel vm1, v38, v40;
	v39 =	vsel vm1, v41, v39  }
0x1b9: {  	v38 =	vsel vm1, $0x16, v38;
	v32 =	vor.u32 $0x38, v5;
	vm0 =	vgt.f32 v42, v44;
	v41 =	vld.idx.msk [tilespmem:v28+s2+$0x0], $0xffff  }
0x1ba: {  	vm1 =	vgt.f32 v42, v39;
	v28 =	vsel vm0, v42, v44;
	v40 =	vsel vm0, $0x17, v40  }
0x1bb: {  	v44 =	vsel vm1, v39, v28;
	v40 =	vsel vm1, v38, v40;
	v28 =	vor.u32 $0x39, v5  }
0x1bc: {  	v39 =	vsel vm1, v42, v39;
	v38 =	vsel vm1, $0x17, v38;
	vm0 =	vgt.f32 v43, v44;
	v42 =	vld.idx.msk [tilespmem:v33+s2+$0x0], $0xffff  }
0x1bd: {  	vm1 =	vgt.f32 v43, v39;
	v33 =	vsel vm0, v43, v44;
	v40 =	vsel vm0, $0x18, v40  }
0x1be: {  	v44 =	vsel vm1, v39, v33;
	v40 =	vsel vm1, v38, v40;
	v38 =	vsel vm1, $0x18, v38  }
0x1bf: {  	v39 =	vsel vm1, v43, v39;
	v33 =	vor.u32 $0x3A, v5;
	vm0 =	vgt.f32 v41, v44;
	v43 =	vld.idx.msk [tilespmem:v30+s2+$0x0], $0xffff  }
0x1c0: {  	vm1 =	vgt.f32 v41, v39;
	v30 =	vsel vm0, v41, v44;
	v40 =	vsel vm0, $0x19, v40  }
0x1c1: {  	v44 =	vsel vm1, v39, v30;
	v40 =	vsel vm1, v38, v40;
	v30 =	vor.u32 $0x3B, v5  }
0x1c2: {  	v39 =	vsel vm1, v41, v39;
	v38 =	vsel vm1, $0x19, v38;
	vm0 =	vgt.f32 v42, v44;
	v37 =	vld.idx.msk [tilespmem:v37+s2+$0x0], $0xffff  }
0x1c3: {  	vm1 =	vgt.f32 v42, v39;
	v41 =	vsel vm0, v42, v44;
	v40 =	vsel vm0, $0x1A, v40  }
0x1c4: {  	v41 =	vsel vm1, v39, v41;
	v40 =	vsel vm1, v38, v40;
	v39 =	vsel vm1, v42, v39  }
0x1c5: {  	v38 =	vsel vm1, $0x1A, v38;
	vm0 =	vgt.f32 v43, v41;
	v42 =	vld.idx.msk [tilespmem:v34+s2+$0x0], $0xffff;
	v34 =	vor.u32 $0x3C, v5  }
0x1c6: {  	vm1 =	vgt.f32 v43, v39;
	v41 =	vsel vm0, v43, v41;
	v40 =	vsel vm0, $0x1B, v40  }
0x1c7: {  	v41 =	vsel vm1, v39, v41;
	v40 =	vsel vm1, v38, v40;
	v39 =	vsel vm1, v43, v39  }
0x1c8: {  	v38 =	vsel vm1, $0x1B, v38;
	vm0 =	vgt.f32 v37, v41;
	v43 =	vld.idx.msk [tilespmem:v35+s2+$0x0], $0xffff;
	v35 =	vor.u32 $0x3D, v5  }
0x1c9: {  	vm1 =	vgt.f32 v37, v39;
	v41 =	vsel vm0, v37, v41;
	v40 =	vsel vm0, $0x1C, v40  }
0x1ca: {  	v37 =	vsel vm1, v37, v39;
	v41 =	vsel vm1, v39, v41;
	v40 =	vsel vm1, v38, v40  }
0x1cb: {  	v38 =	vsel vm1, $0x1C, v38;
	vm0 =	vgt.f32 v42, v41;
	v39 =	vld.idx.msk [tilespmem:v36+s2+$0x0], $0xffff;
	v36 =	vor.u32 $0x3E, v5  }
0x1cc: {  	vm1 =	vgt.f32 v42, v37;
	v41 =	vsel vm0, v42, v41;
	v40 =	vsel vm0, $0x1D, v40  }
0x1cd: {  	v41 =	vsel vm1, v37, v41;
	v40 =	vsel vm1, v38, v40;
	v37 =	vsel vm1, v42, v37  }
0x1ce: {  	v5 =	vor.u32 $0x3F, v5;
	v38 =	vsel vm1, $0x1D, v38;
	vm0 =	vgt.f32 v43, v41;
	v29 =	vld.idx.msk [tilespmem:v29+s2+$0x0], $0xffff  }
0x1cf: {  	vm1 =	vgt.f32 v43, v37;
	v41 =	vsel vm0, v43, v41;
	v40 =	vsel vm0, $0x1E, v40  }
0x1d0: {  	v41 =	vsel vm1, v37, v41;
	v40 =	vsel vm1, v38, v40;
	v38 =	vsel vm1, $0x1E, v38  }
0x1d1: {  	v37 =	vsel vm1, v43, v37;
	vm0 =	vgt.f32 v39, v41;
	v15 =	vld.idx.msk [tilespmem:v15+s2+$0x0], $0xffff  }
0x1d2: {  	vm1 =	vgt.f32 v39, v37;
	v41 =	vsel vm0, v39, v41;
	v40 =	vsel vm0, $0x1F, v40  }
0x1d3: {  	v41 =	vsel vm1, v37, v41;
	v40 =	vsel vm1, v38, v40;
	v38 =	vsel vm1, $0x1F, v38  }
0x1d4: {  	v37 =	vsel vm1, v39, v37;
	vm0 =	vgt.f32 v29, v41;
	v12 =	vld.idx.msk [tilespmem:v12+s2+$0x0], $0xffff  }
0x1d5: {  	vm1 =	vgt.f32 v29, v37;
	v39 =	vsel vm0, v29, v41;
	v40 =	vsel vm0, $0x20, v40  }
0x1d6: {  	v39 =	vsel vm1, v37, v39;
	v40 =	vsel vm1, v38, v40  }
0x1d7: {  	v29 =	vsel vm1, v29, v37;
	v37 =	vsel vm1, $0x20, v38;
	vm0 =	vgt.f32 v15, v39;
	v8 =	vld.idx.msk [tilespmem:v8+s2+$0x0], $0xffff  }
0x1d8: {  	vm1 =	vgt.f32 v15, v29;
	v38 =	vsel vm0, v15, v39;
	v39 =	vsel vm0, $0x21, v40  }
0x1d9: {  	v38 =	vsel vm1, v29, v38;
	v39 =	vsel vm1, v37, v39  }
0x1da: {  	v15 =	vsel vm1, v15, v29;
	v29 =	vsel vm1, $0x21, v37;
	vm0 =	vgt.f32 v12, v38;
	v10 =	vld.idx.msk [tilespmem:v10+s2+$0x0], $0xffff  }
0x1db: {  	vm1 =	vgt.f32 v12, v15;
	v37 =	vsel vm0, v12, v38;
	v38 =	vsel vm0, $0x22, v39  }
0x1dc: {  	v12 =	vsel vm1, v12, v15;
	v37 =	vsel vm1, v15, v37;
	v38 =	vsel vm1, v29, v38  }
0x1dd: {  	vm0 =	vgt.f32 v8, v12;
	vm2 =	vgt.f32 v8, v37;
	v11 =	vld.idx.msk [tilespmem:v11+s2+$0x0], $0xffff  }
0x1de: {  	v15 =	vsel vm1, $0x22, v29;
	v29 =	vsel vm2, v8, v37;
	v37 =	vsel vm2, $0x23, v38  }
0x1df: {  	v29 =	vsel vm0, v12, v29;
	v37 =	vsel vm0, v15, v37;
	v15 =	vsel vm0, $0x23, v15  }
0x1e0: {  	v8 =	vsel vm0, v8, v12;
	vm0 =	vgt.f32 v10, v29;
	v7 =	vld.idx.msk [tilespmem:v7+s2+$0x0], $0xffff  }
0x1e1: {  	vm1 =	vgt.f32 v10, v8;
	v12 =	vsel vm0, v10, v29;
	v29 =	vsel vm0, $0x24, v37  }
0x1e2: {  	v12 =	vsel vm1, v8, v12;
	v29 =	vsel vm1, v15, v29  }
0x1e3: {  	v8 =	vsel vm1, v10, v8;
	v10 =	vsel vm1, $0x24, v15;
	vm0 =	vgt.f32 v11, v12;
	v6 =	vld.idx.msk [tilespmem:v6+s2+$0x0], $0xffff  }
0x1e4: {  	vm1 =	vgt.f32 v11, v8;
	v12 =	vsel vm0, v11, v12;
	v15 =	vsel vm0, $0x25, v29  }
0x1e5: {  	v12 =	vsel vm1, v8, v12;
	v15 =	vsel vm1, v10, v15;
	v8 =	vsel vm1, v11, v8  }
0x1e6: {  	v10 =	vsel vm1, $0x25, v10;
	vm0 =	vgt.f32 v7, v12;
	v11 =	vld.idx.msk [tilespmem:v13+s2+$0x0], $0xffff  }
0x1e7: {  	vm1 =	vgt.f32 v7, v8;
	v12 =	vsel vm0, v7, v12;
	v13 =	vsel vm0, $0x26, v15  }
0x1e8: {  	v12 =	vsel vm1, v8, v12;
	v13 =	vsel vm1, v10, v13  }
0x1e9: {  	v7 =	vsel vm1, v7, v8;
	v8 =	vsel vm1, $0x26, v10;
	vm0 =	vgt.f32 v6, v12;
	v9 =	vld.idx.msk [tilespmem:v9+s2+$0x0], $0xffff  }
0x1ea: {  	vm1 =	vgt.f32 v6, v7;
	v10 =	vsel vm0, v6, v12;
	v12 =	vsel vm0, $0x27, v13  }
0x1eb: {  	v10 =	vsel vm1, v7, v10;
	v12 =	vsel vm1, v8, v12;
	v8 =	vsel vm1, $0x27, v8  }
0x1ec: {  	v6 =	vsel vm1, v6, v7;
	vm0 =	vgt.f32 v11, v10;
	v7 =	vld.idx.msk [tilespmem:v16+s2+$0x0], $0xffff  }
0x1ed: {  	vm1 =	vgt.f32 v11, v6;
	v10 =	vsel vm0, v11, v10;
	v12 =	vsel vm0, $0x28, v12  }
0x1ee: {  	v10 =	vsel vm1, v6, v10;
	v12 =	vsel vm1, v8, v12;
	v6 =	vsel vm1, v11, v6  }
0x1ef: {  	v8 =	vsel vm1, $0x28, v8;
	vm0 =	vgt.f32 v9, v10;
	v11 =	vld.idx.msk [tilespmem:v17+s2+$0x0], $0xffff  }
0x1f0: {  	vm1 =	vgt.f32 v9, v6;
	v10 =	vsel vm0, v9, v10;
	v12 =	vsel vm0, $0x29, v12  }
0x1f1: {  	v10 =	vsel vm1, v6, v10;
	v12 =	vsel vm1, v8, v12  }
0x1f2: {  	v6 =	vsel vm1, v9, v6;
	v8 =	vsel vm1, $0x29, v8;
	vm0 =	vgt.f32 v7, v10;
	v9 =	vld.idx.msk [tilespmem:v14+s2+$0x0], $0xffff  }
0x1f3: {  	vm1 =	vgt.f32 v7, v6;
	v10 =	vsel vm0, v7, v10;
	v12 =	vsel vm0, $0x2A, v12  }
0x1f4: {  	v10 =	vsel vm1, v6, v10;
	v12 =	vsel vm1, v8, v12;
	v8 =	vsel vm1, $0x2A, v8  }
0x1f5: {  	v6 =	vsel vm1, v7, v6;
	vm0 =	vgt.f32 v11, v10;
	v7 =	vld.idx.msk [tilespmem:v18+s2+$0x0], $0xffff  }
0x1f6: {  	vm1 =	vgt.f32 v11, v6;
	v10 =	vsel vm0, v11, v10;
	v12 =	vsel vm0, $0x2B, v12  }
0x1f7: {  	v10 =	vsel vm1, v6, v10;
	v12 =	vsel vm1, v8, v12  }
0x1f8: {  	v6 =	vsel vm1, v11, v6;
	v8 =	vsel vm1, $0x2B, v8;
	vm0 =	vgt.f32 v9, v10;
	v11 =	vld.idx.msk [tilespmem:v19+s2+$0x0], $0xffff  }
0x1f9: {  	vm1 =	vgt.f32 v9, v6;
	v10 =	vsel vm0, v9, v10;
	v12 =	vsel vm0, $0x2C, v12  }
0x1fa: {  	v10 =	vsel vm1, v6, v10;
	v12 =	vsel vm1, v8, v12  }
0x1fb: {  	v6 =	vsel vm1, v9, v6;
	v8 =	vsel vm1, $0x2C, v8;
	vm0 =	vgt.f32 v7, v10;
	v9 =	vld.idx.msk [tilespmem:v20+s2+$0x0], $0xffff  }
0x1fc: {  	vm1 =	vgt.f32 v7, v6;
	v10 =	vsel vm0, v7, v10;
	v12 =	vsel vm0, $0x2D, v12  }
0x1fd: {  	v10 =	vsel vm1, v6, v10;
	v12 =	vsel vm1, v8, v12;
	v6 =	vsel vm1, v7, v6  }
0x1fe: {  	v7 =	vsel vm1, $0x2D, v8;
	vm0 =	vgt.f32 v11, v10;
	v8 =	vld.idx.msk [tilespmem:v21+s2+$0x0], $0xffff  }
0x1ff: {  	vm1 =	vgt.f32 v11, v6;
	v10 =	vsel vm0, v11, v10;
	v12 =	vsel vm0, $0x2E, v12  }
0x200: {  	v10 =	vsel vm1, v6, v10;
	v12 =	vsel vm1, v7, v12;
	v6 =	vsel vm1, v11, v6  }
0x201: {  	v7 =	vsel vm1, $0x2E, v7;
	vm0 =	vgt.f32 v9, v10;
	v11 =	vld.idx.msk [tilespmem:v23+s2+$0x0], $0xffff  }
0x202: {  	vm1 =	vgt.f32 v9, v6;
	v10 =	vsel vm0, v9, v10;
	v12 =	vsel vm0, $0x2F, v12  }
0x203: {  	v10 =	vsel vm1, v6, v10;
	v12 =	vsel vm1, v7, v12;
	v6 =	vsel vm1, v9, v6  }
0x204: {  	v7 =	vsel vm1, $0x2F, v7;
	vm0 =	vgt.f32 v8, v10;
	v9 =	vld.idx.msk [tilespmem:v25+s2+$0x0], $0xffff  }
0x205: {  	vm1 =	vgt.f32 v8, v6;
	v10 =	vsel vm0, v8, v10;
	v12 =	vsel vm0, $0x30, v12  }
0x206: {  	v10 =	vsel vm1, v6, v10;
	v12 =	vsel vm1, v7, v12;
	v6 =	vsel vm1, v8, v6  }
0x207: {  	v7 =	vsel vm1, $0x30, v7;
	vm0 =	vgt.f32 v11, v10;
	v8 =	vld.idx.msk [tilespmem:v26+s2+$0x0], $0xffff  }
0x208: {  	vm1 =	vgt.f32 v11, v6;
	v10 =	vsel vm0, v11, v10;
	v12 =	vsel vm0, $0x31, v12  }
0x209: {  	v10 =	vsel vm1, v6, v10;
	v12 =	vsel vm1, v7, v12;
	v6 =	vsel vm1, v11, v6  }
0x20a: {  	v7 =	vsel vm1, $0x31, v7;
	vm0 =	vgt.f32 v9, v10;
	v11 =	vld.idx.msk [tilespmem:v27+s2+$0x0], $0xffff  }
0x20b: {  	vm1 =	vgt.f32 v9, v6;
	v10 =	vsel vm0, v9, v10;
	v12 =	vsel vm0, $0x32, v12  }
0x20c: {  	v10 =	vsel vm1, v6, v10;
	v12 =	vsel vm1, v7, v12;
	v6 =	vsel vm1, v9, v6  }
0x20d: {  	v7 =	vsel vm1, $0x32, v7;
	vm0 =	vgt.f32 v8, v10;
	v9 =	vld.idx.msk [tilespmem:v22+s2+$0x0], $0xffff  }
0x20e: {  	vm1 =	vgt.f32 v8, v6;
	v10 =	vsel vm0, v8, v10;
	v12 =	vsel vm0, $0x33, v12  }
0x20f: {  	v10 =	vsel vm1, v6, v10;
	v12 =	vsel vm1, v7, v12;
	v6 =	vsel vm1, v8, v6  }
0x210: {  	v7 =	vsel vm1, $0x33, v7;
	vm0 =	vgt.f32 v11, v10;
	v8 =	vld.idx.msk [tilespmem:v24+s2+$0x0], $0xffff  }
0x211: {  	vm1 =	vgt.f32 v11, v6;
	v10 =	vsel vm0, v11, v10;
	v12 =	vsel vm0, $0x34, v12  }
0x212: {  	v10 =	vsel vm1, v6, v10;
	v12 =	vsel vm1, v7, v12;
	v6 =	vsel vm1, v11, v6  }
0x213: {  	v7 =	vsel vm1, $0x34, v7;
	vm0 =	vgt.f32 v9, v10;
	v11 =	vld.idx.msk [tilespmem:v31+s2+$0x0], $0xffff  }
0x214: {  	vm1 =	vgt.f32 v9, v6;
	v10 =	vsel vm0, v9, v10;
	v12 =	vsel vm0, $0x35, v12  }
0x215: {  	v10 =	vsel vm1, v6, v10;
	v12 =	vsel vm1, v7, v12;
	v6 =	vsel vm1, v9, v6  }
0x216: {  	v7 =	vsel vm1, $0x35, v7;
	vm0 =	vgt.f32 v8, v10;
	v9 =	vld.idx.msk [tilespmem:v32+s2+$0x0], $0xffff  }
0x217: {  	vm1 =	vgt.f32 v8, v6;
	v10 =	vsel vm0, v8, v10;
	v12 =	vsel vm0, $0x36, v12  }
0x218: {  	v10 =	vsel vm1, v6, v10;
	v12 =	vsel vm1, v7, v12;
	v6 =	vsel vm1, v8, v6  }
0x219: {  	v7 =	vsel vm1, $0x36, v7;
	vm0 =	vgt.f32 v11, v10;
	v8 =	vld.idx.msk [tilespmem:v28+s2+$0x0], $0xffff  }
0x21a: {  	vm1 =	vgt.f32 v11, v6;
	v10 =	vsel vm0, v11, v10;
	v12 =	vsel vm0, $0x37, v12  }
0x21b: {  	v10 =	vsel vm1, v6, v10;
	v12 =	vsel vm1, v7, v12;
	v6 =	vsel vm1, v11, v6  }
0x21c: {  	v7 =	vsel vm1, $0x37, v7;
	vm0 =	vgt.f32 v9, v10;
	v11 =	vld.idx.msk [tilespmem:v33+s2+$0x0], $0xffff  }
0x21d: {  	vm1 =	vgt.f32 v9, v6;
	v10 =	vsel vm0, v9, v10;
	v12 =	vsel vm0, $0x38, v12  }
0x21e: {  	v10 =	vsel vm1, v6, v10;
	v12 =	vsel vm1, v7, v12;
	v6 =	vsel vm1, v9, v6  }
0x21f: {  	v7 =	vsel vm1, $0x38, v7;
	vm0 =	vgt.f32 v8, v10;
	v9 =	vld.idx.msk [tilespmem:v30+s2+$0x0], $0xffff  }
0x220: {  	vm1 =	vgt.f32 v8, v6;
	v10 =	vsel vm0, v8, v10;
	v12 =	vsel vm0, $0x39, v12  }
0x221: {  	v10 =	vsel vm1, v6, v10;
	v12 =	vsel vm1, v7, v12;
	v6 =	vsel vm1, v8, v6  }
0x222: {  	v7 =	vsel vm1, $0x39, v7;
	vm0 =	vgt.f32 v11, v10;
	v8 =	vld.idx.msk [tilespmem:v34+s2+$0x0], $0xffff  }
0x223: {  	vm1 =	vgt.f32 v11, v6;
	v10 =	vsel vm0, v11, v10;
	v12 =	vsel vm0, $0x3A, v12  }
0x224: {  	v10 =	vsel vm1, v6, v10;
	v12 =	vsel vm1, v7, v12;
	v6 =	vsel vm1, v11, v6  }
0x225: {  	v7 =	vsel vm1, $0x3A, v7;
	vm0 =	vgt.f32 v9, v10;
	v11 =	vld.idx.msk [tilespmem:v35+s2+$0x0], $0xffff  }
0x226: {  	vm1 =	vgt.f32 v9, v6;
	v10 =	vsel vm0, v9, v10;
	v12 =	vsel vm0, $0x3B, v12  }
0x227: {  	v10 =	vsel vm1, v6, v10;
	v12 =	vsel vm1, v7, v12;
	v6 =	vsel vm1, v9, v6  }
0x228: {  	v7 =	vsel vm1, $0x3B, v7;
	vm0 =	vgt.f32 v8, v10;
	v9 =	vld.idx.msk [tilespmem:v36+s2+$0x0], $0xffff  }
0x229: {  	vm1 =	vgt.f32 v8, v6;
	v10 =	vsel vm0, v8, v10;
	v12 =	vsel vm0, $0x3C, v12  }
0x22a: {  	v10 =	vsel vm1, v6, v10;
	v12 =	vsel vm1, v7, v12;
	v6 =	vsel vm1, v8, v6  }
0x22b: {  	v7 =	vsel vm1, $0x3C, v7;
	vm0 =	vgt.f32 v11, v10;
	v5 =	vld.idx.msk [tilespmem:v5+s2+$0x0], $0xffff  }
0x22c: {  	vm1 =	vgt.f32 v11, v6;
	v8 =	vsel vm0, v11, v10;
	v10 =	vsel vm0, $0x3D, v12  }
0x22d: {  	v8 =	vsel vm1, v6, v8;
	v10 =	vsel vm1, v7, v10;
	v6 =	vsel vm1, v11, v6  }
0x22e: {  	v7 =	vsel vm1, $0x3D, v7;
	vm1 =	vgt.f32 v9, v8  }
0x22f: {  	vm0 =	vgt.f32 v9, v6;
	v8 =	vsel vm1, v9, v8;
	v10 =	vsel vm1, $0x3E, v10  }
0x230: {  	v8 =	vsel vm0, v6, v8;
	v10 =	vsel vm0, v7, v10  }
0x231: {  	v6 =	vsel vm0, v9, v6;
	vm2 =	vgt.f32 v5, v8  }
0x232: {  	vm1 =	vgt.f32 v5, v6;
	v8 =	vsel vm2, v5, v8;
	v9 =	vsel vm2, $0x3F, v10  }
0x233: {  	v5 =	vsel vm1, v5, v6;
	v8 =	vsel vm1, v6, v8  }
0x234: {  	v6 =	vadd.f32 v8, v5;
	_ =	sdelay $0x1  }
0x235: {  	v6 =	vadd.f32 $9.999999710e-10, v6;
	_ =	sdelay $0x1  }
0x236: {  	(erf) = vrcp.f32 v6;
	_ =	sdelay $0x6  }
0x237: {  	v6 =	vshll.u32 v4, $0x1  }
0x238: {  	v13 =	vor.u32 $0x1, v6  }
0x239: {  	v4 =	vpop (erf)  }
0x23a: {  	v7 =	vsel vm0, $0x3E, v7;
	v5 =	vmul.f32 v4, v5;
	v8 =	vmul.f32 v4, v8  }
0x23b: {  	v14 =	vsel vm1, $0x3F, v7  }
.Ltmp0:
0x23c: {  	v12 =	vsel vm1, v7, v9;
	[tilespmem:v6+s9+$0x0] =	vst.idx.msk $0xffff, v5;
	(pc) =	sbr.rel @p0 .LBB2_2-.Ltmp0, $4  }
0x23d: {  	v4 =	vor.u32 s14, v1;
	[tilespmem:v13+s9+$0x0] =	vst.idx.msk $0xffff, v8  }
0x23e: {  	v5 =	vshll.u32 v4, $0x6;
	[tilespmem:v6+s10+$0x0] =	vst.idx.msk $0xffff, v14  }
0x23f: {  	v11 =	vor.u32 $0x1, v5;
	v10 =	vor.u32 $0x2, v5;
	v8 =	vor.u32 $0x3, v5;
	[tilespmem:v13+s10+$0x0] =	vst.idx.msk $0xffff, v12  }
0x240: {  	v9 =	vor.u32 $0x4, v5;
	v7 =	vor.u32 $0x5, v5;
	v6 =	vor.u32 $0x6, v5;
	[tilespmem:v14+s11+$0x0] =	vst.idx.add.f32.msk $0xffff, v3  }
0x241: {  	_ =	sdelay $0x3  }
0x242: {  	[tilespmem:v12+s11+$0x0] =	vst.idx.add.f32.msk $0xffff, v3  }
0x243: {  	v12 =	vld.idx.msk [tilespmem:v5+s2+$0x0], $0xffff  }
0x244: {  	v17 =	vor.u32 $0x7, v5;
	v19 =	vor.u32 $0x8, v5;
	v11 =	vld.idx.msk [tilespmem:v11+s2+$0x0], $0xffff  }
0x245: {  	v21 =	vor.u32 $0x9, v5;
	v22 =	vimm.s32 $0x0;
	v24 =	vor.u32 $0xA, v5  }
0x246: {  	v25 =	vimm.s32 $0x0;
	v27 =	vor.u32 $0xB, v5;
	v28 =	vimm.s32 $0x0  }
0x247: {  	v30 =	vor.u32 $0xC, v5;
	v31 =	vimm.s32 $0x0;
	v33 =	vor.u32 $0xD, v5;
	v10 =	vld.idx.msk [tilespmem:v10+s2+$0x0], $0xffff  }
0x248: {  	v34 =	vimm.s32 $0x0;
	v37 =	vor.u32 $0xE, v5;
	v40 =	vor.u32 $0xF, v5  }
0x249: {  	v43 =	vor.u32 $0x10, v5;
	vm13 =	vgt.f32 v11, v12;
	vm10 =	vgt.f32 v11, $-1.000000000e+00  }
0x24a: {  	v44 =	vimm.s32 $0x0;
	v8 =	vld.idx.msk [tilespmem:v8+s2+$0x0], $0xffff;
	vm1 =	vmneg vm13;
	v13 =	vnsel vm10, $0xBF800000, v11  }
0x24b: {  	v47 =	vor.u32 $0x11, v5;
	v49 =	vor.u32 $0x12, v5;
	v13 =	vsel vm1, v13, v12  }
0x24c: {  	v52 =	vor.u32 $0x13, v5;
	v9 =	vld.idx.msk [tilespmem:v9+s2+$0x0], $0xffff;
	v11 =	vsel vm1, v12, v11;
	vm11 =	vgt.f32 v10, v13  }
0x24d: {  	v53 =	vimm.s32 $0x0;
	v7 =	vld.idx.msk [tilespmem:v7+s2+$0x0], $0xffff;
	vm2 =	vgt.f32 v10, v11;
	v63 =	vsel vm11, v10, v13  }
0x24e: {  	v56 =	vor.u32 $0x14, v5;
	v57 =	vimm.s32 $0x0;
	v6 =	vld.idx.msk [tilespmem:v6+s2+$0x0], $0xffff;
	v12 =	vsel vm2, v11, v63  }
0x24f: {  	v59 =	vor.u32 $0x15, v5;
	v23 =	vld.idx.msk [tilespmem:v19+s2+$0x0], $0xffff;
	v10 =	vsel vm2, v10, v11;
	vm12 =	vgt.f32 v8, v12  }
0x250: {  	v60 =	vimm.s32 $0x0;
	v26 =	vld.idx.msk [tilespmem:v21+s2+$0x0], $0xffff;
	vm3 =	vgt.f32 v8, v10;
	v16 =	vsel vm12, v8, v12  }
0x251: {  	v35 =	vld.idx.msk [tilespmem:v30+s2+$0x0], $0xffff;
	v19 =	vimm.s32 $0x0;
	v21 =	vor.u32 $0x18, v5;
	v11 =	vsel vm3, v10, v16  }
0x252: {  	v39 =	vld.idx.msk [tilespmem:v33+s2+$0x0], $0xffff;
	v30 =	vor.u32 $0x1C, v5;
	v8 =	vsel vm3, v8, v10;
	vm14 =	vgt.f32 v9, v11  }
0x253: {  	v42 =	vld.idx.msk [tilespmem:v37+s2+$0x0], $0xffff;
	v33 =	vor.u32 $0x1D, v5;
	vm4 =	vgt.f32 v9, v8;
	v18 =	vsel vm14, v9, v11  }
0x254: {  	v55 =	vld.idx.msk [tilespmem:v49+s2+$0x0], $0xffff;
	v37 =	vor.u32 $0x1E, v5;
	v49 =	vor.u32 $0x21, v5;
	v10 =	vsel vm4, v8, v18  }
0x255: {  	v62 =	vld.idx.msk [tilespmem:v56+s2+$0x0], $0xffff;
	v56 =	vor.u32 $0x24, v5;
	v8 =	vsel vm4, v9, v8;
	vm15 =	vgt.f32 v7, v10  }
0x256: {  	v20 =	vld.idx.msk [tilespmem:v17+s2+$0x0], $0xffff;
	vm1 =	vmand vm1, vm10;
	vm5 =	vgt.f32 v7, v8;
	v10 =	vsel vm15, v7, v10  }
0x257: {  	v14 =	vsel vm13, $0x1, v2;
	v36 =	vsel vm1, $0x1, v2;
	v10 =	vsel vm5, v8, v10  }
0x258: {  	v46 =	vld.idx.msk [tilespmem:v40+s2+$0x0], $0xffff;
	v38 =	vsel vm11, $0x2, v36;
	v7 =	vsel vm5, v7, v8;
	vm0 =	vgt.f32 v6, v10  }
0x259: {  	v17 =	vld.idx.msk [tilespmem:v59+s2+$0x0], $0xffff;
	v18 =	vor.u32 $0x17, v5;
	vm6 =	vgt.f32 v6, v7;
	v10 =	vsel vm0, v6, v10  }
0x25a: {  	v36 =	vld.idx.msk [tilespmem:v30+s2+$0x0], $0xffff;
	v30 =	vor.u32 $0x2B, v5;
	v63 =	vor.u32 $0x16, v5;
	v10 =	vsel vm6, v7, v10  }
0x25b: {  	v40 =	vld.idx.msk [tilespmem:v33+s2+$0x0], $0xffff;
	v33 =	vimm.s32 $0x0;
	v6 =	vsel vm6, v6, v7;
	vm9 =	vgt.f32 v20, v10  }
0x25c: {  	v59 =	vld.idx.msk [tilespmem:v56+s2+$0x0], $0xffff;
	v56 =	vimm.s32 $0x0;
	vm7 =	vgt.f32 v20, v6;
	v10 =	vsel vm9, v20, v10  }
0x25d: {  	v12 =	vld.idx.msk [tilespmem:v52+s2+$0x0], $0xffff;
	v52 =	vor.u32 $0x22, v5;
	v8 =	vsel vm0, $0xFFFFFFFF, v22;
	v10 =	vsel vm7, v6, v10  }
0x25e: {  	v22 =	vld.idx.msk [tilespmem:v18+s2+$0x0], $0xffff;
	v18 =	vor.u32 $0x28, v5;
	v7 =	vsel vm9, $0xFFFFFFFF, v25;
	vm8 =	vgt.f32 v23, v10  }
0x25f: {  	v6 =	vsel vm7, v20, v6;
	v20 =	vld.idx.msk [tilespmem:v63+s2+$0x0], $0xffff;
	v63 =	vor.u32 $0x27, v5;
	v9 =	vsel vm8, $0xFFFFFFFF, v28  }
0x260: {  	v29 =	vld.idx.msk [tilespmem:v24+s2+$0x0], $0xffff;
	v10 =	vsel vm8, v23, v10;
	vm8 =	vgt.f32 v23, v6;
	v28 =	vor.u32 $0x1B, v5  }
0x261: {  	[tilespmem:$0x1FB60] =	vst v9;
	v10 =	vsel vm8, v6, v10;
	v6 =	vsel vm8, v23, v6;
	v9 =	vsel vm2, v14, v38  }
0x262: {  	v32 =	vld.idx.msk [tilespmem:v27+s2+$0x0], $0xffff;
	v14 =	vsel vm2, $0x2, v14;
	v23 =	vor.u32 $0x19, v5;
	vm9 =	vgt.f32 v26, v10  }
0x263: {  	[tilespmem:$0x1FB40] =	vst v8;
	v25 =	vld.idx.msk [tilespmem:v21+s2+$0x0], $0xffff;
	v38 =	vimm.s32 $0x0;
	v41 =	vsel vm12, $0x3, v9;
	v8 =	vsel vm9, $0xFFFFFFFF, v31  }
0x264: {  	v10 =	vsel vm9, v26, v10;
	vm9 =	vgt.f32 v26, v6;
	v21 =	vld.idx.msk [tilespmem:v63+s2+$0x0], $0xffff;
	v63 =	vimm.s32 $0x0  }
0x265: {  	[tilespmem:$0x1FB70] =	vst v8;
	v10 =	vsel vm9, v6, v10;
	v6 =	vsel vm9, v26, v6;
	v8 =	vsel vm3, v14, v41  }
0x266: {  	v14 =	vsel vm3, $0x3, v14;
	v26 =	vor.u32 $0x1A, v5;
	vm0 =	vgt.f32 v29, v10  }
0x267: {  	[tilespmem:$0x1FB50] =	vst v7;
	v7 =	vsel vm0, $0xFFFFFFFF, v34;
	v10 =	vsel vm0, v29, v10;
	vm0 =	vgt.f32 v29, v6  }
0x268: {  	v41 =	vor.u32 $0x1F, v5;
	v45 =	vsel vm14, $0x4, v8;
	v10 =	vsel vm0, v6, v10  }
0x269: {  	v50 =	vld [tilespmem:$0x1FB40];
	v48 =	vsel vm4, $0x4, v14;
	v6 =	vsel vm0, v29, v6;
	vm13 =	vgt.f32 v32, v10  }
0x26a: {  	v11 =	vsel vm5, $0x5, v48;
	vm1 =	vgt.f32 v32, v6;
	v10 =	vsel vm13, v32, v10  }
0x26b: {  	v27 =	vld.idx.msk [tilespmem:v23+s2+$0x0], $0xffff;
	v34 =	vimm.s32 $0x0;
	v23 =	vimm.s32 $0x0;
	v10 =	vsel vm1, v6, v10  }
0x26c: {  	v54 =	vsel vm6, $0x6, v11;
	v6 =	vsel vm1, v32, v6;
	vm10 =	vgt.f32 v35, v10  }
0x26d: {  	v29 =	vld.idx.msk [tilespmem:v26+s2+$0x0], $0xffff;
	v26 =	vor.u32 $0x2A, v5;
	vm2 =	vgt.f32 v35, v6;
	v10 =	vsel vm10, v35, v10  }
0x26e: {  	vm12 =	vmmov vm10;
	vm10 =	vnez.u8 v50;
	v10 =	vsel vm2, v6, v10  }
0x26f: {  	v50 =	vimm.s32 $0x0;
	v6 =	vsel vm2, v35, v6;
	vm11 =	vgt.f32 v39, v10  }
0x270: {  	v15 =	vld [tilespmem:$0x1FB50];
	[tilespmem:$0x1FB80] =	vst v7;
	vm3 =	vgt.f32 v39, v6;
	v7 =	vsel vm11, $0xFFFFFFFF, v44;
	v10 =	vsel vm11, v39, v10  }
0x271: {  	[tilespmem:$0x1FB90] =	vst v7;
	v7 =	vsel vm4, v14, v45;
	v10 =	vsel vm3, v6, v10;
	v6 =	vsel vm3, v39, v6  }
0x272: {  	v45 =	vor.u32 $0x20, v5;
	v7 =	vsel vm15, $0x5, v7;
	vm14 =	vgt.f32 v42, v10  }
0x273: {  	v13 =	vld.idx.msk [tilespmem:v43+s2+$0x0], $0xffff;
	vm4 =	vgt.f32 v42, v6;
	v10 =	vsel vm14, v42, v10;
	v7 =	vsel vm5, v48, v7  }
0x274: {  	v48 =	vld.idx.msk [tilespmem:v41+s2+$0x0], $0xffff;
	v41 =	vor.u32 $0x2F, v5;
	v10 =	vsel vm4, v6, v10;
	v6 =	vsel vm4, v42, v6  }
0x275: {  	v58 =	vld [tilespmem:$0x1FB60];
	v7 =	vsel vm10, $0x6, v7;
	vm10 =	vnez.u8 v15;
	v15 =	vimm.s32 $0x0  }
0x276: {  	v42 =	vimm.s32 $0x0;
	vm15 =	vgt.f32 v46, v10;
	v7 =	vsel vm6, v11, v7  }
0x277: {  	v61 =	vld [tilespmem:$0x1FB70];
	vm5 =	vgt.f32 v46, v6;
	v10 =	vsel vm15, v46, v10;
	v7 =	vsel vm10, $0x7, v7  }
0x278: {  	v51 =	vld.idx.msk [tilespmem:v47+s2+$0x0], $0xffff;
	v10 =	vsel vm5, v6, v10;
	v6 =	vsel vm5, v46, v6;
	v7 =	vsel vm7, v54, v7  }
0x279: {  	v46 =	vimm.s32 $0x0;
	vm10 =	vgt.f32 v13, v10;
	vm6 =	vgt.f32 v13, v6  }
0x27a: {  	v16 =	vld [tilespmem:$0x1FB80];
	v8 =	vsel vm10, $0xFFFFFFFF, v53;
	v10 =	vsel vm10, v13, v10;
	vm10 =	vnez.u8 v58  }
0x27b: {  	v58 =	vor.u32 $0x25, v5;
	[tilespmem:$0x1FBA0] =	vst v8;
	v10 =	vsel vm6, v6, v10;
	v8 =	vsel vm7, $0x7, v54  }
0x27c: {  	v6 =	vsel vm6, v13, v6;
	v7 =	vsel vm10, $0x8, v7;
	vm10 =	vnez.u8 v61  }
0x27d: {  	v54 =	vor.u32 $0x23, v5;
	vm7 =	vgt.f32 v51, v10;
	v7 =	vsel vm8, v8, v7  }
0x27e: {  	v8 =	vsel vm8, $0x8, v8;
	v13 =	vsel vm7, $0xFFFFFFFF, v57;
	v10 =	vsel vm7, v51, v10  }
0x27f: {  	v24 =	vld [tilespmem:$0x1FB90];
	vm7 =	vgt.f32 v51, v6;
	v7 =	vsel vm10, $0x9, v7;
	vm10 =	vnez.u8 v16  }
0x280: {  	v31 =	vld [tilespmem:$0x1FBA0];
	v10 =	vsel vm7, v6, v10;
	v6 =	vsel vm7, v51, v6;
	v7 =	vsel vm9, v8, v7  }
0x281: {  	v8 =	vsel vm9, $0x9, v8;
	v51 =	vld.idx.msk [tilespmem:v45+s2+$0x0], $0xffff;
	v45 =	vimm.s32 $0x0;
	vm8 =	vgt.f32 v55, v10  }
0x282: {  	v7 =	vsel vm10, $0xA, v7;
	v9 =	vsel vm8, $0xFFFFFFFF, v60;
	v10 =	vsel vm8, v55, v10  }
0x283: {  	vm8 =	vgt.f32 v55, v6;
	v7 =	vsel vm0, v8, v7;
	v8 =	vsel vm0, $0xA, v8  }
0x284: {  	v60 =	vor.u32 $0x26, v5;
	v10 =	vsel vm8, v6, v10;
	v6 =	vsel vm8, v55, v6  }
0x285: {  	v7 =	vsel vm13, $0xB, v7;
	vm13 =	vnez.u8 v24;
	vm10 =	vnez.u8 v31;
	v55 =	vld.idx.msk [tilespmem:v52+s2+$0x0], $0xffff  }
0x286: {  	v31 =	vld.idx.msk [tilespmem:v26+s2+$0x0], $0xffff;
	v52 =	vimm.s32 $0x0;
	v26 =	vimm.s32 $0x0;
	vm9 =	vgt.f32 v12, v10  }
0x287: {  	v7 =	vsel vm1, v8, v7;
	v8 =	vsel vm1, $0xB, v8;
	v11 =	vsel vm9, $0xFFFFFFFF, v15  }
0x288: {  	v10 =	vsel vm9, v12, v10;
	vm9 =	vgt.f32 v12, v6;
	v7 =	vsel vm12, $0xC, v7  }
0x289: {  	v15 =	vimm.s32 $0x0;
	v10 =	vsel vm9, v6, v10;
	v6 =	vsel vm9, v12, v6  }
0x28a: {  	v7 =	vsel vm2, v8, v7;
	v8 =	vsel vm2, $0xC, v8;
	vm11 =	vgt.f32 v62, v10  }
0x28b: {  	vm0 =	vgt.f32 v62, v6;
	v7 =	vsel vm13, $0xD, v7;
	v12 =	vsel vm11, $0xFFFFFFFF, v19  }
0x28c: {  	v10 =	vsel vm11, v62, v10;
	v7 =	vsel vm3, v8, v7;
	v8 =	vsel vm3, $0xD, v8  }
0x28d: {  	[tilespmem:$0x1FBB0] =	vst v13;
	v19 =	vimm.s32 $0x0;
	v10 =	vsel vm0, v6, v10;
	v6 =	vsel vm0, v62, v6  }
0x28e: {  	v35 =	vld [tilespmem:$0x1FBB0];
	v7 =	vsel vm14, $0xE, v7;
	vm11 =	vgt.f32 v17, v10;
	vm1 =	vgt.f32 v17, v6  }
0x28f: {  	[tilespmem:$0x1FBC0] =	vst v9;
	v7 =	vsel vm4, v8, v7;
	v8 =	vsel vm4, $0xE, v8;
	v10 =	vsel vm11, v17, v10  }
0x290: {  	v39 =	vld [tilespmem:$0x1FBC0];
	v7 =	vsel vm15, $0xF, v7;
	v10 =	vsel vm1, v6, v10;
	v6 =	vsel vm1, v17, v6  }
0x291: {  	v7 =	vsel vm5, v8, v7;
	v8 =	vsel vm5, $0xF, v8;
	v17 =	vld.idx.msk [tilespmem:v60+s2+$0x0], $0xffff;
	v60 =	vimm.s32 $0x0  }
0x292: {  	[tilespmem:$0x1FBD0] =	vst v11;
	vm12 =	vgt.f32 v20, v10;
	vm2 =	vgt.f32 v20, v6;
	v7 =	vsel vm10, $0x10, v7  }
0x293: {  	v43 =	vld [tilespmem:$0x1FBD0];
	vm10 =	vnez.u8 v35;
	v35 =	vor.u32 $0x2D, v5;
	v10 =	vsel vm12, v20, v10  }
0x294: {  	v7 =	vsel vm6, v8, v7;
	v8 =	vsel vm6, $0x10, v8;
	v10 =	vsel vm2, v6, v10  }
0x295: {  	[tilespmem:$0x1FBE0] =	vst v12;
	v6 =	vsel vm2, v20, v6;
	v7 =	vsel vm10, $0x11, v7;
	vm10 =	vnez.u8 v39  }
0x296: {  	v47 =	vld [tilespmem:$0x1FBE0];
	v39 =	vimm.s32 $0x0;
	vm13 =	vgt.f32 v22, v10;
	vm3 =	vgt.f32 v22, v6  }
0x297: {  	v7 =	vsel vm7, v8, v7;
	v8 =	vsel vm7, $0x11, v8;
	v10 =	vsel vm13, v22, v10  }
0x298: {  	v7 =	vsel vm10, $0x12, v7;
	vm10 =	vnez.u8 v43;
	v10 =	vsel vm3, v6, v10  }
0x299: {  	v6 =	vsel vm3, v22, v6;
	v7 =	vsel vm8, v8, v7;
	v8 =	vsel vm8, $0x12, v8  }
0x29a: {  	v22 =	vor.u32 $0x29, v5;
	vm14 =	vgt.f32 v25, v10;
	vm4 =	vgt.f32 v25, v6  }
0x29b: {  	v7 =	vsel vm10, $0x13, v7;
	vm10 =	vnez.u8 v47;
	v47 =	vld.idx.msk [tilespmem:v41+s2+$0x0], $0xffff;
	v41 =	vimm.s32 $0x0  }
0x29c: {  	v10 =	vsel vm14, v25, v10;
	v7 =	vsel vm9, v8, v7;
	v8 =	vsel vm9, $0x13, v8  }
0x29d: {  	v10 =	vsel vm4, v6, v10;
	v6 =	vsel vm4, v25, v6;
	v7 =	vsel vm10, $0x14, v7  }
0x29e: {  	v25 =	vld.idx.msk [tilespmem:v18+s2+$0x0], $0xffff;
	v18 =	vor.u32 $0x36, v5;
	vm15 =	vgt.f32 v27, v10;
	vm5 =	vgt.f32 v27, v6  }
0x29f: {  	v7 =	vsel vm0, v8, v7;
	v8 =	vsel vm0, $0x14, v8;
	v10 =	vsel vm15, v27, v10  }
0x2a0: {  	v7 =	vsel vm11, $0x15, v7;
	v10 =	vsel vm5, v6, v10;
	v6 =	vsel vm5, v27, v6  }
0x2a1: {  	v32 =	vld.idx.msk [tilespmem:v28+s2+$0x0], $0xffff;
	v7 =	vsel vm1, v8, v7;
	v8 =	vsel vm1, $0x15, v8;
	vm6 =	vgt.f32 v29, v10  }
0x2a2: {  	v27 =	vimm.s32 $0x0;
	v7 =	vsel vm12, $0x16, v7;
	v12 =	vsel vm6, $0xFFFFFFFF, v34  }
0x2a3: {  	v10 =	vsel vm6, v29, v10;
	vm6 =	vgt.f32 v29, v6;
	v7 =	vsel vm2, v8, v7  }
0x2a4: {  	v8 =	vsel vm2, $0x16, v8;
	v34 =	vld.idx.msk [tilespmem:v30+s2+$0x0], $0xffff;
	v30 =	vimm.s32 $0x0;
	v10 =	vsel vm6, v6, v10  }
0x2a5: {  	v6 =	vsel vm6, v29, v6;
	v7 =	vsel vm13, $0x17, v7;
	v29 =	vld.idx.msk [tilespmem:v22+s2+$0x0], $0xffff;
	v22 =	vimm.s32 $0x0  }
0x2a6: {  	vm7 =	vgt.f32 v32, v10;
	v7 =	vsel vm3, v8, v7;
	v8 =	vsel vm3, $0x17, v8  }
0x2a7: {  	v9 =	vsel vm7, $0xFFFFFFFF, v38;
	v10 =	vsel vm7, v32, v10;
	vm7 =	vgt.f32 v32, v6  }
0x2a8: {  	v7 =	vsel vm14, $0x18, v7;
	v38 =	vor.u32 $0x2E, v5;
	v10 =	vsel vm7, v6, v10  }
0x2a9: {  	v6 =	vsel vm7, v32, v6;
	v7 =	vsel vm4, v8, v7;
	vm8 =	vgt.f32 v36, v10  }
0x2aa: {  	v44 =	vld.idx.msk [tilespmem:v37+s2+$0x0], $0xffff;
	v11 =	vsel vm8, $0xFFFFFFFF, v42;
	v10 =	vsel vm8, v36, v10;
	vm8 =	vgt.f32 v36, v6  }
0x2ab: {  	[tilespmem:$0x1FBF0] =	vst v12;
	v8 =	vsel vm4, $0x18, v8;
	v32 =	vor.u32 $0x2C, v5;
	v10 =	vsel vm8, v6, v10  }
0x2ac: {  	v61 =	vld [tilespmem:$0x1FBF0];
	[tilespmem:$0x1FC00] =	vst v9;
	v7 =	vsel vm15, $0x19, v7;
	v6 =	vsel vm8, v36, v6;
	vm9 =	vgt.f32 v40, v10  }
0x2ad: {  	v16 =	vld [tilespmem:$0x1FC00];
	v12 =	vsel vm9, $0xFFFFFFFF, v46;
	v10 =	vsel vm9, v40, v10;
	vm9 =	vgt.f32 v40, v6  }
0x2ae: {  	v7 =	vsel vm5, v8, v7;
	v8 =	vsel vm5, $0x19, v8;
	v10 =	vsel vm9, v6, v10  }
0x2af: {  	v42 =	vimm.s32 $0x0;
	[tilespmem:$0x1FC10] =	vst v11;
	v6 =	vsel vm9, v40, v6;
	vm10 =	vgt.f32 v44, v10  }
0x2b0: {  	v36 =	vimm.s32 $0x0;
	v20 =	vld [tilespmem:$0x1FC10];
	vm0 =	vgt.f32 v44, v6;
	v10 =	vsel vm10, v44, v10  }
0x2b1: {  	v9 =	vsel vm10, $0xFFFFFFFF, v50;
	vm10 =	vnez.u8 v61;
	v10 =	vsel vm0, v6, v10  }
0x2b2: {  	[tilespmem:$0x1FC20] =	vst v12;
	v6 =	vsel vm0, v44, v6;
	v7 =	vsel vm10, $0x1A, v7;
	vm10 =	vnez.u8 v16  }
0x2b3: {  	v24 =	vld [tilespmem:$0x1FC20];
	v44 =	vor.u32 $0x30, v5;
	vm11 =	vgt.f32 v48, v10;
	vm1 =	vgt.f32 v48, v6  }
0x2b4: {  	v7 =	vsel vm6, v8, v7;
	v8 =	vsel vm6, $0x1A, v8;
	v10 =	vsel vm11, v48, v10  }
0x2b5: {  	v53 =	vld.idx.msk [tilespmem:v49+s2+$0x0], $0xffff;
	v7 =	vsel vm10, $0x1B, v7;
	vm10 =	vnez.u8 v20;
	v10 =	vsel vm1, v6, v10  }
0x2b6: {  	[tilespmem:$0x1FC30] =	vst v9;
	v6 =	vsel vm1, v48, v6;
	v7 =	vsel vm7, v8, v7;
	v8 =	vsel vm7, $0x1B, v8  }
0x2b7: {  	v28 =	vld [tilespmem:$0x1FC30];
	v48 =	vor.u32 $0x31, v5;
	vm12 =	vgt.f32 v51, v10;
	vm2 =	vgt.f32 v51, v6  }
0x2b8: {  	v7 =	vsel vm10, $0x1C, v7;
	vm10 =	vnez.u8 v24;
	v10 =	vsel vm12, v51, v10  }
0x2b9: {  	v7 =	vsel vm8, v8, v7;
	v8 =	vsel vm8, $0x1C, v8;
	v10 =	vsel vm2, v6, v10  }
0x2ba: {  	v50 =	vld.idx.msk [tilespmem:v44+s2+$0x0], $0xffff;
	v44 =	vor.u32 $0x3D, v5;
	v6 =	vsel vm2, v51, v6;
	vm13 =	vgt.f32 v53, v10  }
0x2bb: {  	v57 =	vld.idx.msk [tilespmem:v54+s2+$0x0], $0xffff;
	v7 =	vsel vm10, $0x1D, v7;
	vm3 =	vgt.f32 v53, v6;
	v10 =	vsel vm13, v53, v10  }
0x2bc: {  	vm10 =	vnez.u8 v28;
	v7 =	vsel vm9, v8, v7;
	v10 =	vsel vm3, v6, v10  }
0x2bd: {  	v8 =	vsel vm9, $0x1D, v8;
	v6 =	vsel vm3, v53, v6;
	vm14 =	vgt.f32 v55, v10  }
0x2be: {  	v7 =	vsel vm10, $0x1E, v7;
	vm4 =	vgt.f32 v55, v6;
	v10 =	vsel vm14, v55, v10  }
0x2bf: {  	v51 =	vor.u32 $0x32, v5;
	v7 =	vsel vm0, v8, v7;
	v10 =	vsel vm4, v6, v10  }
0x2c0: {  	v8 =	vsel vm0, $0x1E, v8;
	v6 =	vsel vm4, v55, v6;
	vm15 =	vgt.f32 v57, v10  }
0x2c1: {  	v62 =	vld.idx.msk [tilespmem:v58+s2+$0x0], $0xffff;
	v7 =	vsel vm11, $0x1F, v7;
	vm5 =	vgt.f32 v57, v6;
	v10 =	vsel vm15, v57, v10  }
0x2c2: {  	v7 =	vsel vm1, v8, v7;
	v8 =	vsel vm1, $0x1F, v8;
	v10 =	vsel vm5, v6, v10  }
0x2c3: {  	v7 =	vsel vm12, $0x20, v7;
	v6 =	vsel vm5, v57, v6;
	vm6 =	vgt.f32 v59, v10  }
0x2c4: {  	v9 =	vsel vm6, $0xFFFFFFFF, v15;
	v10 =	vsel vm6, v59, v10;
	vm6 =	vgt.f32 v59, v6  }
0x2c5: {  	v7 =	vsel vm2, v8, v7;
	v8 =	vsel vm2, $0x20, v8;
	v10 =	vsel vm6, v6, v10  }
0x2c6: {  	v7 =	vsel vm13, $0x21, v7;
	v6 =	vsel vm6, v59, v6;
	vm7 =	vgt.f32 v62, v10  }
0x2c7: {  	v11 =	vsel vm7, $0xFFFFFFFF, v19;
	v10 =	vsel vm7, v62, v10;
	vm7 =	vgt.f32 v62, v6  }
0x2c8: {  	v7 =	vsel vm3, v8, v7;
	v8 =	vsel vm3, $0x21, v8;
	v10 =	vsel vm7, v6, v10  }
0x2c9: {  	v7 =	vsel vm14, $0x22, v7;
	v6 =	vsel vm7, v62, v6;
	vm8 =	vgt.f32 v17, v10  }
0x2ca: {  	v12 =	vsel vm8, $0xFFFFFFFF, v23;
	v10 =	vsel vm8, v17, v10;
	vm8 =	vgt.f32 v17, v6  }
0x2cb: {  	v55 =	vor.u32 $0x33, v5;
	v7 =	vsel vm4, v8, v7;
	v10 =	vsel vm8, v6, v10  }
0x2cc: {  	v8 =	vsel vm4, $0x22, v8;
	v6 =	vsel vm8, v17, v6;
	vm9 =	vgt.f32 v21, v10  }
0x2cd: {  	[tilespmem:$0x1FC40] =	vst v9;
	v9 =	vsel vm9, $0xFFFFFFFF, v27;
	v10 =	vsel vm9, v21, v10;
	vm9 =	vgt.f32 v21, v6  }
0x2ce: {  	v7 =	vsel vm15, $0x23, v7;
	v59 =	vor.u32 $0x34, v5;
	v10 =	vsel vm9, v6, v10  }
0x2cf: {  	v7 =	vsel vm5, v8, v7;
	v6 =	vsel vm9, v21, v6;
	vm10 =	vgt.f32 v25, v10  }
0x2d0: {  	v8 =	vsel vm5, $0x23, v8;
	vm0 =	vgt.f32 v25, v6;
	v10 =	vsel vm10, v25, v10  }
0x2d1: {  	v46 =	vld [tilespmem:$0x1FC40];
	v62 =	vor.u32 $0x35, v5;
	v21 =	vor.u32 $0x37, v5;
	v10 =	vsel vm0, v6, v10  }
0x2d2: {  	[tilespmem:$0x1FC60] =	vst v12;
	v6 =	vsel vm0, v25, v6;
	v25 =	vor.u32 $0x38, v5;
	vm11 =	vgt.f32 v29, v10  }
0x2d3: {  	v53 =	vld [tilespmem:$0x1FC60];
	vm1 =	vgt.f32 v29, v6;
	v12 =	vsel vm11, $0xFFFFFFFF, v33;
	v10 =	vsel vm11, v29, v10  }
0x2d4: {  	[tilespmem:$0x1FC50] =	vst v11;
	v33 =	vor.u32 $0x3A, v5;
	v10 =	vsel vm1, v6, v10;
	v6 =	vsel vm1, v29, v6  }
0x2d5: {  	v49 =	vld [tilespmem:$0x1FC50];
	v29 =	vor.u32 $0x39, v5;
	vm12 =	vgt.f32 v31, v10;
	vm2 =	vgt.f32 v31, v6  }
0x2d6: {  	[tilespmem:$0x1FC70] =	vst v9;
	v9 =	vsel vm12, $0xFFFFFFFF, v36;
	v10 =	vsel vm12, v31, v10;
	vm12 =	vnez.u8 v46  }
0x2d7: {  	v37 =	vld.idx.msk [tilespmem:v32+s2+$0x0], $0xffff;
	v36 =	vor.u32 $0x3B, v5;
	v10 =	vsel vm2, v6, v10;
	v6 =	vsel vm2, v31, v6  }
0x2d8: {  	v7 =	vsel vm12, $0x24, v7;
	vm12 =	vnez.u8 v53;
	vm13 =	vgt.f32 v34, v10  }
0x2d9: {  	vm3 =	vgt.f32 v34, v6;
	v7 =	vsel vm6, v8, v7;
	v8 =	vsel vm6, $0x24, v8  }
0x2da: {  	v11 =	vsel vm13, $0xFFFFFFFF, v39;
	v10 =	vsel vm13, v34, v10;
	vm13 =	vnez.u8 v49  }
0x2db: {  	v40 =	vld.idx.msk [tilespmem:v35+s2+$0x0], $0xffff;
	v10 =	vsel vm3, v6, v10;
	v6 =	vsel vm3, v34, v6;
	v7 =	vsel vm13, $0x25, v7  }
0x2dc: {  	v57 =	vld [tilespmem:$0x1FC70];
	v34 =	vimm.s32 $0x0;
	vm14 =	vgt.f32 v37, v10;
	vm4 =	vgt.f32 v37, v6  }
0x2dd: {  	v43 =	vld.idx.msk [tilespmem:v38+s2+$0x0], $0xffff;
	[tilespmem:$0x1FC80] =	vst v12;
	v7 =	vsel vm7, v8, v7;
	v8 =	vsel vm7, $0x25, v8;
	v10 =	vsel vm14, v37, v10  }
0x2de: {  	v16 =	vld [tilespmem:$0x1FC80];
	v12 =	vsel vm14, $0xFFFFFFFF, v42;
	v7 =	vsel vm12, $0x26, v7;
	v10 =	vsel vm4, v6, v10  }
0x2df: {  	v6 =	vsel vm4, v37, v6;
	v7 =	vsel vm8, v8, v7;
	v8 =	vsel vm8, $0x26, v8  }
0x2e0: {  	v37 =	vimm.s32 $0x0;
	vm15 =	vgt.f32 v40, v10;
	vm5 =	vgt.f32 v40, v6  }
0x2e1: {  	[tilespmem:$0x1FC90] =	vst v9;
	v9 =	vsel vm15, $0xFFFFFFFF, v45;
	v10 =	vsel vm15, v40, v10;
	vm15 =	vnez.u8 v57  }
0x2e2: {  	v10 =	vsel vm5, v6, v10;
	v6 =	vsel vm5, v40, v6;
	v7 =	vsel vm15, $0x27, v7  }
0x2e3: {  	vm15 =	vnez.u8 v16;
	v40 =	vor.u32 $0x3C, v5;
	vm6 =	vgt.f32 v43, v10  }
0x2e4: {  	vm11 =	vgt.f32 v43, v6;
	v7 =	vsel vm9, v8, v7;
	v10 =	vsel vm6, v43, v10  }
0x2e5: {  	[tilespmem:$0x1FCB0] =	vst v12;
	v8 =	vsel vm9, $0x27, v8;
	v7 =	vsel vm10, $0x28, v7;
	v10 =	vsel vm11, v6, v10  }
0x2e6: {  	v27 =	vld [tilespmem:$0x1FCB0];
	v6 =	vsel vm11, v43, v6;
	v7 =	vsel vm0, v8, v7;
	vm7 =	vgt.f32 v47, v10  }
0x2e7: {  	v54 =	vld.idx.msk [tilespmem:v48+s2+$0x0], $0xffff;
	v8 =	vsel vm0, $0x28, v8;
	vm12 =	vgt.f32 v47, v6;
	v10 =	vsel vm7, v47, v10  }
0x2e8: {  	v58 =	vld.idx.msk [tilespmem:v51+s2+$0x0], $0xffff;
	v7 =	vsel vm15, $0x29, v7;
	v12 =	vsel vm7, $0xFFFFFFFF, v52;
	v10 =	vsel vm12, v6, v10  }
0x2e9: {  	v19 =	vld [tilespmem:$0x1FC90];
	[tilespmem:$0x1FCA0] =	vst v11;
	v7 =	vsel vm1, v8, v7;
	v6 =	vsel vm12, v47, v6;
	vm14 =	vgt.f32 v50, v10  }
0x2ea: {  	v23 =	vld [tilespmem:$0x1FCA0];
	v8 =	vsel vm1, $0x29, v8;
	vm13 =	vgt.f32 v50, v6;
	v10 =	vsel vm14, v50, v10  }
0x2eb: {  	vm7 =	vnez.u8 v27;
	v47 =	vor.u32 $0x3E, v5;
	v10 =	vsel vm13, v6, v10  }
0x2ec: {  	[tilespmem:$0x1FCC0] =	vst v9;
	v9 =	vsel vm14, $0xFFFFFFFF, v56;
	v6 =	vsel vm13, v50, v6;
	vm9 =	vgt.f32 v54, v10  }
0x2ed: {  	vm14 =	vgt.f32 v54, v6;
	v11 =	vsel vm9, $0xFFFFFFFF, v60;
	v10 =	vsel vm9, v54, v10  }
0x2ee: {  	v61 =	vld.idx.msk [tilespmem:v55+s2+$0x0], $0xffff;
	vm9 =	vnez.u8 v19;
	v10 =	vsel vm14, v6, v10;
	v6 =	vsel vm14, v54, v6  }
0x2ef: {  	v7 =	vsel vm9, $0x2A, v7;
	vm9 =	vnez.u8 v23;
	vm10 =	vgt.f32 v58, v10  }
0x2f0: {  	v31 =	vld [tilespmem:$0x1FCC0];
	[tilespmem:$0x1FCD0] =	vst v12;
	vm15 =	vgt.f32 v58, v6;
	v7 =	vsel vm2, v8, v7;
	v8 =	vsel vm2, $0x2A, v8  }
0x2f1: {  	v17 =	vld.idx.msk [tilespmem:v59+s2+$0x0], $0xffff;
	[tilespmem:$0x1FCF0] =	vst v11;
	v12 =	vsel vm10, $0xFFFFFFFF, v63;
	v10 =	vsel vm10, v58, v10;
	v7 =	vsel vm9, $0x2B, v7  }
0x2f2: {  	v45 =	vld [tilespmem:$0x1FCF0];
	v10 =	vsel vm15, v6, v10;
	v6 =	vsel vm15, v58, v6;
	v7 =	vsel vm3, v8, v7  }
0x2f3: {  	v8 =	vsel vm3, $0x2B, v8;
	vm1 =	vgt.f32 v61, v10;
	v7 =	vsel vm7, $0x2C, v7  }
0x2f4: {  	v20 =	vld.idx.msk [tilespmem:v62+s2+$0x0], $0xffff;
	vm0 =	vgt.f32 v61, v6;
	v10 =	vsel vm1, v61, v10;
	v7 =	vsel vm4, v8, v7  }
0x2f5: {  	v8 =	vsel vm4, $0x2C, v8;
	vm4 =	vnez.u8 v31;
	v10 =	vsel vm0, v6, v10  }
0x2f6: {  	v38 =	vld [tilespmem:$0x1FCD0];
	v6 =	vsel vm0, v61, v6;
	v7 =	vsel vm4, $0x2D, v7;
	vm10 =	vgt.f32 v17, v10  }
0x2f7: {  	v24 =	vld.idx.msk [tilespmem:v18+s2+$0x0], $0xffff;
	vm4 =	vnez.u8 v45;
	vm9 =	vgt.f32 v17, v6;
	v10 =	vsel vm10, v17, v10  }
0x2f8: {  	v7 =	vsel vm5, v8, v7;
	v8 =	vsel vm5, $0x2D, v8;
	v10 =	vsel vm9, v6, v10  }
0x2f9: {  	v11 =	vsel vm10, $0xFFFFFFFF, v22;
	v6 =	vsel vm9, v17, v6;
	vm10 =	vgt.f32 v20, v10  }
0x2fa: {  	v28 =	vld.idx.msk [tilespmem:v21+s2+$0x0], $0xffff;
	[tilespmem:$0x1FD00] =	vst v12;
	v12 =	vsel vm10, $0xFFFFFFFF, v26;
	v10 =	vsel vm10, v20, v10;
	vm10 =	vgt.f32 v20, v6  }
0x2fb: {  	[tilespmem:$0x1FCE0] =	vst v9;
	v7 =	vsel vm6, $0x2E, v7;
	vm6 =	vnez.u8 v38;
	v10 =	vsel vm10, v6, v10  }
0x2fc: {  	v42 =	vld [tilespmem:$0x1FCE0];
	v7 =	vsel vm11, v8, v7;
	v6 =	vsel vm10, v20, v6;
	vm8 =	vgt.f32 v24, v10  }
0x2fd: {  	v32 =	vld.idx.msk [tilespmem:v25+s2+$0x0], $0xffff;
	v9 =	vsel vm8, $0xFFFFFFFF, v30;
	v10 =	vsel vm8, v24, v10;
	vm8 =	vgt.f32 v24, v6  }
0x2fe: {  	v8 =	vsel vm11, $0x2E, v8;
	v7 =	vsel vm6, $0x2F, v7;
	v10 =	vsel vm8, v6, v10  }
0x2ff: {  	v7 =	vsel vm12, v8, v7;
	v6 =	vsel vm8, v24, v6;
	vm7 =	vgt.f32 v28, v10  }
0x300: {  	v35 =	vld.idx.msk [tilespmem:v29+s2+$0x0], $0xffff;
	[tilespmem:$0x1FD10] =	vst v11;
	v11 =	vsel vm7, $0xFFFFFFFF, v34;
	v10 =	vsel vm7, v28, v10;
	vm7 =	vgt.f32 v28, v6  }
0x301: {  	v8 =	vsel vm12, $0x2F, v8;
	vm12 =	vnez.u8 v42;
	v10 =	vsel vm7, v6, v10  }
0x302: {  	v39 =	vld.idx.msk [tilespmem:v33+s2+$0x0], $0xffff;
	v7 =	vsel vm12, $0x30, v7;
	v6 =	vsel vm7, v28, v6;
	vm11 =	vgt.f32 v32, v10  }
0x303: {  	v48 =	vld [tilespmem:$0x1FD00];
	v7 =	vsel vm13, v8, v7;
	vm6 =	vgt.f32 v32, v6;
	v10 =	vsel vm11, v32, v10  }
0x304: {  	v8 =	vsel vm13, $0x30, v8;
	v7 =	vsel vm4, $0x31, v7;
	v10 =	vsel vm6, v6, v10  }
0x305: {  	[tilespmem:$0x1FD20] =	vst v12;
	v12 =	vsel vm11, $0xFFFFFFFF, v37;
	v6 =	vsel vm6, v32, v6;
	vm11 =	vgt.f32 v35, v10  }
0x306: {  	v43 =	vld.idx.msk [tilespmem:v36+s2+$0x0], $0xffff;
	v7 =	vsel vm14, v8, v7;
	vm5 =	vgt.f32 v35, v6;
	v10 =	vsel vm11, v35, v10  }
0x307: {  	[tilespmem:$0x1FD30] =	vst v9;
	v8 =	vsel vm14, $0x31, v8;
	v9 =	vsel vm11, $0xFFFFFFFF, v41;
	v10 =	vsel vm5, v6, v10  }
0x308: {  	v51 =	vld [tilespmem:$0x1FD10];
	vm11 =	vnez.u8 v48;
	v6 =	vsel vm5, v35, v6;
	vm13 =	vgt.f32 v39, v10  }
0x309: {  	v46 =	vld.idx.msk [tilespmem:v40+s2+$0x0], $0xffff;
	v7 =	vsel vm11, $0x32, v7;
	vm4 =	vgt.f32 v39, v6;
	v10 =	vsel vm13, v39, v10  }
0x30a: {  	v5 =	vor.u32 $0x3F, v5;
	v7 =	vsel vm15, v8, v7;
	v10 =	vsel vm4, v6, v10  }
0x30b: {  	v8 =	vsel vm15, $0x32, v8;
	v6 =	vsel vm4, v39, v6;
	vm14 =	vgt.f32 v43, v10  }
0x30c: {  	v49 =	vld.idx.msk [tilespmem:v44+s2+$0x0], $0xffff;
	v7 =	vsel vm1, $0x33, v7;
	vm3 =	vgt.f32 v43, v6;
	v10 =	vsel vm14, v43, v10  }
0x30d: {  	v52 =	vld [tilespmem:$0x1FD20];
	vm12 =	vnez.u8 v51;
	v7 =	vsel vm0, v8, v7;
	v10 =	vsel vm3, v6, v10  }
0x30e: {  	v53 =	vld [tilespmem:$0x1FD30];
	v8 =	vsel vm0, $0x33, v8;
	v6 =	vsel vm3, v43, v6;
	vm11 =	vgt.f32 v46, v10  }
0x30f: {  	v50 =	vld.idx.msk [tilespmem:v47+s2+$0x0], $0xffff;
	v7 =	vsel vm12, $0x34, v7;
	vm2 =	vgt.f32 v46, v6;
	v10 =	vsel vm11, v46, v10  }
0x310: {  	[tilespmem:$0x1FD40] =	vst v11;
	v7 =	vsel vm9, v8, v7;
	v10 =	vsel vm2, v6, v10  }
0x311: {  	v55 =	vld [tilespmem:$0x1FD40];
	v8 =	vsel vm9, $0x34, v8;
	v6 =	vsel vm2, v46, v6;
	vm15 =	vgt.f32 v49, v10  }
0x312: {  	v5 =	vld.idx.msk [tilespmem:v5+s2+$0x0], $0xffff;
	vm9 =	vnez.u8 v52;
	vm1 =	vgt.f32 v49, v6;
	v10 =	vsel vm15, v49, v10  }
0x313: {  	vm12 =	vnez.u8 v53;
	v7 =	vsel vm9, $0x35, v7;
	v10 =	vsel vm1, v6, v10  }
0x314: {  	[tilespmem:$0x1FD50] =	vst v12;
	v7 =	vsel vm10, v8, v7;
	v6 =	vsel vm1, v49, v6;
	vm9 =	vgt.f32 v50, v10  }
0x315: {  	v58 =	vld [tilespmem:$0x1FD50];
	v8 =	vsel vm10, $0x35, v8;
	vm0 =	vgt.f32 v50, v6;
	v10 =	vsel vm9, v50, v10  }
0x316: {  	[tilespmem:$0x1FD60] =	vst v9;
	v7 =	vsel vm12, $0x36, v7;
	vm12 =	vnez.u8 v55;
	v10 =	vsel vm0, v6, v10  }
0x317: {  	v59 =	vld [tilespmem:$0x1FD60];
	v7 =	vsel vm8, v8, v7;
	v6 =	vsel vm0, v50, v6;
	vm10 =	vgt.f32 v5, v10  }
0x318: {  	v8 =	vsel vm8, $0x36, v8;
	vm8 =	vgt.f32 v5, v6;
	v54 =	vsel vm10, v5, v10  }
0x319: {  	v7 =	vsel vm12, $0x37, v7;
	v5 =	vsel vm8, v5, v6;
	v9 =	vsel vm8, v6, v54  }
0x31a: {  	vm12 =	vnez.u8 v58;
	v56 =	vsel vm7, v8, v7;
	v57 =	vadd.f32 v9, v5  }
0x31b: {  	v8 =	vsel vm7, $0x37, v8;
	v6 =	vsel vm12, $0x38, v56  }
0x31c: {  	vm12 =	vnez.u8 v59;
	v6 =	vsel vm6, v8, v6;
	v7 =	vadd.f32 $9.999999710e-10, v57  }
0x31d: {  	v8 =	vsel vm6, $0x38, v8;
	v6 =	vsel vm12, $0x39, v6  }
0x31e: {  	v6 =	vsel vm5, v8, v6;
	(erf) = vrcp.f32 v7  }
0x31f: {  	v60 =	vsel vm5, $0x39, v8;
	v6 =	vsel vm13, $0x3A, v6  }
0x320: {  	v6 =	vsel vm4, v60, v6  }
0x321: {  	v7 =	vsel vm4, $0x3A, v60;
	v6 =	vsel vm14, $0x3B, v6  }
0x322: {  	v6 =	vsel vm3, v7, v6  }
0x323: {  	v7 =	vsel vm3, $0x3B, v7;
	v6 =	vsel vm11, $0x3C, v6  }
0x324: {  	v6 =	vsel vm2, v7, v6  }
0x325: {  	v4 =	vshll.u32 v4, $0x1;
	v7 =	vsel vm2, $0x3C, v7;
	v6 =	vsel vm15, $0x3D, v6  }
0x326: {  	v61 =	vor.u32 $0x1, v4;
	v6 =	vsel vm1, v7, v6  }
0x327: {  	v7 =	vsel vm1, $0x3D, v7;
	v6 =	vsel vm9, $0x3E, v6;
	v62 =	vpop (erf)  }
0x328: {  	v6 =	vsel vm0, v7, v6;
	v7 =	vsel vm0, $0x3E, v7;
	v5 =	vmul.f32 v62, v5  }
0x329: {  	v6 =	vsel vm10, $0x3F, v6;
	v63 =	vsel vm8, $0x3F, v7;
	v9 =	vmul.f32 v62, v9  }
0x32a: {  	v6 =	vsel vm8, v7, v6;
	[tilespmem:v4+s9+$0x0] =	vst.idx.msk $0xffff, v5  }
0x32b: {  	[tilespmem:v61+s9+$0x0] =	vst.idx.msk $0xffff, v9  }
0x32c: {  	[tilespmem:v4+s10+$0x0] =	vst.idx.msk $0xffff, v63  }
0x32d: {  	[tilespmem:v61+s10+$0x0] =	vst.idx.msk $0xffff, v6  }
0x32e: {  	[tilespmem:v63+s11+$0x0] =	vst.idx.add.f32.msk $0xffff, v3  }
0x32f: {  	[tilespmem:v6+s11+$0x0] =	vst.idx.add.f32.msk $0xffff, v3  }
0x330: {  	[hbm4b:s4+s2] =	stream.linear.scatter [tilespmem:s9], [sflag:$0x1], $0x400, $0x38;
	[tilespmem:$0x8880] =	vst v63  }
0x331: {  	_ =	swait.ge [sflag:s8], $0x400  }
0x332: {  	[sflag:s8] =	ssyncset.done $0x0  }
0x333: {  	[sflag:s8] =	ssyncadd.s32 $0xFFFFFC00  }
0x334: {  	[hbm4b:s5+s2] =	stream.linear.scatter [tilespmem:s10], [sflag:$0x1], $0x400, $0x38;
	[tilespmem:$0x8880] =	vst v63  }
0x335: {  	s12 =	sadd.s32 $0x1, s12;
	_ =	swait.ge [sflag:s8], $0x400  }
0x336: {  	p0 =	sne.s32 s12, s7;
	[sflag:s8] =	ssyncset.done $0x0  }
.Ltmp1:
0x337: {  	[sflag:s8] =	ssyncadd.s32 $0xFFFFFC00;
	(pc) =	sbr.rel @p0 .LBB2_1-.Ltmp1, $4  }
0x338: {  	[hbm4b:s6+s2] =	stream.linear.scatter [tilespmem:s11], [sflag:$0x1], $0x80, $0x38;
	[tilespmem:$0x8880] =	vst v63  }
0x339: {  	_ =	swait.ge [sflag:s8], $0x80  }
0x33a: {  	[sflag:s8] =	ssyncset.done $0x0  }
0x33b: {  	[sflag:s8] =	ssyncadd.s32 $0xFFFFFF80  }
0x33c: {  	_ =	sfence.sel $0x180000  }
0x33d: {  	[bflag:$0x0] =	sbarrier.arrive $0xFFFF  }
0x33e: {  	p0 =	sne.s32 s1, $0x0;
	_ =	strace $0x90000047  }
0x33f: {  	s0 =	sadd.s32 @!p0 $0x100000, s0;
	[bflag:$0x2] =	sbarrier.arrive $0xFFFF  }
0x340: {  	[sflag:s0] =	ssyncadd.tile.s32 @!p0 $0x1;
	_ =	shalt  }
.Lfunc_end2:
_tile_overlayer_lowered:
.L_overlay_start_2:
0x341: {  	(tag) =	ssettag $0x2  }
0x342: {  	s0 =	rddreg [dreg:$0x0];
	s2 =	stileid.u32  }
0x343: {  	s1 =	rddreg [dreg:$0x1];
	p0 =	sne.s32 s2, $0x0  }
0x344: {  	s3 =	rddreg [dreg:$0x2];
	[bflag:$0x3] =	sbarrier.arrive $0xFFFF;
	s2 =	simm.s32 @!p0 $0x1C01  }
0x345: {  	[timem:s3], [sflag:s2] =	dma.local @!p0 [hbm:s0], s1  }
0x346: {  	s0 =	simm.s32 @!p0 $0x1  }
0x347: {  	_ =	swait.ge @!p0 [sflag:s0], s1  }
0x348: {  	s1 =	ssub.s32 @!p0 $0x0, s1;
	[sflag:s0] =	ssyncset.done @!p0 $0x0  }
0x349: {  	[sflag:s0] =	ssyncadd.s32 @!p0 s1  }
0x34a: {  	[bflag:$0x3] =	sbarrier.arrive $0xFFFF  }
0x34b: {  	_ =	shalt  }

</sc_bundles>
